<compile_context>
chip_gen: v7x
topology: tpu7x:2x2x1
jax: 0.10.2.dev20260603
libtpu: 0.0.44.dev20260713+nightly
codegen_flags: <defaults>
</compile_context>

<pallas_src>
import functools

import jax
import jax.numpy as jnp
from jax import lax
from jax.experimental import pallas as pl
from jax.experimental.pallas import tpu as pltpu

try:
    from jax.experimental.pallas import tpu_sc as plsc
except ImportError:
    plsc = None

_DIM = 256
_K = 1024
_BN = 2048


def _tc_body(flat_ref, embed_ref, idx_ref, cn_ref, ii_ref):
    @pl.when(pl.program_id(0) == 0)
    def _():
        e = embed_ref[...]
        n = jnp.sqrt(jnp.sum(e * e, axis=1, keepdims=True))
        cn_ref[...] = (e / jnp.maximum(n, 1e-12)).astype(jnp.bfloat16)
        ii_ref[...] = lax.broadcasted_iota(jnp.int32, (_K, 128), 0).astype(
            jnp.float32
        )

    xt = flat_ref[...]
    xn = xt / jnp.maximum(
        jnp.sqrt(jnp.sum(xt * xt, axis=1, keepdims=True)), 1e-12
    )
    st = lax.dot_general(
        cn_ref[...],
        xn.astype(jnp.bfloat16),
        dimension_numbers=(((1,), (1,)), ((), ())),
        preferred_element_type=jnp.float32,
    )
    ii = ii_ref[...]
    outs = []
    for c in range(_BN // 128):
        sl = slice(c * 128, (c + 1) * 128)
        val = st[:, sl]
        idxv = ii
        k = _K
        while k > 8:
            k //= 2
            keep = val[:k] >= val[k:]
            idxv = jnp.where(keep, idxv[:k], idxv[k:])
            val = jnp.maximum(val[:k], val[k:])
        m8 = jnp.max(val, axis=0, keepdims=True)
        outs.append(
            jnp.min(jnp.where(val >= m8, idxv, jnp.float32(_K)), axis=0)
        )
    idx_ref[0, 0, :] = jnp.concatenate(outs).astype(jnp.int32)


def _tc_argmax(flat, embed):
    n = flat.shape[0]
    grid = n // _BN
    out = pl.pallas_call(
        _tc_body,
        grid=(grid,),
        in_specs=[
            pl.BlockSpec((_BN, _DIM), lambda i: (i, 0)),
            pl.BlockSpec((_K, _DIM), lambda i: (0, 0)),
        ],
        out_specs=pl.BlockSpec((1, 1, _BN), lambda i: (i, 0, 0)),
        out_shape=jax.ShapeDtypeStruct((grid, 1, _BN), jnp.int32),
        scratch_shapes=[
            pltpu.VMEM((_K, _DIM), jnp.bfloat16),
            pltpu.VMEM((_K, 128), jnp.float32),
        ],
    )(flat, embed)
    return out.reshape(n)


def _sc_gather(embed, idx_flat):
    b = idx_flat.shape[0]
    d = embed.shape[1]
    nc, ns = 2, 16
    nw = nc * ns
    bpw = b // nw
    chunk = 128
    nch = bpw // chunk
    idx3 = idx_flat.reshape(nw, nch, chunk)
    mesh = plsc.VectorSubcoreMesh(core_axis_name="c", subcore_axis_name="s")

    @functools.partial(
        pl.kernel,
        out_type=jax.ShapeDtypeStruct((b, d), jnp.float32),
        mesh=mesh,
        scratch_types=[
            pltpu.VMEM((nch, chunk), jnp.int32),
            pltpu.VMEM((chunk, d), jnp.float32),
            pltpu.VMEM((chunk, d), jnp.float32),
            pltpu.SemaphoreType.DMA,
            pltpu.SemaphoreType.DMA,
        ],
    )
    def k(table_hbm, idx_hbm, out_hbm, idx_v, rows0, rows1, sem0, sem1):
        wid = lax.axis_index("s") * nc + lax.axis_index("c")
        base = wid * bpw
        pltpu.sync_copy(idx_hbm.at[wid], idx_v)
        rows = (rows0, rows1)
        sems = (sem0, sem1)
        cps = [pltpu.async_copy(table_hbm.at[idx_v.at[0]], rows0, sem0)]
        for j in range(nch):
            if j + 1 < nch:
                cps.append(
                    pltpu.async_copy(
                        table_hbm.at[idx_v.at[j + 1]],
                        rows[(j + 1) % 2],
                        sems[(j + 1) % 2],
                    )
                )
            cps[j].wait()
            pltpu.sync_copy(rows[j % 2], out_hbm.at[pl.ds(base + j * chunk, chunk)])

    return k(embed, idx3)


def kernel(x, embed):
    shape = x.shape
    flat = x.reshape(-1, shape[-1])
    idx = _tc_argmax(flat, embed)
    quantized = _sc_gather(embed, idx)
    return quantized.reshape(shape), idx.reshape(shape[:-1])

# --- scband reference (transcript-rebuilt; emitter-appended) ---
"""Pipeline reference for scband-euclidean-codebook-1133871366375 (READ-ONLY COPY).

The authoritative reference and input builder live on the scoring server;
editing this copy changes nothing except your own understanding.
"""

import jax, jax.numpy as jnp
import numpy as np

DIM = 256
CODEBOOK_SIZE = 1024

def _l2_normalize(v, axis=-1, eps=1e-12):
    n = jnp.linalg.norm(v, axis=axis, keepdims=True)
    return v / jnp.clip(n, eps)

def setup_inputs(seed: int = 0) -> dict:
    key = jax.random.key(seed)
    k1, k2 = jax.random.split(key)
    x = jax.random.normal(k1, (32, 1024, DIM), dtype=jnp.float32)
    # kaiming_uniform_ init for the codebook buffer: bound = sqrt(2) * sqrt(3 / fan_in)
    bound = float(np.sqrt(2.0) * np.sqrt(3.0 / DIM))
    embed = jax.random.uniform(k2, (CODEBOOK_SIZE, DIM), dtype=jnp.float32, minval=-bound, maxval=bound)
    return {"x": x, "embed": embed}

def reference(x, embed):
    # EuclideanCodebook.forward (eval mode: inited=True, no EMA updates)
    shape = x.shape
    flat = x.reshape(-1, shape[-1])                      # preprocess: (...) d
    # quantize: cosine similarity between normalized x and normalized codebook
    xn = _l2_normalize(flat, axis=1)
    cn = _l2_normalize(embed, axis=1)
    sim = xn @ cn.T                                      # [N, K]
    embed_ind_flat = jnp.argmax(sim, axis=-1)            # [N]
    embed_ind = embed_ind_flat.reshape(shape[:-1])       # postprocess_emb
    quantized = jnp.take(embed, embed_ind, axis=0)       # dequantize: F.embedding
    return quantized, embed_ind

if __name__ == "__main__":
    import jax
    _d = setup_inputs()
    print(jax.jit(kernel)(*tuple(_d.values())))

</pallas_src>

<mosaic_0001>
#map = affine_map<(d0, d1) -> (0, 0)>
#map1 = affine_map<(d0, d1) -> (0, 0, 0)>
module attributes {stable_mosaic.version = 14 : i64} {
  func.func @k(%arg0: i32, %arg1: i32, %arg2: memref<1024x256xf32, #tpu.memory_space<hbm>>, %arg3: memref<32x8x128xi32, #tpu.memory_space<hbm>>, %arg4: memref<32768x256xf32, #tpu.memory_space<hbm>>, %arg5: memref<8x128xi32, #tpu.memory_space<vmem>>, %arg6: memref<128x256xf32, #tpu.memory_space<vmem>>, %arg7: memref<128x256xf32, #tpu.memory_space<vmem>>, %arg8: memref<!tpu.dma_semaphore, #tpu.memory_space<semaphore_mem>>, %arg9: memref<!tpu.dma_semaphore, #tpu.memory_space<semaphore_mem>>) attributes {dimension_semantics = [#tpu.dimension_semantics<core_parallel>, #tpu.dimension_semantics<subcore_parallel>], iteration_bounds = array<i64: 2, 16>, scalar_prefetch = 0 : i64, scratch_operands = 5 : i64, tpu.core_type = #tpu.core_type<sc_vector_subcore>, window_params = [{transform_indices = #map}, {transform_indices = #map1}, {transform_indices = #map}]} {
    %mul3A = arith.constant 2 : i32
    %mul3A_0 = arith.muli %arg1, %mul3A : i32
    %add3A = arith.addi %mul3A_0, %arg0 : i32
    %mul3A_1 = arith.constant 1024 : i32
    %mul3A_2 = arith.muli %add3A, %mul3A_1 : i32
    "tpu.region"() ({
      %run_scoped3A = tpu.sem_alloc : memref<!tpu.dma_semaphore, #tpu.memory_space<semaphore_mem>>
      %dma_start3A_129 = arith.constant 0 : i32
      %dma_start3A_130 = arith.constant 0 : i32
      %dma_start3A_131 = tpu.memref_slice %arg3[%add3A, %dma_start3A_129, %dma_start3A_130] : memref<32x8x128xi32, #tpu.memory_space<hbm>> -> memref<1x8x128xi32, #tpu.memory_space<hbm>>
      %dma_start3A_132 = tpu.memref_squeeze %dma_start3A_131 : memref<1x8x128xi32, #tpu.memory_space<hbm>> -> memref<8x128xi32, #tpu.memory_space<hbm>>
      %dma_start3A_133 = arith.constant 0 : i32
      %dma_start3A_134 = arith.constant 0 : i32
      %dma_start3A_135 = tpu.memref_slice %arg3[%add3A, %dma_start3A_133, %dma_start3A_134] : memref<32x8x128xi32, #tpu.memory_space<hbm>> -> memref<1x8x128xi32, #tpu.memory_space<hbm>>
      %dma_start3A_136 = tpu.memref_squeeze %dma_start3A_135 : memref<1x8x128xi32, #tpu.memory_space<hbm>> -> memref<8x128xi32, #tpu.memory_space<hbm>>
      tpu.enqueue_dma source(%dma_start3A_136 : memref<8x128xi32, #tpu.memory_space<hbm>>) target(%arg5 : memref<8x128xi32, #tpu.memory_space<vmem>>) target_semaphore(%run_scoped3A : memref<!tpu.dma_semaphore, #tpu.memory_space<semaphore_mem>>)
      %dma_wait3A_137 = arith.constant 0 : i32
      %dma_wait3A_138 = arith.constant 0 : i32
      %dma_wait3A_139 = tpu.memref_slice %arg3[%add3A, %dma_wait3A_137, %dma_wait3A_138] : memref<32x8x128xi32, #tpu.memory_space<hbm>> -> memref<1x8x128xi32, #tpu.memory_space<hbm>>
      %dma_wait3A_140 = tpu.memref_squeeze %dma_wait3A_139 : memref<1x8x128xi32, #tpu.memory_space<hbm>> -> memref<8x128xi32, #tpu.memory_space<hbm>>
      %dma_wait3A_141 = arith.constant 0 : i32
      %dma_wait3A_142 = arith.constant 0 : i32
      %dma_wait3A_143 = tpu.memref_slice %arg3[%add3A, %dma_wait3A_141, %dma_wait3A_142] : memref<32x8x128xi32, #tpu.memory_space<hbm>> -> memref<1x8x128xi32, #tpu.memory_space<hbm>>
      %dma_wait3A_144 = tpu.memref_squeeze %dma_wait3A_143 : memref<1x8x128xi32, #tpu.memory_space<hbm>> -> memref<8x128xi32, #tpu.memory_space<hbm>>
      tpu.wait_dma2 semaphore(%run_scoped3A : memref<!tpu.dma_semaphore, #tpu.memory_space<semaphore_mem>>) src(%dma_wait3A_144 : memref<8x128xi32, #tpu.memory_space<hbm>>) dst(%arg5 : memref<8x128xi32, #tpu.memory_space<vmem>>)
      tpu.yield
    }) : () -> ()
    %dma_start3A = arith.constant 0 : i32
    %dma_start3A_3 = arith.constant 0 : i32
    %dma_start3A_4 = tpu.memref_slice %arg5[%dma_start3A, %dma_start3A_3] : memref<8x128xi32, #tpu.memory_space<vmem>> -> memref<1x128xi32, #tpu.memory_space<vmem>>
    %dma_start3A_5 = tpu.memref_squeeze %dma_start3A_4 : memref<1x128xi32, #tpu.memory_space<vmem>> -> memref<128xi32, #tpu.memory_space<vmem>>
    %dma_start3A_6 = arith.constant 0 : i32
    %dma_start3A_7 = arith.constant 0 : i32
    %dma_start3A_8 = tpu.memref_slice %arg2[%dma_start3A_6, %dma_start3A_7] : memref<1024x256xf32, #tpu.memory_space<hbm>> -> memref<1024x256xf32, #tpu.memory_space<hbm>>
    tpu.enqueue_indirect_dma source(%dma_start3A_8 : memref<1024x256xf32, #tpu.memory_space<hbm>>) target(%arg6 : memref<128x256xf32, #tpu.memory_space<vmem>>) offsets(%dma_start3A_5 : memref<128xi32, #tpu.memory_space<vmem>>) semaphore(%arg8 : memref<!tpu.dma_semaphore, #tpu.memory_space<semaphore_mem>>)
    %dma_start3A_9 = arith.constant 1 : i32
    %dma_start3A_10 = arith.constant 0 : i32
    %dma_start3A_11 = tpu.memref_slice %arg5[%dma_start3A_9, %dma_start3A_10] : memref<8x128xi32, #tpu.memory_space<vmem>> -> memref<1x128xi32, #tpu.memory_space<vmem>>
    %dma_start3A_12 = tpu.memref_squeeze %dma_start3A_11 : memref<1x128xi32, #tpu.memory_space<vmem>> -> memref<128xi32, #tpu.memory_space<vmem>>
    %dma_start3A_13 = arith.constant 0 : i32
    %dma_start3A_14 = arith.constant 0 : i32
    %dma_start3A_15 = tpu.memref_slice %arg2[%dma_start3A_13, %dma_start3A_14] : memref<1024x256xf32, #tpu.memory_space<hbm>> -> memref<1024x256xf32, #tpu.memory_space<hbm>>
    tpu.enqueue_indirect_dma source(%dma_start3A_15 : memref<1024x256xf32, #tpu.memory_space<hbm>>) target(%arg7 : memref<128x256xf32, #tpu.memory_space<vmem>>) offsets(%dma_start3A_12 : memref<128xi32, #tpu.memory_space<vmem>>) semaphore(%arg9 : memref<!tpu.dma_semaphore, #tpu.memory_space<semaphore_mem>>)
    %dma_wait3A = arith.constant 0 : i32
    %dma_wait3A_16 = arith.constant 0 : i32
    %dma_wait3A_17 = tpu.memref_slice %arg5[%dma_wait3A, %dma_wait3A_16] : memref<8x128xi32, #tpu.memory_space<vmem>> -> memref<1x128xi32, #tpu.memory_space<vmem>>
    %dma_wait3A_18 = tpu.memref_squeeze %dma_wait3A_17 : memref<1x128xi32, #tpu.memory_space<vmem>> -> memref<128xi32, #tpu.memory_space<vmem>>
    %dma_wait3A_19 = arith.constant 0 : i32
    %dma_wait3A_20 = arith.constant 0 : i32
    %dma_wait3A_21 = tpu.memref_slice %arg2[%dma_wait3A_19, %dma_wait3A_20] : memref<1024x256xf32, #tpu.memory_space<hbm>> -> memref<1024x256xf32, #tpu.memory_space<hbm>>
    tpu.wait_indirect_dma semaphore(%arg8 : memref<!tpu.dma_semaphore, #tpu.memory_space<semaphore_mem>>) src(%dma_wait3A_21 : memref<1024x256xf32, #tpu.memory_space<hbm>>) dst(%arg6 : memref<128x256xf32, #tpu.memory_space<vmem>>)
    %add3A_22 = arith.constant 0 : i32
    %add3A_23 = arith.addi %mul3A_2, %add3A_22 : i32
    "tpu.region"() ({
      %run_scoped3A = tpu.sem_alloc : memref<!tpu.dma_semaphore, #tpu.memory_space<semaphore_mem>>
      %dma_start3A_129 = arith.constant 0 : i32
      %dma_start3A_130 = tpu.memref_slice %arg4[%add3A_23, %dma_start3A_129] : memref<32768x256xf32, #tpu.memory_space<hbm>> -> memref<128x256xf32, #tpu.memory_space<hbm>>
      %dma_start3A_131 = arith.constant 0 : i32
      %dma_start3A_132 = tpu.memref_slice %arg4[%add3A_23, %dma_start3A_131] : memref<32768x256xf32, #tpu.memory_space<hbm>> -> memref<128x256xf32, #tpu.memory_space<hbm>>
      tpu.enqueue_dma source(%arg6 : memref<128x256xf32, #tpu.memory_space<vmem>>) target(%dma_start3A_132 : memref<128x256xf32, #tpu.memory_space<hbm>>) target_semaphore(%run_scoped3A : memref<!tpu.dma_semaphore, #tpu.memory_space<semaphore_mem>>)
      %dma_wait3A_133 = arith.constant 0 : i32
      %dma_wait3A_134 = tpu.memref_slice %arg4[%add3A_23, %dma_wait3A_133] : memref<32768x256xf32, #tpu.memory_space<hbm>> -> memref<128x256xf32, #tpu.memory_space<hbm>>
      %dma_wait3A_135 = arith.constant 0 : i32
      %dma_wait3A_136 = tpu.memref_slice %arg4[%add3A_23, %dma_wait3A_135] : memref<32768x256xf32, #tpu.memory_space<hbm>> -> memref<128x256xf32, #tpu.memory_space<hbm>>
      tpu.wait_dma2 semaphore(%run_scoped3A : memref<!tpu.dma_semaphore, #tpu.memory_space<semaphore_mem>>) src(%arg6 : memref<128x256xf32, #tpu.memory_space<vmem>>) dst(%dma_wait3A_136 : memref<128x256xf32, #tpu.memory_space<hbm>>)
      tpu.yield
    }) : () -> ()
    %dma_start3A_24 = arith.constant 2 : i32
    %dma_start3A_25 = arith.constant 0 : i32
    %dma_start3A_26 = tpu.memref_slice %arg5[%dma_start3A_24, %dma_start3A_25] : memref<8x128xi32, #tpu.memory_space<vmem>> -> memref<1x128xi32, #tpu.memory_space<vmem>>
    %dma_start3A_27 = tpu.memref_squeeze %dma_start3A_26 : memref<1x128xi32, #tpu.memory_space<vmem>> -> memref<128xi32, #tpu.memory_space<vmem>>
    %dma_start3A_28 = arith.constant 0 : i32
    %dma_start3A_29 = arith.constant 0 : i32
    %dma_start3A_30 = tpu.memref_slice %arg2[%dma_start3A_28, %dma_start3A_29] : memref<1024x256xf32, #tpu.memory_space<hbm>> -> memref<1024x256xf32, #tpu.memory_space<hbm>>
    tpu.enqueue_indirect_dma source(%dma_start3A_30 : memref<1024x256xf32, #tpu.memory_space<hbm>>) target(%arg6 : memref<128x256xf32, #tpu.memory_space<vmem>>) offsets(%dma_start3A_27 : memref<128xi32, #tpu.memory_space<vmem>>) semaphore(%arg8 : memref<!tpu.dma_semaphore, #tpu.memory_space<semaphore_mem>>)
    %dma_wait3A_31 = arith.constant 1 : i32
    %dma_wait3A_32 = arith.constant 0 : i32
    %dma_wait3A_33 = tpu.memref_slice %arg5[%dma_wait3A_31, %dma_wait3A_32] : memref<8x128xi32, #tpu.memory_space<vmem>> -> memref<1x128xi32, #tpu.memory_space<vmem>>
    %dma_wait3A_34 = tpu.memref_squeeze %dma_wait3A_33 : memref<1x128xi32, #tpu.memory_space<vmem>> -> memref<128xi32, #tpu.memory_space<vmem>>
    %dma_wait3A_35 = arith.constant 0 : i32
    %dma_wait3A_36 = arith.constant 0 : i32
    %dma_wait3A_37 = tpu.memref_slice %arg2[%dma_wait3A_35, %dma_wait3A_36] : memref<1024x256xf32, #tpu.memory_space<hbm>> -> memref<1024x256xf32, #tpu.memory_space<hbm>>
    tpu.wait_indirect_dma semaphore(%arg9 : memref<!tpu.dma_semaphore, #tpu.memory_space<semaphore_mem>>) src(%dma_wait3A_37 : memref<1024x256xf32, #tpu.memory_space<hbm>>) dst(%arg7 : memref<128x256xf32, #tpu.memory_space<vmem>>)
    %add3A_38 = arith.constant 128 : i32
    %add3A_39 = arith.addi %mul3A_2, %add3A_38 : i32
    "tpu.region"() ({
      %run_scoped3A = tpu.sem_alloc : memref<!tpu.dma_semaphore, #tpu.memory_space<semaphore_mem>>
      %dma_start3A_129 = arith.constant 0 : i32
      %dma_start3A_130 = tpu.memref_slice %arg4[%add3A_39, %dma_start3A_129] : memref<32768x256xf32, #tpu.memory_space<hbm>> -> memref<128x256xf32, #tpu.memory_space<hbm>>
      %dma_start3A_131 = arith.constant 0 : i32
      %dma_start3A_132 = tpu.memref_slice %arg4[%add3A_39, %dma_start3A_131] : memref<32768x256xf32, #tpu.memory_space<hbm>> -> memref<128x256xf32, #tpu.memory_space<hbm>>
      tpu.enqueue_dma source(%arg7 : memref<128x256xf32, #tpu.memory_space<vmem>>) target(%dma_start3A_132 : memref<128x256xf32, #tpu.memory_space<hbm>>) target_semaphore(%run_scoped3A : memref<!tpu.dma_semaphore, #tpu.memory_space<semaphore_mem>>)
      %dma_wait3A_133 = arith.constant 0 : i32
      %dma_wait3A_134 = tpu.memref_slice %arg4[%add3A_39, %dma_wait3A_133] : memref<32768x256xf32, #tpu.memory_space<hbm>> -> memref<128x256xf32, #tpu.memory_space<hbm>>
      %dma_wait3A_135 = arith.constant 0 : i32
      %dma_wait3A_136 = tpu.memref_slice %arg4[%add3A_39, %dma_wait3A_135] : memref<32768x256xf32, #tpu.memory_space<hbm>> -> memref<128x256xf32, #tpu.memory_space<hbm>>
      tpu.wait_dma2 semaphore(%run_scoped3A : memref<!tpu.dma_semaphore, #tpu.memory_space<semaphore_mem>>) src(%arg7 : memref<128x256xf32, #tpu.memory_space<vmem>>) dst(%dma_wait3A_136 : memref<128x256xf32, #tpu.memory_space<hbm>>)
      tpu.yield
    }) : () -> ()
    %dma_start3A_40 = arith.constant 3 : i32
    %dma_start3A_41 = arith.constant 0 : i32
    %dma_start3A_42 = tpu.memref_slice %arg5[%dma_start3A_40, %dma_start3A_41] : memref<8x128xi32, #tpu.memory_space<vmem>> -> memref<1x128xi32, #tpu.memory_space<vmem>>
    %dma_start3A_43 = tpu.memref_squeeze %dma_start3A_42 : memref<1x128xi32, #tpu.memory_space<vmem>> -> memref<128xi32, #tpu.memory_space<vmem>>
    %dma_start3A_44 = arith.constant 0 : i32
    %dma_start3A_45 = arith.constant 0 : i32
    %dma_start3A_46 = tpu.memref_slice %arg2[%dma_start3A_44, %dma_start3A_45] : memref<1024x256xf32, #tpu.memory_space<hbm>> -> memref<1024x256xf32, #tpu.memory_space<hbm>>
    tpu.enqueue_indirect_dma source(%dma_start3A_46 : memref<1024x256xf32, #tpu.memory_space<hbm>>) target(%arg7 : memref<128x256xf32, #tpu.memory_space<vmem>>) offsets(%dma_start3A_43 : memref<128xi32, #tpu.memory_space<vmem>>) semaphore(%arg9 : memref<!tpu.dma_semaphore, #tpu.memory_space<semaphore_mem>>)
    %dma_wait3A_47 = arith.constant 2 : i32
    %dma_wait3A_48 = arith.constant 0 : i32
    %dma_wait3A_49 = tpu.memref_slice %arg5[%dma_wait3A_47, %dma_wait3A_48] : memref<8x128xi32, #tpu.memory_space<vmem>> -> memref<1x128xi32, #tpu.memory_space<vmem>>
    %dma_wait3A_50 = tpu.memref_squeeze %dma_wait3A_49 : memref<1x128xi32, #tpu.memory_space<vmem>> -> memref<128xi32, #tpu.memory_space<vmem>>
    %dma_wait3A_51 = arith.constant 0 : i32
    %dma_wait3A_52 = arith.constant 0 : i32
    %dma_wait3A_53 = tpu.memref_slice %arg2[%dma_wait3A_51, %dma_wait3A_52] : memref<1024x256xf32, #tpu.memory_space<hbm>> -> memref<1024x256xf32, #tpu.memory_space<hbm>>
    tpu.wait_indirect_dma semaphore(%arg8 : memref<!tpu.dma_semaphore, #tpu.memory_space<semaphore_mem>>) src(%dma_wait3A_53 : memref<1024x256xf32, #tpu.memory_space<hbm>>) dst(%arg6 : memref<128x256xf32, #tpu.memory_space<vmem>>)
    %add3A_54 = arith.constant 256 : i32
    %add3A_55 = arith.addi %mul3A_2, %add3A_54 : i32
    "tpu.region"() ({
      %run_scoped3A = tpu.sem_alloc : memref<!tpu.dma_semaphore, #tpu.memory_space<semaphore_mem>>
      %dma_start3A_129 = arith.constant 0 : i32
      %dma_start3A_130 = tpu.memref_slice %arg4[%add3A_55, %dma_start3A_129] : memref<32768x256xf32, #tpu.memory_space<hbm>> -> memref<128x256xf32, #tpu.memory_space<hbm>>
      %dma_start3A_131 = arith.constant 0 : i32
      %dma_start3A_132 = tpu.memref_slice %arg4[%add3A_55, %dma_start3A_131] : memref<32768x256xf32, #tpu.memory_space<hbm>> -> memref<128x256xf32, #tpu.memory_space<hbm>>
      tpu.enqueue_dma source(%arg6 : memref<128x256xf32, #tpu.memory_space<vmem>>) target(%dma_start3A_132 : memref<128x256xf32, #tpu.memory_space<hbm>>) target_semaphore(%run_scoped3A : memref<!tpu.dma_semaphore, #tpu.memory_space<semaphore_mem>>)
      %dma_wait3A_133 = arith.constant 0 : i32
      %dma_wait3A_134 = tpu.memref_slice %arg4[%add3A_55, %dma_wait3A_133] : memref<32768x256xf32, #tpu.memory_space<hbm>> -> memref<128x256xf32, #tpu.memory_space<hbm>>
      %dma_wait3A_135 = arith.constant 0 : i32
      %dma_wait3A_136 = tpu.memref_slice %arg4[%add3A_55, %dma_wait3A_135] : memref<32768x256xf32, #tpu.memory_space<hbm>> -> memref<128x256xf32, #tpu.memory_space<hbm>>
      tpu.wait_dma2 semaphore(%run_scoped3A : memref<!tpu.dma_semaphore, #tpu.memory_space<semaphore_mem>>) src(%arg6 : memref<128x256xf32, #tpu.memory_space<vmem>>) dst(%dma_wait3A_136 : memref<128x256xf32, #tpu.memory_space<hbm>>)
      tpu.yield
    }) : () -> ()
    %dma_start3A_56 = arith.constant 4 : i32
    %dma_start3A_57 = arith.constant 0 : i32
    %dma_start3A_58 = tpu.memref_slice %arg5[%dma_start3A_56, %dma_start3A_57] : memref<8x128xi32, #tpu.memory_space<vmem>> -> memref<1x128xi32, #tpu.memory_space<vmem>>
    %dma_start3A_59 = tpu.memref_squeeze %dma_start3A_58 : memref<1x128xi32, #tpu.memory_space<vmem>> -> memref<128xi32, #tpu.memory_space<vmem>>
    %dma_start3A_60 = arith.constant 0 : i32
    %dma_start3A_61 = arith.constant 0 : i32
    %dma_start3A_62 = tpu.memref_slice %arg2[%dma_start3A_60, %dma_start3A_61] : memref<1024x256xf32, #tpu.memory_space<hbm>> -> memref<1024x256xf32, #tpu.memory_space<hbm>>
    tpu.enqueue_indirect_dma source(%dma_start3A_62 : memref<1024x256xf32, #tpu.memory_space<hbm>>) target(%arg6 : memref<128x256xf32, #tpu.memory_space<vmem>>) offsets(%dma_start3A_59 : memref<128xi32, #tpu.memory_space<vmem>>) semaphore(%arg8 : memref<!tpu.dma_semaphore, #tpu.memory_space<semaphore_mem>>)
    %dma_wait3A_63 = arith.constant 3 : i32
    %dma_wait3A_64 = arith.constant 0 : i32
    %dma_wait3A_65 = tpu.memref_slice %arg5[%dma_wait3A_63, %dma_wait3A_64] : memref<8x128xi32, #tpu.memory_space<vmem>> -> memref<1x128xi32, #tpu.memory_space<vmem>>
    %dma_wait3A_66 = tpu.memref_squeeze %dma_wait3A_65 : memref<1x128xi32, #tpu.memory_space<vmem>> -> memref<128xi32, #tpu.memory_space<vmem>>
    %dma_wait3A_67 = arith.constant 0 : i32
    %dma_wait3A_68 = arith.constant 0 : i32
    %dma_wait3A_69 = tpu.memref_slice %arg2[%dma_wait3A_67, %dma_wait3A_68] : memref<1024x256xf32, #tpu.memory_space<hbm>> -> memref<1024x256xf32, #tpu.memory_space<hbm>>
    tpu.wait_indirect_dma semaphore(%arg9 : memref<!tpu.dma_semaphore, #tpu.memory_space<semaphore_mem>>) src(%dma_wait3A_69 : memref<1024x256xf32, #tpu.memory_space<hbm>>) dst(%arg7 : memref<128x256xf32, #tpu.memory_space<vmem>>)
    %add3A_70 = arith.constant 384 : i32
    %add3A_71 = arith.addi %mul3A_2, %add3A_70 : i32
    "tpu.region"() ({
      %run_scoped3A = tpu.sem_alloc : memref<!tpu.dma_semaphore, #tpu.memory_space<semaphore_mem>>
      %dma_start3A_129 = arith.constant 0 : i32
      %dma_start3A_130 = tpu.memref_slice %arg4[%add3A_71, %dma_start3A_129] : memref<32768x256xf32, #tpu.memory_space<hbm>> -> memref<128x256xf32, #tpu.memory_space<hbm>>
      %dma_start3A_131 = arith.constant 0 : i32
      %dma_start3A_132 = tpu.memref_slice %arg4[%add3A_71, %dma_start3A_131] : memref<32768x256xf32, #tpu.memory_space<hbm>> -> memref<128x256xf32, #tpu.memory_space<hbm>>
      tpu.enqueue_dma source(%arg7 : memref<128x256xf32, #tpu.memory_space<vmem>>) target(%dma_start3A_132 : memref<128x256xf32, #tpu.memory_space<hbm>>) target_semaphore(%run_scoped3A : memref<!tpu.dma_semaphore, #tpu.memory_space<semaphore_mem>>)
      %dma_wait3A_133 = arith.constant 0 : i32
      %dma_wait3A_134 = tpu.memref_slice %arg4[%add3A_71, %dma_wait3A_133] : memref<32768x256xf32, #tpu.memory_space<hbm>> -> memref<128x256xf32, #tpu.memory_space<hbm>>
      %dma_wait3A_135 = arith.constant 0 : i32
      %dma_wait3A_136 = tpu.memref_slice %arg4[%add3A_71, %dma_wait3A_135] : memref<32768x256xf32, #tpu.memory_space<hbm>> -> memref<128x256xf32, #tpu.memory_space<hbm>>
      tpu.wait_dma2 semaphore(%run_scoped3A : memref<!tpu.dma_semaphore, #tpu.memory_space<semaphore_mem>>) src(%arg7 : memref<128x256xf32, #tpu.memory_space<vmem>>) dst(%dma_wait3A_136 : memref<128x256xf32, #tpu.memory_space<hbm>>)
      tpu.yield
    }) : () -> ()
    %dma_start3A_72 = arith.constant 5 : i32
    %dma_start3A_73 = arith.constant 0 : i32
    %dma_start3A_74 = tpu.memref_slice %arg5[%dma_start3A_72, %dma_start3A_73] : memref<8x128xi32, #tpu.memory_space<vmem>> -> memref<1x128xi32, #tpu.memory_space<vmem>>
    %dma_start3A_75 = tpu.memref_squeeze %dma_start3A_74 : memref<1x128xi32, #tpu.memory_space<vmem>> -> memref<128xi32, #tpu.memory_space<vmem>>
    %dma_start3A_76 = arith.constant 0 : i32
    %dma_start3A_77 = arith.constant 0 : i32
    %dma_start3A_78 = tpu.memref_slice %arg2[%dma_start3A_76, %dma_start3A_77] : memref<1024x256xf32, #tpu.memory_space<hbm>> -> memref<1024x256xf32, #tpu.memory_space<hbm>>
    tpu.enqueue_indirect_dma source(%dma_start3A_78 : memref<1024x256xf32, #tpu.memory_space<hbm>>) target(%arg7 : memref<128x256xf32, #tpu.memory_space<vmem>>) offsets(%dma_start3A_75 : memref<128xi32, #tpu.memory_space<vmem>>) semaphore(%arg9 : memref<!tpu.dma_semaphore, #tpu.memory_space<semaphore_mem>>)
    %dma_wait3A_79 = arith.constant 4 : i32
    %dma_wait3A_80 = arith.constant 0 : i32
    %dma_wait3A_81 = tpu.memref_slice %arg5[%dma_wait3A_79, %dma_wait3A_80] : memref<8x128xi32, #tpu.memory_space<vmem>> -> memref<1x128xi32, #tpu.memory_space<vmem>>
    %dma_wait3A_82 = tpu.memref_squeeze %dma_wait3A_81 : memref<1x128xi32, #tpu.memory_space<vmem>> -> memref<128xi32, #tpu.memory_space<vmem>>
    %dma_wait3A_83 = arith.constant 0 : i32
    %dma_wait3A_84 = arith.constant 0 : i32
    %dma_wait3A_85 = tpu.memref_slice %arg2[%dma_wait3A_83, %dma_wait3A_84] : memref<1024x256xf32, #tpu.memory_space<hbm>> -> memref<1024x256xf32, #tpu.memory_space<hbm>>
    tpu.wait_indirect_dma semaphore(%arg8 : memref<!tpu.dma_semaphore, #tpu.memory_space<semaphore_mem>>) src(%dma_wait3A_85 : memref<1024x256xf32, #tpu.memory_space<hbm>>) dst(%arg6 : memref<128x256xf32, #tpu.memory_space<vmem>>)
    %add3A_86 = arith.constant 512 : i32
    %add3A_87 = arith.addi %mul3A_2, %add3A_86 : i32
    "tpu.region"() ({
      %run_scoped3A = tpu.sem_alloc : memref<!tpu.dma_semaphore, #tpu.memory_space<semaphore_mem>>
      %dma_start3A_129 = arith.constant 0 : i32
      %dma_start3A_130 = tpu.memref_slice %arg4[%add3A_87, %dma_start3A_129] : memref<32768x256xf32, #tpu.memory_space<hbm>> -> memref<128x256xf32, #tpu.memory_space<hbm>>
      %dma_start3A_131 = arith.constant 0 : i32
      %dma_start3A_132 = tpu.memref_slice %arg4[%add3A_87, %dma_start3A_131] : memref<32768x256xf32, #tpu.memory_space<hbm>> -> memref<128x256xf32, #tpu.memory_space<hbm>>
      tpu.enqueue_dma source(%arg6 : memref<128x256xf32, #tpu.memory_space<vmem>>) target(%dma_start3A_132 : memref<128x256xf32, #tpu.memory_space<hbm>>) target_semaphore(%run_scoped3A : memref<!tpu.dma_semaphore, #tpu.memory_space<semaphore_mem>>)
      %dma_wait3A_133 = arith.constant 0 : i32
      %dma_wait3A_134 = tpu.memref_slice %arg4[%add3A_87, %dma_wait3A_133] : memref<32768x256xf32, #tpu.memory_space<hbm>> -> memref<128x256xf32, #tpu.memory_space<hbm>>
      %dma_wait3A_135 = arith.constant 0 : i32
      %dma_wait3A_136 = tpu.memref_slice %arg4[%add3A_87, %dma_wait3A_135] : memref<32768x256xf32, #tpu.memory_space<hbm>> -> memref<128x256xf32, #tpu.memory_space<hbm>>
      tpu.wait_dma2 semaphore(%run_scoped3A : memref<!tpu.dma_semaphore, #tpu.memory_space<semaphore_mem>>) src(%arg6 : memref<128x256xf32, #tpu.memory_space<vmem>>) dst(%dma_wait3A_136 : memref<128x256xf32, #tpu.memory_space<hbm>>)
      tpu.yield
    }) : () -> ()
    %dma_start3A_88 = arith.constant 6 : i32
    %dma_start3A_89 = arith.constant 0 : i32
    %dma_start3A_90 = tpu.memref_slice %arg5[%dma_start3A_88, %dma_start3A_89] : memref<8x128xi32, #tpu.memory_space<vmem>> -> memref<1x128xi32, #tpu.memory_space<vmem>>
    %dma_start3A_91 = tpu.memref_squeeze %dma_start3A_90 : memref<1x128xi32, #tpu.memory_space<vmem>> -> memref<128xi32, #tpu.memory_space<vmem>>
    %dma_start3A_92 = arith.constant 0 : i32
    %dma_start3A_93 = arith.constant 0 : i32
    %dma_start3A_94 = tpu.memref_slice %arg2[%dma_start3A_92, %dma_start3A_93] : memref<1024x256xf32, #tpu.memory_space<hbm>> -> memref<1024x256xf32, #tpu.memory_space<hbm>>
    tpu.enqueue_indirect_dma source(%dma_start3A_94 : memref<1024x256xf32, #tpu.memory_space<hbm>>) target(%arg6 : memref<128x256xf32, #tpu.memory_space<vmem>>) offsets(%dma_start3A_91 : memref<128xi32, #tpu.memory_space<vmem>>) semaphore(%arg8 : memref<!tpu.dma_semaphore, #tpu.memory_space<semaphore_mem>>)
    %dma_wait3A_95 = arith.constant 5 : i32
    %dma_wait3A_96 = arith.constant 0 : i32
    %dma_wait3A_97 = tpu.memref_slice %arg5[%dma_wait3A_95, %dma_wait3A_96] : memref<8x128xi32, #tpu.memory_space<vmem>> -> memref<1x128xi32, #tpu.memory_space<vmem>>
    %dma_wait3A_98 = tpu.memref_squeeze %dma_wait3A_97 : memref<1x128xi32, #tpu.memory_space<vmem>> -> memref<128xi32, #tpu.memory_space<vmem>>
    %dma_wait3A_99 = arith.constant 0 : i32
    %dma_wait3A_100 = arith.constant 0 : i32
    %dma_wait3A_101 = tpu.memref_slice %arg2[%dma_wait3A_99, %dma_wait3A_100] : memref<1024x256xf32, #tpu.memory_space<hbm>> -> memref<1024x256xf32, #tpu.memory_space<hbm>>
    tpu.wait_indirect_dma semaphore(%arg9 : memref<!tpu.dma_semaphore, #tpu.memory_space<semaphore_mem>>) src(%dma_wait3A_101 : memref<1024x256xf32, #tpu.memory_space<hbm>>) dst(%arg7 : memref<128x256xf32, #tpu.memory_space<vmem>>)
    %add3A_102 = arith.constant 640 : i32
    %add3A_103 = arith.addi %mul3A_2, %add3A_102 : i32
    "tpu.region"() ({
      %run_scoped3A = tpu.sem_alloc : memref<!tpu.dma_semaphore, #tpu.memory_space<semaphore_mem>>
      %dma_start3A_129 = arith.constant 0 : i32
      %dma_start3A_130 = tpu.memref_slice %arg4[%add3A_103, %dma_start3A_129] : memref<32768x256xf32, #tpu.memory_space<hbm>> -> memref<128x256xf32, #tpu.memory_space<hbm>>
      %dma_start3A_131 = arith.constant 0 : i32
      %dma_start3A_132 = tpu.memref_slice %arg4[%add3A_103, %dma_start3A_131] : memref<32768x256xf32, #tpu.memory_space<hbm>> -> memref<128x256xf32, #tpu.memory_space<hbm>>
      tpu.enqueue_dma source(%arg7 : memref<128x256xf32, #tpu.memory_space<vmem>>) target(%dma_start3A_132 : memref<128x256xf32, #tpu.memory_space<hbm>>) target_semaphore(%run_scoped3A : memref<!tpu.dma_semaphore, #tpu.memory_space<semaphore_mem>>)
      %dma_wait3A_133 = arith.constant 0 : i32
      %dma_wait3A_134 = tpu.memref_slice %arg4[%add3A_103, %dma_wait3A_133] : memref<32768x256xf32, #tpu.memory_space<hbm>> -> memref<128x256xf32, #tpu.memory_space<hbm>>
      %dma_wait3A_135 = arith.constant 0 : i32
      %dma_wait3A_136 = tpu.memref_slice %arg4[%add3A_103, %dma_wait3A_135] : memref<32768x256xf32, #tpu.memory_space<hbm>> -> memref<128x256xf32, #tpu.memory_space<hbm>>
      tpu.wait_dma2 semaphore(%run_scoped3A : memref<!tpu.dma_semaphore, #tpu.memory_space<semaphore_mem>>) src(%arg7 : memref<128x256xf32, #tpu.memory_space<vmem>>) dst(%dma_wait3A_136 : memref<128x256xf32, #tpu.memory_space<hbm>>)
      tpu.yield
    }) : () -> ()
    %dma_start3A_104 = arith.constant 7 : i32
    %dma_start3A_105 = arith.constant 0 : i32
    %dma_start3A_106 = tpu.memref_slice %arg5[%dma_start3A_104, %dma_start3A_105] : memref<8x128xi32, #tpu.memory_space<vmem>> -> memref<1x128xi32, #tpu.memory_space<vmem>>
    %dma_start3A_107 = tpu.memref_squeeze %dma_start3A_106 : memref<1x128xi32, #tpu.memory_space<vmem>> -> memref<128xi32, #tpu.memory_space<vmem>>
    %dma_start3A_108 = arith.constant 0 : i32
    %dma_start3A_109 = arith.constant 0 : i32
    %dma_start3A_110 = tpu.memref_slice %arg2[%dma_start3A_108, %dma_start3A_109] : memref<1024x256xf32, #tpu.memory_space<hbm>> -> memref<1024x256xf32, #tpu.memory_space<hbm>>
    tpu.enqueue_indirect_dma source(%dma_start3A_110 : memref<1024x256xf32, #tpu.memory_space<hbm>>) target(%arg7 : memref<128x256xf32, #tpu.memory_space<vmem>>) offsets(%dma_start3A_107 : memref<128xi32, #tpu.memory_space<vmem>>) semaphore(%arg9 : memref<!tpu.dma_semaphore, #tpu.memory_space<semaphore_mem>>)
    %dma_wait3A_111 = arith.constant 6 : i32
    %dma_wait3A_112 = arith.constant 0 : i32
    %dma_wait3A_113 = tpu.memref_slice %arg5[%dma_wait3A_111, %dma_wait3A_112] : memref<8x128xi32, #tpu.memory_space<vmem>> -> memref<1x128xi32, #tpu.memory_space<vmem>>
    %dma_wait3A_114 = tpu.memref_squeeze %dma_wait3A_113 : memref<1x128xi32, #tpu.memory_space<vmem>> -> memref<128xi32, #tpu.memory_space<vmem>>
    %dma_wait3A_115 = arith.constant 0 : i32
    %dma_wait3A_116 = arith.constant 0 : i32
    %dma_wait3A_117 = tpu.memref_slice %arg2[%dma_wait3A_115, %dma_wait3A_116] : memref<1024x256xf32, #tpu.memory_space<hbm>> -> memref<1024x256xf32, #tpu.memory_space<hbm>>
    tpu.wait_indirect_dma semaphore(%arg8 : memref<!tpu.dma_semaphore, #tpu.memory_space<semaphore_mem>>) src(%dma_wait3A_117 : memref<1024x256xf32, #tpu.memory_space<hbm>>) dst(%arg6 : memref<128x256xf32, #tpu.memory_space<vmem>>)
    %add3A_118 = arith.constant 768 : i32
    %add3A_119 = arith.addi %mul3A_2, %add3A_118 : i32
    "tpu.region"() ({
      %run_scoped3A = tpu.sem_alloc : memref<!tpu.dma_semaphore, #tpu.memory_space<semaphore_mem>>
      %dma_start3A_129 = arith.constant 0 : i32
      %dma_start3A_130 = tpu.memref_slice %arg4[%add3A_119, %dma_start3A_129] : memref<32768x256xf32, #tpu.memory_space<hbm>> -> memref<128x256xf32, #tpu.memory_space<hbm>>
      %dma_start3A_131 = arith.constant 0 : i32
      %dma_start3A_132 = tpu.memref_slice %arg4[%add3A_119, %dma_start3A_131] : memref<32768x256xf32, #tpu.memory_space<hbm>> -> memref<128x256xf32, #tpu.memory_space<hbm>>
      tpu.enqueue_dma source(%arg6 : memref<128x256xf32, #tpu.memory_space<vmem>>) target(%dma_start3A_132 : memref<128x256xf32, #tpu.memory_space<hbm>>) target_semaphore(%run_scoped3A : memref<!tpu.dma_semaphore, #tpu.memory_space<semaphore_mem>>)
      %dma_wait3A_133 = arith.constant 0 : i32
      %dma_wait3A_134 = tpu.memref_slice %arg4[%add3A_119, %dma_wait3A_133] : memref<32768x256xf32, #tpu.memory_space<hbm>> -> memref<128x256xf32, #tpu.memory_space<hbm>>
      %dma_wait3A_135 = arith.constant 0 : i32
      %dma_wait3A_136 = tpu.memref_slice %arg4[%add3A_119, %dma_wait3A_135] : memref<32768x256xf32, #tpu.memory_space<hbm>> -> memref<128x256xf32, #tpu.memory_space<hbm>>
      tpu.wait_dma2 semaphore(%run_scoped3A : memref<!tpu.dma_semaphore, #tpu.memory_space<semaphore_mem>>) src(%arg6 : memref<128x256xf32, #tpu.memory_space<vmem>>) dst(%dma_wait3A_136 : memref<128x256xf32, #tpu.memory_space<hbm>>)
      tpu.yield
    }) : () -> ()
    %dma_wait3A_120 = arith.constant 7 : i32
    %dma_wait3A_121 = arith.constant 0 : i32
    %dma_wait3A_122 = tpu.memref_slice %arg5[%dma_wait3A_120, %dma_wait3A_121] : memref<8x128xi32, #tpu.memory_space<vmem>> -> memref<1x128xi32, #tpu.memory_space<vmem>>
    %dma_wait3A_123 = tpu.memref_squeeze %dma_wait3A_122 : memref<1x128xi32, #tpu.memory_space<vmem>> -> memref<128xi32, #tpu.memory_space<vmem>>
    %dma_wait3A_124 = arith.constant 0 : i32
    %dma_wait3A_125 = arith.constant 0 : i32
    %dma_wait3A_126 = tpu.memref_slice %arg2[%dma_wait3A_124, %dma_wait3A_125] : memref<1024x256xf32, #tpu.memory_space<hbm>> -> memref<1024x256xf32, #tpu.memory_space<hbm>>
    tpu.wait_indirect_dma semaphore(%arg9 : memref<!tpu.dma_semaphore, #tpu.memory_space<semaphore_mem>>) src(%dma_wait3A_126 : memref<1024x256xf32, #tpu.memory_space<hbm>>) dst(%arg7 : memref<128x256xf32, #tpu.memory_space<vmem>>)
    %add3A_127 = arith.constant 896 : i32
    %add3A_128 = arith.addi %mul3A_2, %add3A_127 : i32
    "tpu.region"() ({
      %run_scoped3A = tpu.sem_alloc : memref<!tpu.dma_semaphore, #tpu.memory_space<semaphore_mem>>
      %dma_start3A_129 = arith.constant 0 : i32
      %dma_start3A_130 = tpu.memref_slice %arg4[%add3A_128, %dma_start3A_129] : memref<32768x256xf32, #tpu.memory_space<hbm>> -> memref<128x256xf32, #tpu.memory_space<hbm>>
      %dma_start3A_131 = arith.constant 0 : i32
      %dma_start3A_132 = tpu.memref_slice %arg4[%add3A_128, %dma_start3A_131] : memref<32768x256xf32, #tpu.memory_space<hbm>> -> memref<128x256xf32, #tpu.memory_space<hbm>>
      tpu.enqueue_dma source(%arg7 : memref<128x256xf32, #tpu.memory_space<vmem>>) target(%dma_start3A_132 : memref<128x256xf32, #tpu.memory_space<hbm>>) target_semaphore(%run_scoped3A : memref<!tpu.dma_semaphore, #tpu.memory_space<semaphore_mem>>)
      %dma_wait3A_133 = arith.constant 0 : i32
      %dma_wait3A_134 = tpu.memref_slice %arg4[%add3A_128, %dma_wait3A_133] : memref<32768x256xf32, #tpu.memory_space<hbm>> -> memref<128x256xf32, #tpu.memory_space<hbm>>
      %dma_wait3A_135 = arith.constant 0 : i32
      %dma_wait3A_136 = tpu.memref_slice %arg4[%add3A_128, %dma_wait3A_135] : memref<32768x256xf32, #tpu.memory_space<hbm>> -> memref<128x256xf32, #tpu.memory_space<hbm>>
      tpu.wait_dma2 semaphore(%run_scoped3A : memref<!tpu.dma_semaphore, #tpu.memory_space<semaphore_mem>>) src(%arg7 : memref<128x256xf32, #tpu.memory_space<vmem>>) dst(%dma_wait3A_136 : memref<128x256xf32, #tpu.memory_space<hbm>>)
      tpu.yield
    }) : () -> ()
    return
  }
}

module attributes {stable_mosaic.version = 14 : i64} {
  func.func @_tc_body(%arg0: i32, %arg1: memref<2048x256xf32, #tpu.memory_space<vmem>>, %arg2: memref<1024x256xf32, #tpu.memory_space<vmem>>, %arg3: memref<1x1x2048xi32, #tpu.memory_space<vmem>>, %arg4: memref<1024x256xbf16, #tpu.memory_space<vmem>>, %arg5: memref<1024x128xf32, #tpu.memory_space<vmem>>) attributes {dimension_semantics = [#tpu.dimension_semantics<arbitrary>], iteration_bounds = array<i64: 16>, scalar_prefetch = 0 : i64, scratch_operands = 2 : i64, tpu.core_type = #tpu.core_type<tc>, window_params = [{transform_indices = @transform_0, window_bounds = array<i64: 2048, 256>}, {pipeline_mode = #tpu.pipeline_mode<synchronous>, transform_indices = @transform_1, window_bounds = array<i64: 1024, 256>}, {transform_indices = @transform_2, window_bounds = array<i64: 1, 1, 2048>}]} {
    %eq3A = arith.constant 0 : i32
    %eq3A_0 = arith.cmpi eq, %arg0, %eq3A : i32
    %convert_element_type3A = arith.extui %eq3A_0 : i1 to i32
    %cond3A = arith.constant 0 : i32
    %cond3A_1 = arith.cmpi ne, %convert_element_type3A, %cond3A : i32
    scf.if %cond3A_1 {
      %get3A_1200 = arith.constant 0 : index
      %get3A_1201 = arith.constant 0 : index
      %get3A_1202 = vector.load %arg2[%get3A_1200, %get3A_1201] : memref<1024x256xf32, #tpu.memory_space<vmem>>, vector<1024x256xf32>
      %mul3A_1203 = arith.mulf %get3A_1202, %get3A_1202 : vector<1024x256xf32>
      %reduce_sum3A_1204 = arith.constant dense<0.000000e+00> : vector<1024xf32>
      %reduce_sum3A_1205 = vector.multi_reduction <add>, %mul3A_1203, %reduce_sum3A_1204 [1] : vector<1024x256xf32> to vector<1024xf32>
      %broadcast_in_dim3A_1206 = vector.shape_cast %reduce_sum3A_1205 : vector<1024xf32> to vector<1024x1xf32>
      %sqrt3A_1207 = math.sqrt %broadcast_in_dim3A_1206 : vector<1024x1xf32>
      %max3A_1208 = arith.constant 9.99999996E-13 : f32
      %max3A_1209 = vector.broadcast %max3A_1208 : f32 to vector<1024x1xf32>
      %max3A_1210 = arith.maximumf %sqrt3A_1207, %max3A_1209 : vector<1024x1xf32>
      %div3A_1211 = vector.broadcast %max3A_1210 : vector<1024x1xf32> to vector<1024x256xf32>
      %div3A_1212 = arith.divf %get3A_1202, %div3A_1211 : vector<1024x256xf32>
      %convert_element_type3A_1213 = arith.truncf %div3A_1212 : vector<1024x256xf32> to vector<1024x256xbf16>
      %swap3A_1214 = arith.constant 0 : index
      %swap3A_1215 = arith.constant 0 : index
      %swap3A_1216 = vector.load %arg4[%swap3A_1214, %swap3A_1215] : memref<1024x256xbf16, #tpu.memory_space<vmem>>, vector<1024x256xbf16>
      tpu.vector_store %arg4[%swap3A_1214, %swap3A_1215], %convert_element_type3A_1213 {strides = array<i32>} : memref<1024x256xbf16, #tpu.memory_space<vmem>>, vector<1024x256xbf16>,
      %iota3A = tpu.iota {dimensions = array<i32: 0>} : vector<1024x128xi32>
      %convert_element_type3A_1217 = arith.sitofp %iota3A : vector<1024x128xi32> to vector<1024x128xf32>
      %swap3A_1218 = arith.constant 0 : index
      %swap3A_1219 = arith.constant 0 : index
      %swap3A_1220 = vector.load %arg5[%swap3A_1218, %swap3A_1219] : memref<1024x128xf32, #tpu.memory_space<vmem>>, vector<1024x128xf32>
      tpu.vector_store %arg5[%swap3A_1218, %swap3A_1219], %convert_element_type3A_1217 {strides = array<i32>} : memref<1024x128xf32, #tpu.memory_space<vmem>>, vector<1024x128xf32>,
    } else {
    }
    %get3A = arith.constant 0 : index
    %get3A_2 = arith.constant 0 : index
    %get3A_3 = vector.load %arg1[%get3A, %get3A_2] : memref<2048x256xf32, #tpu.memory_space<vmem>>, vector<2048x256xf32>
    %mul3A = arith.mulf %get3A_3, %get3A_3 : vector<2048x256xf32>
    %reduce_sum3A = arith.constant dense<0.000000e+00> : vector<2048xf32>
    %reduce_sum3A_4 = vector.multi_reduction <add>, %mul3A, %reduce_sum3A [1] : vector<2048x256xf32> to vector<2048xf32>
    %broadcast_in_dim3A = vector.shape_cast %reduce_sum3A_4 : vector<2048xf32> to vector<2048x1xf32>
    %sqrt3A = math.sqrt %broadcast_in_dim3A : vector<2048x1xf32>
    %max3A = arith.constant 9.99999996E-13 : f32
    %max3A_5 = vector.broadcast %max3A : f32 to vector<2048x1xf32>
    %max3A_6 = arith.maximumf %sqrt3A, %max3A_5 : vector<2048x1xf32>
    %div3A = vector.broadcast %max3A_6 : vector<2048x1xf32> to vector<2048x256xf32>
    %div3A_7 = arith.divf %get3A_3, %div3A : vector<2048x256xf32>
    %get3A_8 = arith.constant 0 : index
    %get3A_9 = arith.constant 0 : index
    %get3A_10 = vector.load %arg4[%get3A_8, %get3A_9] : memref<1024x256xbf16, #tpu.memory_space<vmem>>, vector<1024x256xbf16>
    %convert_element_type3A_11 = arith.truncf %div3A_7 : vector<2048x256xf32> to vector<2048x256xbf16>
    %dot_general3A = arith.constant dense<0.000000e+00> : vector<1024x2048xf32>
    %dot_general3A_12 = tpu.matmul %get3A_10, %convert_element_type3A_11, %dot_general3A {dimension_numbers = #tpu.dot_dimension_numbers<[1], [1], [0], [0], [0, 0, 1, 0], [], []>, transpose_lhs_hint = false} : vector<1024x256xbf16>, vector<2048x256xbf16>, vector<1024x2048xf32> -> vector<1024x2048xf32>
    %get3A_13 = arith.constant 0 : index
    %get3A_14 = arith.constant 0 : index
    %get3A_15 = vector.load %arg5[%get3A_13, %get3A_14] : memref<1024x128xf32, #tpu.memory_space<vmem>>, vector<1024x128xf32>
    %slice3A = vector.extract_strided_slice %dot_general3A_12 {offsets = [0, 0], sizes = [1024, 128], strides = [1, 1]} : vector<1024x2048xf32> to vector<1024x128xf32>
    %slice3A_16 = vector.extract_strided_slice %slice3A {offsets = [0, 0], sizes = [512, 128], strides = [1, 1]} : vector<1024x128xf32> to vector<512x128xf32>
    %slice3A_17 = vector.extract_strided_slice %slice3A {offsets = [512, 0], sizes = [512, 128], strides = [1, 1]} : vector<1024x128xf32> to vector<512x128xf32>
    %ge3A = arith.cmpf oge, %slice3A_16, %slice3A_17 : vector<512x128xf32>
    %slice3A_18 = vector.extract_strided_slice %get3A_15 {offsets = [0, 0], sizes = [512, 128], strides = [1, 1]} : vector<1024x128xf32> to vector<512x128xf32>
    %slice3A_19 = vector.extract_strided_slice %get3A_15 {offsets = [512, 0], sizes = [512, 128], strides = [1, 1]} : vector<1024x128xf32> to vector<512x128xf32>
    %select_n3A = arith.select %ge3A, %slice3A_18, %slice3A_19 : vector<512x128xi1>, vector<512x128xf32>
    %slice3A_20 = vector.extract_strided_slice %slice3A {offsets = [0, 0], sizes = [512, 128], strides = [1, 1]} : vector<1024x128xf32> to vector<512x128xf32>
    %slice3A_21 = vector.extract_strided_slice %slice3A {offsets = [512, 0], sizes = [512, 128], strides = [1, 1]} : vector<1024x128xf32> to vector<512x128xf32>
    %max3A_22 = arith.maximumf %slice3A_20, %slice3A_21 : vector<512x128xf32>
    %slice3A_23 = vector.extract_strided_slice %max3A_22 {offsets = [0, 0], sizes = [256, 128], strides = [1, 1]} : vector<512x128xf32> to vector<256x128xf32>
    %slice3A_24 = vector.extract_strided_slice %max3A_22 {offsets = [256, 0], sizes = [256, 128], strides = [1, 1]} : vector<512x128xf32> to vector<256x128xf32>
    %ge3A_25 = arith.cmpf oge, %slice3A_23, %slice3A_24 : vector<256x128xf32>
    %slice3A_26 = vector.extract_strided_slice %select_n3A {offsets = [0, 0], sizes = [256, 128], strides = [1, 1]} : vector<512x128xf32> to vector<256x128xf32>
    %slice3A_27 = vector.extract_strided_slice %select_n3A {offsets = [256, 0], sizes = [256, 128], strides = [1, 1]} : vector<512x128xf32> to vector<256x128xf32>
    %select_n3A_28 = arith.select %ge3A_25, %slice3A_26, %slice3A_27 : vector<256x128xi1>, vector<256x128xf32>
    %slice3A_29 = vector.extract_strided_slice %max3A_22 {offsets = [0, 0], sizes = [256, 128], strides = [1, 1]} : vector<512x128xf32> to vector<256x128xf32>
    %slice3A_30 = vector.extract_strided_slice %max3A_22 {offsets = [256, 0], sizes = [256, 128], strides = [1, 1]} : vector<512x128xf32> to vector<256x128xf32>
    %max3A_31 = arith.maximumf %slice3A_29, %slice3A_30 : vector<256x128xf32>
    %slice3A_32 = vector.extract_strided_slice %max3A_31 {offsets = [0, 0], sizes = [128, 128], strides = [1, 1]} : vector<256x128xf32> to vector<128x128xf32>
    %slice3A_33 = vector.extract_strided_slice %max3A_31 {offsets = [128, 0], sizes = [128, 128], strides = [1, 1]} : vector<256x128xf32> to vector<128x128xf32>
    %ge3A_34 = arith.cmpf oge, %slice3A_32, %slice3A_33 : vector<128x128xf32>
    %slice3A_35 = vector.extract_strided_slice %select_n3A_28 {offsets = [0, 0], sizes = [128, 128], strides = [1, 1]} : vector<256x128xf32> to vector<128x128xf32>
    %slice3A_36 = vector.extract_strided_slice %select_n3A_28 {offsets = [128, 0], sizes = [128, 128], strides = [1, 1]} : vector<256x128xf32> to vector<128x128xf32>
    %select_n3A_37 = arith.select %ge3A_34, %slice3A_35, %slice3A_36 : vector<128x128xi1>, vector<128x128xf32>
    %slice3A_38 = vector.extract_strided_slice %max3A_31 {offsets = [0, 0], sizes = [128, 128], strides = [1, 1]} : vector<256x128xf32> to vector<128x128xf32>
    %slice3A_39 = vector.extract_strided_slice %max3A_31 {offsets = [128, 0], sizes = [128, 128], strides = [1, 1]} : vector<256x128xf32> to vector<128x128xf32>
    %max3A_40 = arith.maximumf %slice3A_38, %slice3A_39 : vector<128x128xf32>
    %slice3A_41 = vector.extract_strided_slice %max3A_40 {offsets = [0, 0], sizes = [64, 128], strides = [1, 1]} : vector<128x128xf32> to vector<64x128xf32>
    %slice3A_42 = vector.extract_strided_slice %max3A_40 {offsets = [64, 0], sizes = [64, 128], strides = [1, 1]} : vector<128x128xf32> to vector<64x128xf32>
    %ge3A_43 = arith.cmpf oge, %slice3A_41, %slice3A_42 : vector<64x128xf32>
    %slice3A_44 = vector.extract_strided_slice %select_n3A_37 {offsets = [0, 0], sizes = [64, 128], strides = [1, 1]} : vector<128x128xf32> to vector<64x128xf32>
    %slice3A_45 = vector.extract_strided_slice %select_n3A_37 {offsets = [64, 0], sizes = [64, 128], strides = [1, 1]} : vector<128x128xf32> to vector<64x128xf32>
    %select_n3A_46 = arith.select %ge3A_43, %slice3A_44, %slice3A_45 : vector<64x128xi1>, vector<64x128xf32>
    %slice3A_47 = vector.extract_strided_slice %max3A_40 {offsets = [0, 0], sizes = [64, 128], strides = [1, 1]} : vector<128x128xf32> to vector<64x128xf32>
    %slice3A_48 = vector.extract_strided_slice %max3A_40 {offsets = [64, 0], sizes = [64, 128], strides = [1, 1]} : vector<128x128xf32> to vector<64x128xf32>
    %max3A_49 = arith.maximumf %slice3A_47, %slice3A_48 : vector<64x128xf32>
    %slice3A_50 = vector.extract_strided_slice %max3A_49 {offsets = [0, 0], sizes = [32, 128], strides = [1, 1]} : vector<64x128xf32> to vector<32x128xf32>
    %slice3A_51 = vector.extract_strided_slice %max3A_49 {offsets = [32, 0], sizes = [32, 128], strides = [1, 1]} : vector<64x128xf32> to vector<32x128xf32>
    %ge3A_52 = arith.cmpf oge, %slice3A_50, %slice3A_51 : vector<32x128xf32>
    %slice3A_53 = vector.extract_strided_slice %select_n3A_46 {offsets = [0, 0], sizes = [32, 128], strides = [1, 1]} : vector<64x128xf32> to vector<32x128xf32>
    %slice3A_54 = vector.extract_strided_slice %select_n3A_46 {offsets = [32, 0], sizes = [32, 128], strides = [1, 1]} : vector<64x128xf32> to vector<32x128xf32>
    %select_n3A_55 = arith.select %ge3A_52, %slice3A_53, %slice3A_54 : vector<32x128xi1>, vector<32x128xf32>
    %slice3A_56 = vector.extract_strided_slice %max3A_49 {offsets = [0, 0], sizes = [32, 128], strides = [1, 1]} : vector<64x128xf32> to vector<32x128xf32>
    %slice3A_57 = vector.extract_strided_slice %max3A_49 {offsets = [32, 0], sizes = [32, 128], strides = [1, 1]} : vector<64x128xf32> to vector<32x128xf32>
    %max3A_58 = arith.maximumf %slice3A_56, %slice3A_57 : vector<32x128xf32>
    %slice3A_59 = vector.extract_strided_slice %max3A_58 {offsets = [0, 0], sizes = [16, 128], strides = [1, 1]} : vector<32x128xf32> to vector<16x128xf32>
    %slice3A_60 = vector.extract_strided_slice %max3A_58 {offsets = [16, 0], sizes = [16, 128], strides = [1, 1]} : vector<32x128xf32> to vector<16x128xf32>
    %ge3A_61 = arith.cmpf oge, %slice3A_59, %slice3A_60 : vector<16x128xf32>
    %slice3A_62 = vector.extract_strided_slice %select_n3A_55 {offsets = [0, 0], sizes = [16, 128], strides = [1, 1]} : vector<32x128xf32> to vector<16x128xf32>
    %slice3A_63 = vector.extract_strided_slice %select_n3A_55 {offsets = [16, 0], sizes = [16, 128], strides = [1, 1]} : vector<32x128xf32> to vector<16x128xf32>
    %select_n3A_64 = arith.select %ge3A_61, %slice3A_62, %slice3A_63 : vector<16x128xi1>, vector<16x128xf32>
    %slice3A_65 = vector.extract_strided_slice %max3A_58 {offsets = [0, 0], sizes = [16, 128], strides = [1, 1]} : vector<32x128xf32> to vector<16x128xf32>
    %slice3A_66 = vector.extract_strided_slice %max3A_58 {offsets = [16, 0], sizes = [16, 128], strides = [1, 1]} : vector<32x128xf32> to vector<16x128xf32>
    %max3A_67 = arith.maximumf %slice3A_65, %slice3A_66 : vector<16x128xf32>
    %slice3A_68 = vector.extract_strided_slice %max3A_67 {offsets = [0, 0], sizes = [8, 128], strides = [1, 1]} : vector<16x128xf32> to vector<8x128xf32>
    %slice3A_69 = vector.extract_strided_slice %max3A_67 {offsets = [8, 0], sizes = [8, 128], strides = [1, 1]} : vector<16x128xf32> to vector<8x128xf32>
    %ge3A_70 = arith.cmpf oge, %slice3A_68, %slice3A_69 : vector<8x128xf32>
    %slice3A_71 = vector.extract_strided_slice %select_n3A_64 {offsets = [0, 0], sizes = [8, 128], strides = [1, 1]} : vector<16x128xf32> to vector<8x128xf32>
    %slice3A_72 = vector.extract_strided_slice %select_n3A_64 {offsets = [8, 0], sizes = [8, 128], strides = [1, 1]} : vector<16x128xf32> to vector<8x128xf32>
    %select_n3A_73 = arith.select %ge3A_70, %slice3A_71, %slice3A_72 : vector<8x128xi1>, vector<8x128xf32>
    %slice3A_74 = vector.extract_strided_slice %max3A_67 {offsets = [0, 0], sizes = [8, 128], strides = [1, 1]} : vector<16x128xf32> to vector<8x128xf32>
    %slice3A_75 = vector.extract_strided_slice %max3A_67 {offsets = [8, 0], sizes = [8, 128], strides = [1, 1]} : vector<16x128xf32> to vector<8x128xf32>
    %max3A_76 = arith.maximumf %slice3A_74, %slice3A_75 : vector<8x128xf32>
    %reduce_max3A = arith.constant dense<0xFF800000> : vector<128xf32>
    %reduce_max3A_77 = vector.multi_reduction <maximumf>, %max3A_76, %reduce_max3A [0] : vector<8x128xf32> to vector<128xf32>
    %broadcast_in_dim3A_78 = vector.shape_cast %reduce_max3A_77 : vector<128xf32> to vector<1x128xf32>
    %ge3A_79 = vector.broadcast %broadcast_in_dim3A_78 : vector<1x128xf32> to vector<8x128xf32>
    %ge3A_80 = arith.cmpf oge, %max3A_76, %ge3A_79 : vector<8x128xf32>
    %jit3A = arith.constant 1.024000e+03 : f32
    %broadcast_in_dim3A_81 = vector.broadcast %jit3A : f32 to vector<8x128xf32>
    %select_n3A_82 = arith.select %ge3A_80, %select_n3A_73, %broadcast_in_dim3A_81 : vector<8x128xi1>, vector<8x128xf32>
    %reduce_min3A = arith.constant dense<0x7F800000> : vector<128xf32>
    %reduce_min3A_83 = vector.multi_reduction <minimumf>, %select_n3A_82, %reduce_min3A [0] : vector<8x128xf32> to vector<128xf32>
    %slice3A_84 = vector.extract_strided_slice %dot_general3A_12 {offsets = [0, 128], sizes = [1024, 128], strides = [1, 1]} : vector<1024x2048xf32> to vector<1024x128xf32>
    %slice3A_85 = vector.extract_strided_slice %slice3A_84 {offsets = [0, 0], sizes = [512, 128], strides = [1, 1]} : vector<1024x128xf32> to vector<512x128xf32>
    %slice3A_86 = vector.extract_strided_slice %slice3A_84 {offsets = [512, 0], sizes = [512, 128], strides = [1, 1]} : vector<1024x128xf32> to vector<512x128xf32>
    %ge3A_87 = arith.cmpf oge, %slice3A_85, %slice3A_86 : vector<512x128xf32>
    %slice3A_88 = vector.extract_strided_slice %get3A_15 {offsets = [0, 0], sizes = [512, 128], strides = [1, 1]} : vector<1024x128xf32> to vector<512x128xf32>
    %slice3A_89 = vector.extract_strided_slice %get3A_15 {offsets = [512, 0], sizes = [512, 128], strides = [1, 1]} : vector<1024x128xf32> to vector<512x128xf32>
    %select_n3A_90 = arith.select %ge3A_87, %slice3A_88, %slice3A_89 : vector<512x128xi1>, vector<512x128xf32>
    %slice3A_91 = vector.extract_strided_slice %slice3A_84 {offsets = [0, 0], sizes = [512, 128], strides = [1, 1]} : vector<1024x128xf32> to vector<512x128xf32>
    %slice3A_92 = vector.extract_strided_slice %slice3A_84 {offsets = [512, 0], sizes = [512, 128], strides = [1, 1]} : vector<1024x128xf32> to vector<512x128xf32>
    %max3A_93 = arith.maximumf %slice3A_91, %slice3A_92 : vector<512x128xf32>
    %slice3A_94 = vector.extract_strided_slice %max3A_93 {offsets = [0, 0], sizes = [256, 128], strides = [1, 1]} : vector<512x128xf32> to vector<256x128xf32>
    %slice3A_95 = vector.extract_strided_slice %max3A_93 {offsets = [256, 0], sizes = [256, 128], strides = [1, 1]} : vector<512x128xf32> to vector<256x128xf32>
    %ge3A_96 = arith.cmpf oge, %slice3A_94, %slice3A_95 : vector<256x128xf32>
    %slice3A_97 = vector.extract_strided_slice %select_n3A_90 {offsets = [0, 0], sizes = [256, 128], strides = [1, 1]} : vector<512x128xf32> to vector<256x128xf32>
    %slice3A_98 = vector.extract_strided_slice %select_n3A_90 {offsets = [256, 0], sizes = [256, 128], strides = [1, 1]} : vector<512x128xf32> to vector<256x128xf32>
    %select_n3A_99 = arith.select %ge3A_96, %slice3A_97, %slice3A_98 : vector<256x128xi1>, vector<256x128xf32>
    %slice3A_100 = vector.extract_strided_slice %max3A_93 {offsets = [0, 0], sizes = [256, 128], strides = [1, 1]} : vector<512x128xf32> to vector<256x128xf32>
    %slice3A_101 = vector.extract_strided_slice %max3A_93 {offsets = [256, 0], sizes = [256, 128], strides = [1, 1]} : vector<512x128xf32> to vector<256x128xf32>
    %max3A_102 = arith.maximumf %slice3A_100, %slice3A_101 : vector<256x128xf32>
    %slice3A_103 = vector.extract_strided_slice %max3A_102 {offsets = [0, 0], sizes = [128, 128], strides = [1, 1]} : vector<256x128xf32> to vector<128x128xf32>
    %slice3A_104 = vector.extract_strided_slice %max3A_102 {offsets = [128, 0], sizes = [128, 128], strides = [1, 1]} : vector<256x128xf32> to vector<128x128xf32>
    %ge3A_105 = arith.cmpf oge, %slice3A_103, %slice3A_104 : vector<128x128xf32>
    %slice3A_106 = vector.extract_strided_slice %select_n3A_99 {offsets = [0, 0], sizes = [128, 128], strides = [1, 1]} : vector<256x128xf32> to vector<128x128xf32>
    %slice3A_107 = vector.extract_strided_slice %select_n3A_99 {offsets = [128, 0], sizes = [128, 128], strides = [1, 1]} : vector<256x128xf32> to vector<128x128xf32>
    %select_n3A_108 = arith.select %ge3A_105, %slice3A_106, %slice3A_107 : vector<128x128xi1>, vector<128x128xf32>
    %slice3A_109 = vector.extract_strided_slice %max3A_102 {offsets = [0, 0], sizes = [128, 128], strides = [1, 1]} : vector<256x128xf32> to vector<128x128xf32>
    %slice3A_110 = vector.extract_strided_slice %max3A_102 {offsets = [128, 0], sizes = [128, 128], strides = [1, 1]} : vector<256x128xf32> to vector<128x128xf32>
    %max3A_111 = arith.maximumf %slice3A_109, %slice3A_110 : vector<128x128xf32>
    %slice3A_112 = vector.extract_strided_slice %max3A_111 {offsets = [0, 0], sizes = [64, 128], strides = [1, 1]} : vector<128x128xf32> to vector<64x128xf32>
    %slice3A_113 = vector.extract_strided_slice %max3A_111 {offsets = [64, 0], sizes = [64, 128], strides = [1, 1]} : vector<128x128xf32> to vector<64x128xf32>
    %ge3A_114 = arith.cmpf oge, %slice3A_112, %slice3A_113 : vector<64x128xf32>
    %slice3A_115 = vector.extract_strided_slice %select_n3A_108 {offsets = [0, 0], sizes = [64, 128], strides = [1, 1]} : vector<128x128xf32> to vector<64x128xf32>
    %slice3A_116 = vector.extract_strided_slice %select_n3A_108 {offsets = [64, 0], sizes = [64, 128], strides = [1, 1]} : vector<128x128xf32> to vector<64x128xf32>
    %select_n3A_117 = arith.select %ge3A_114, %slice3A_115, %slice3A_116 : vector<64x128xi1>, vector<64x128xf32>
    %slice3A_118 = vector.extract_strided_slice %max3A_111 {offsets = [0, 0], sizes = [64, 128], strides = [1, 1]} : vector<128x128xf32> to vector<64x128xf32>
    %slice3A_119 = vector.extract_strided_slice %max3A_111 {offsets = [64, 0], sizes = [64, 128], strides = [1, 1]} : vector<128x128xf32> to vector<64x128xf32>
    %max3A_120 = arith.maximumf %slice3A_118, %slice3A_119 : vector<64x128xf32>
    %slice3A_121 = vector.extract_strided_slice %max3A_120 {offsets = [0, 0], sizes = [32, 128], strides = [1, 1]} : vector<64x128xf32> to vector<32x128xf32>
    %slice3A_122 = vector.extract_strided_slice %max3A_120 {offsets = [32, 0], sizes = [32, 128], strides = [1, 1]} : vector<64x128xf32> to vector<32x128xf32>
    %ge3A_123 = arith.cmpf oge, %slice3A_121, %slice3A_122 : vector<32x128xf32>
    %slice3A_124 = vector.extract_strided_slice %select_n3A_117 {offsets = [0, 0], sizes = [32, 128], strides = [1, 1]} : vector<64x128xf32> to vector<32x128xf32>
    %slice3A_125 = vector.extract_strided_slice %select_n3A_117 {offsets = [32, 0], sizes = [32, 128], strides = [1, 1]} : vector<64x128xf32> to vector<32x128xf32>
    %select_n3A_126 = arith.select %ge3A_123, %slice3A_124, %slice3A_125 : vector<32x128xi1>, vector<32x128xf32>
    %slice3A_127 = vector.extract_strided_slice %max3A_120 {offsets = [0, 0], sizes = [32, 128], strides = [1, 1]} : vector<64x128xf32> to vector<32x128xf32>
    %slice3A_128 = vector.extract_strided_slice %max3A_120 {offsets = [32, 0], sizes = [32, 128], strides = [1, 1]} : vector<64x128xf32> to vector<32x128xf32>
    %max3A_129 = arith.maximumf %slice3A_127, %slice3A_128 : vector<32x128xf32>
    %slice3A_130 = vector.extract_strided_slice %max3A_129 {offsets = [0, 0], sizes = [16, 128], strides = [1, 1]} : vector<32x128xf32> to vector<16x128xf32>
    %slice3A_131 = vector.extract_strided_slice %max3A_129 {offsets = [16, 0], sizes = [16, 128], strides = [1, 1]} : vector<32x128xf32> to vector<16x128xf32>
    %ge3A_132 = arith.cmpf oge, %slice3A_130, %slice3A_131 : vector<16x128xf32>
    %slice3A_133 = vector.extract_strided_slice %select_n3A_126 {offsets = [0, 0], sizes = [16, 128], strides = [1, 1]} : vector<32x128xf32> to vector<16x128xf32>
    %slice3A_134 = vector.extract_strided_slice %select_n3A_126 {offsets = [16, 0], sizes = [16, 128], strides = [1, 1]} : vector<32x128xf32> to vector<16x128xf32>
    %select_n3A_135 = arith.select %ge3A_132, %slice3A_133, %slice3A_134 : vector<16x128xi1>, vector<16x128xf32>
    %slice3A_136 = vector.extract_strided_slice %max3A_129 {offsets = [0, 0], sizes = [16, 128], strides = [1, 1]} : vector<32x128xf32> to vector<16x128xf32>
    %slice3A_137 = vector.extract_strided_slice %max3A_129 {offsets = [16, 0], sizes = [16, 128], strides = [1, 1]} : vector<32x128xf32> to vector<16x128xf32>
    %max3A_138 = arith.maximumf %slice3A_136, %slice3A_137 : vector<16x128xf32>
    %slice3A_139 = vector.extract_strided_slice %max3A_138 {offsets = [0, 0], sizes = [8, 128], strides = [1, 1]} : vector<16x128xf32> to vector<8x128xf32>
    %slice3A_140 = vector.extract_strided_slice %max3A_138 {offsets = [8, 0], sizes = [8, 128], strides = [1, 1]} : vector<16x128xf32> to vector<8x128xf32>
    %ge3A_141 = arith.cmpf oge, %slice3A_139, %slice3A_140 : vector<8x128xf32>
    %slice3A_142 = vector.extract_strided_slice %select_n3A_135 {offsets = [0, 0], sizes = [8, 128], strides = [1, 1]} : vector<16x128xf32> to vector<8x128xf32>
    %slice3A_143 = vector.extract_strided_slice %select_n3A_135 {offsets = [8, 0], sizes = [8, 128], strides = [1, 1]} : vector<16x128xf32> to vector<8x128xf32>
    %select_n3A_144 = arith.select %ge3A_141, %slice3A_142, %slice3A_143 : vector<8x128xi1>, vector<8x128xf32>
    %slice3A_145 = vector.extract_strided_slice %max3A_138 {offsets = [0, 0], sizes = [8, 128], strides = [1, 1]} : vector<16x128xf32> to vector<8x128xf32>
    %slice3A_146 = vector.extract_strided_slice %max3A_138 {offsets = [8, 0], sizes = [8, 128], strides = [1, 1]} : vector<16x128xf32> to vector<8x128xf32>
    %max3A_147 = arith.maximumf %slice3A_145, %slice3A_146 : vector<8x128xf32>
    %reduce_max3A_148 = arith.constant dense<0xFF800000> : vector<128xf32>
    %reduce_max3A_149 = vector.multi_reduction <maximumf>, %max3A_147, %reduce_max3A_148 [0] : vector<8x128xf32> to vector<128xf32>
    %broadcast_in_dim3A_150 = vector.shape_cast %reduce_max3A_149 : vector<128xf32> to vector<1x128xf32>
    %ge3A_151 = vector.broadcast %broadcast_in_dim3A_150 : vector<1x128xf32> to vector<8x128xf32>
    %ge3A_152 = arith.cmpf oge, %max3A_147, %ge3A_151 : vector<8x128xf32>
    %jit3A_153 = arith.constant 1.024000e+03 : f32
    %broadcast_in_dim3A_154 = vector.broadcast %jit3A_153 : f32 to vector<8x128xf32>
    %select_n3A_155 = arith.select %ge3A_152, %select_n3A_144, %broadcast_in_dim3A_154 : vector<8x128xi1>, vector<8x128xf32>
    %reduce_min3A_156 = arith.constant dense<0x7F800000> : vector<128xf32>
    %reduce_min3A_157 = vector.multi_reduction <minimumf>, %select_n3A_155, %reduce_min3A_156 [0] : vector<8x128xf32> to vector<128xf32>
    %slice3A_158 = vector.extract_strided_slice %dot_general3A_12 {offsets = [0, 256], sizes = [1024, 128], strides = [1, 1]} : vector<1024x2048xf32> to vector<1024x128xf32>
    %slice3A_159 = vector.extract_strided_slice %slice3A_158 {offsets = [0, 0], sizes = [512, 128], strides = [1, 1]} : vector<1024x128xf32> to vector<512x128xf32>
    %slice3A_160 = vector.extract_strided_slice %slice3A_158 {offsets = [512, 0], sizes = [512, 128], strides = [1, 1]} : vector<1024x128xf32> to vector<512x128xf32>
    %ge3A_161 = arith.cmpf oge, %slice3A_159, %slice3A_160 : vector<512x128xf32>
    %slice3A_162 = vector.extract_strided_slice %get3A_15 {offsets = [0, 0], sizes = [512, 128], strides = [1, 1]} : vector<1024x128xf32> to vector<512x128xf32>
    %slice3A_163 = vector.extract_strided_slice %get3A_15 {offsets = [512, 0], sizes = [512, 128], strides = [1, 1]} : vector<1024x128xf32> to vector<512x128xf32>
    %select_n3A_164 = arith.select %ge3A_161, %slice3A_162, %slice3A_163 : vector<512x128xi1>, vector<512x128xf32>
    %slice3A_165 = vector.extract_strided_slice %slice3A_158 {offsets = [0, 0], sizes = [512, 128], strides = [1, 1]} : vector<1024x128xf32> to vector<512x128xf32>
    %slice3A_166 = vector.extract_strided_slice %slice3A_158 {offsets = [512, 0], sizes = [512, 128], strides = [1, 1]} : vector<1024x128xf32> to vector<512x128xf32>
    %max3A_167 = arith.maximumf %slice3A_165, %slice3A_166 : vector<512x128xf32>
    %slice3A_168 = vector.extract_strided_slice %max3A_167 {offsets = [0, 0], sizes = [256, 128], strides = [1, 1]} : vector<512x128xf32> to vector<256x128xf32>
    %slice3A_169 = vector.extract_strided_slice %max3A_167 {offsets = [256, 0], sizes = [256, 128], strides = [1, 1]} : vector<512x128xf32> to vector<256x128xf32>
    %ge3A_170 = arith.cmpf oge, %slice3A_168, %slice3A_169 : vector<256x128xf32>
    %slice3A_171 = vector.extract_strided_slice %select_n3A_164 {offsets = [0, 0], sizes = [256, 128], strides = [1, 1]} : vector<512x128xf32> to vector<256x128xf32>
    %slice3A_172 = vector.extract_strided_slice %select_n3A_164 {offsets = [256, 0], sizes = [256, 128], strides = [1, 1]} : vector<512x128xf32> to vector<256x128xf32>
    %select_n3A_173 = arith.select %ge3A_170, %slice3A_171, %slice3A_172 : vector<256x128xi1>, vector<256x128xf32>
    %slice3A_174 = vector.extract_strided_slice %max3A_167 {offsets = [0, 0], sizes = [256, 128], strides = [1, 1]} : vector<512x128xf32> to vector<256x128xf32>
    %slice3A_175 = vector.extract_strided_slice %max3A_167 {offsets = [256, 0], sizes = [256, 128], strides = [1, 1]} : vector<512x128xf32> to vector<256x128xf32>
    %max3A_176 = arith.maximumf %slice3A_174, %slice3A_175 : vector<256x128xf32>
    %slice3A_177 = vector.extract_strided_slice %max3A_176 {offsets = [0, 0], sizes = [128, 128], strides = [1, 1]} : vector<256x128xf32> to vector<128x128xf32>
    %slice3A_178 = vector.extract_strided_slice %max3A_176 {offsets = [128, 0], sizes = [128, 128], strides = [1, 1]} : vector<256x128xf32> to vector<128x128xf32>
    %ge3A_179 = arith.cmpf oge, %slice3A_177, %slice3A_178 : vector<128x128xf32>
    %slice3A_180 = vector.extract_strided_slice %select_n3A_173 {offsets = [0, 0], sizes = [128, 128], strides = [1, 1]} : vector<256x128xf32> to vector<128x128xf32>
    %slice3A_181 = vector.extract_strided_slice %select_n3A_173 {offsets = [128, 0], sizes = [128, 128], strides = [1, 1]} : vector<256x128xf32> to vector<128x128xf32>
    %select_n3A_182 = arith.select %ge3A_179, %slice3A_180, %slice3A_181 : vector<128x128xi1>, vector<128x128xf32>
    %slice3A_183 = vector.extract_strided_slice %max3A_176 {offsets = [0, 0], sizes = [128, 128], strides = [1, 1]} : vector<256x128xf32> to vector<128x128xf32>
    %slice3A_184 = vector.extract_strided_slice %max3A_176 {offsets = [128, 0], sizes = [128, 128], strides = [1, 1]} : vector<256x128xf32> to vector<128x128xf32>
    %max3A_185 = arith.maximumf %slice3A_183, %slice3A_184 : vector<128x128xf32>
    %slice3A_186 = vector.extract_strided_slice %max3A_185 {offsets = [0, 0], sizes = [64, 128], strides = [1, 1]} : vector<128x128xf32> to vector<64x128xf32>
    %slice3A_187 = vector.extract_strided_slice %max3A_185 {offsets = [64, 0], sizes = [64, 128], strides = [1, 1]} : vector<128x128xf32> to vector<64x128xf32>
    %ge3A_188 = arith.cmpf oge, %slice3A_186, %slice3A_187 : vector<64x128xf32>
    %slice3A_189 = vector.extract_strided_slice %select_n3A_182 {offsets = [0, 0], sizes = [64, 128], strides = [1, 1]} : vector<128x128xf32> to vector<64x128xf32>
    %slice3A_190 = vector.extract_strided_slice %select_n3A_182 {offsets = [64, 0], sizes = [64, 128], strides = [1, 1]} : vector<128x128xf32> to vector<64x128xf32>
    %select_n3A_191 = arith.select %ge3A_188, %slice3A_189, %slice3A_190 : vector<64x128xi1>, vector<64x128xf32>
    %slice3A_192 = vector.extract_strided_slice %max3A_185 {offsets = [0, 0], sizes = [64, 128], strides = [1, 1]} : vector<128x128xf32> to vector<64x128xf32>
    %slice3A_193 = vector.extract_strided_slice %max3A_185 {offsets = [64, 0], sizes = [64, 128], strides = [1, 1]} : vector<128x128xf32> to vector<64x128xf32>
    %max3A_194 = arith.maximumf %slice3A_192, %slice3A_193 : vector<64x128xf32>
    %slice3A_195 = vector.extract_strided_slice %max3A_194 {offsets = [0, 0], sizes = [32, 128], strides = [1, 1]} : vector<64x128xf32> to vector<32x128xf32>
    %slice3A_196 = vector.extract_strided_slice %max3A_194 {offsets = [32, 0], sizes = [32, 128], strides = [1, 1]} : vector<64x128xf32> to vector<32x128xf32>
    %ge3A_197 = arith.cmpf oge, %slice3A_195, %slice3A_196 : vector<32x128xf32>
    %slice3A_198 = vector.extract_strided_slice %select_n3A_191 {offsets = [0, 0], sizes = [32, 128], strides = [1, 1]} : vector<64x128xf32> to vector<32x128xf32>
    %slice3A_199 = vector.extract_strided_slice %select_n3A_191 {offsets = [32, 0], sizes = [32, 128], strides = [1, 1]} : vector<64x128xf32> to vector<32x128xf32>
    %select_n3A_200 = arith.select %ge3A_197, %slice3A_198, %slice3A_199 : vector<32x128xi1>, vector<32x128xf32>
    %slice3A_201 = vector.extract_strided_slice %max3A_194 {offsets = [0, 0], sizes = [32, 128], strides = [1, 1]} : vector<64x128xf32> to vector<32x128xf32>
    %slice3A_202 = vector.extract_strided_slice %max3A_194 {offsets = [32, 0], sizes = [32, 128], strides = [1, 1]} : vector<64x128xf32> to vector<32x128xf32>
    %max3A_203 = arith.maximumf %slice3A_201, %slice3A_202 : vector<32x128xf32>
    %slice3A_204 = vector.extract_strided_slice %max3A_203 {offsets = [0, 0], sizes = [16, 128], strides = [1, 1]} : vector<32x128xf32> to vector<16x128xf32>
    %slice3A_205 = vector.extract_strided_slice %max3A_203 {offsets = [16, 0], sizes = [16, 128], strides = [1, 1]} : vector<32x128xf32> to vector<16x128xf32>
    %ge3A_206 = arith.cmpf oge, %slice3A_204, %slice3A_205 : vector<16x128xf32>
    %slice3A_207 = vector.extract_strided_slice %select_n3A_200 {offsets = [0, 0], sizes = [16, 128], strides = [1, 1]} : vector<32x128xf32> to vector<16x128xf32>
    %slice3A_208 = vector.extract_strided_slice %select_n3A_200 {offsets = [16, 0], sizes = [16, 128], strides = [1, 1]} : vector<32x128xf32> to vector<16x128xf32>
    %select_n3A_209 = arith.select %ge3A_206, %slice3A_207, %slice3A_208 : vector<16x128xi1>, vector<16x128xf32>
    %slice3A_210 = vector.extract_strided_slice %max3A_203 {offsets = [0, 0], sizes = [16, 128], strides = [1, 1]} : vector<32x128xf32> to vector<16x128xf32>
    %slice3A_211 = vector.extract_strided_slice %max3A_203 {offsets = [16, 0], sizes = [16, 128], strides = [1, 1]} : vector<32x128xf32> to vector<16x128xf32>
    %max3A_212 = arith.maximumf %slice3A_210, %slice3A_211 : vector<16x128xf32>
    %slice3A_213 = vector.extract_strided_slice %max3A_212 {offsets = [0, 0], sizes = [8, 128], strides = [1, 1]} : vector<16x128xf32> to vector<8x128xf32>
    %slice3A_214 = vector.extract_strided_slice %max3A_212 {offsets = [8, 0], sizes = [8, 128], strides = [1, 1]} : vector<16x128xf32> to vector<8x128xf32>
    %ge3A_215 = arith.cmpf oge, %slice3A_213, %slice3A_214 : vector<8x128xf32>
    %slice3A_216 = vector.extract_strided_slice %select_n3A_209 {offsets = [0, 0], sizes = [8, 128], strides = [1, 1]} : vector<16x128xf32> to vector<8x128xf32>
    %slice3A_217 = vector.extract_strided_slice %select_n3A_209 {offsets = [8, 0], sizes = [8, 128], strides = [1, 1]} : vector<16x128xf32> to vector<8x128xf32>
    %select_n3A_218 = arith.select %ge3A_215, %slice3A_216, %slice3A_217 : vector<8x128xi1>, vector<8x128xf32>
    %slice3A_219 = vector.extract_strided_slice %max3A_212 {offsets = [0, 0], sizes = [8, 128], strides = [1, 1]} : vector<16x128xf32> to vector<8x128xf32>
    %slice3A_220 = vector.extract_strided_slice %max3A_212 {offsets = [8, 0], sizes = [8, 128], strides = [1, 1]} : vector<16x128xf32> to vector<8x128xf32>
    %max3A_221 = arith.maximumf %slice3A_219, %slice3A_220 : vector<8x128xf32>
    %reduce_max3A_222 = arith.constant dense<0xFF800000> : vector<128xf32>
    %reduce_max3A_223 = vector.multi_reduction <maximumf>, %max3A_221, %reduce_max3A_222 [0] : vector<8x128xf32> to vector<128xf32>
    %broadcast_in_dim3A_224 = vector.shape_cast %reduce_max3A_223 : vector<128xf32> to vector<1x128xf32>
    %ge3A_225 = vector.broadcast %broadcast_in_dim3A_224 : vector<1x128xf32> to vector<8x128xf32>
    %ge3A_226 = arith.cmpf oge, %max3A_221, %ge3A_225 : vector<8x128xf32>
    %jit3A_227 = arith.constant 1.024000e+03 : f32
    %broadcast_in_dim3A_228 = vector.broadcast %jit3A_227 : f32 to vector<8x128xf32>
    %select_n3A_229 = arith.select %ge3A_226, %select_n3A_218, %broadcast_in_dim3A_228 : vector<8x128xi1>, vector<8x128xf32>
    %reduce_min3A_230 = arith.constant dense<0x7F800000> : vector<128xf32>
    %reduce_min3A_231 = vector.multi_reduction <minimumf>, %select_n3A_229, %reduce_min3A_230 [0] : vector<8x128xf32> to vector<128xf32>
    %slice3A_232 = vector.extract_strided_slice %dot_general3A_12 {offsets = [0, 384], sizes = [1024, 128], strides = [1, 1]} : vector<1024x2048xf32> to vector<1024x128xf32>
    %slice3A_233 = vector.extract_strided_slice %slice3A_232 {offsets = [0, 0], sizes = [512, 128], strides = [1, 1]} : vector<1024x128xf32> to vector<512x128xf32>
    %slice3A_234 = vector.extract_strided_slice %slice3A_232 {offsets = [512, 0], sizes = [512, 128], strides = [1, 1]} : vector<1024x128xf32> to vector<512x128xf32>
    %ge3A_235 = arith.cmpf oge, %slice3A_233, %slice3A_234 : vector<512x128xf32>
    %slice3A_236 = vector.extract_strided_slice %get3A_15 {offsets = [0, 0], sizes = [512, 128], strides = [1, 1]} : vector<1024x128xf32> to vector<512x128xf32>
    %slice3A_237 = vector.extract_strided_slice %get3A_15 {offsets = [512, 0], sizes = [512, 128], strides = [1, 1]} : vector<1024x128xf32> to vector<512x128xf32>
    %select_n3A_238 = arith.select %ge3A_235, %slice3A_236, %slice3A_237 : vector<512x128xi1>, vector<512x128xf32>
    %slice3A_239 = vector.extract_strided_slice %slice3A_232 {offsets = [0, 0], sizes = [512, 128], strides = [1, 1]} : vector<1024x128xf32> to vector<512x128xf32>
    %slice3A_240 = vector.extract_strided_slice %slice3A_232 {offsets = [512, 0], sizes = [512, 128], strides = [1, 1]} : vector<1024x128xf32> to vector<512x128xf32>
    %max3A_241 = arith.maximumf %slice3A_239, %slice3A_240 : vector<512x128xf32>
    %slice3A_242 = vector.extract_strided_slice %max3A_241 {offsets = [0, 0], sizes = [256, 128], strides = [1, 1]} : vector<512x128xf32> to vector<256x128xf32>
    %slice3A_243 = vector.extract_strided_slice %max3A_241 {offsets = [256, 0], sizes = [256, 128], strides = [1, 1]} : vector<512x128xf32> to vector<256x128xf32>
    %ge3A_244 = arith.cmpf oge, %slice3A_242, %slice3A_243 : vector<256x128xf32>
    %slice3A_245 = vector.extract_strided_slice %select_n3A_238 {offsets = [0, 0], sizes = [256, 128], strides = [1, 1]} : vector<512x128xf32> to vector<256x128xf32>
    %slice3A_246 = vector.extract_strided_slice %select_n3A_238 {offsets = [256, 0], sizes = [256, 128], strides = [1, 1]} : vector<512x128xf32> to vector<256x128xf32>
    %select_n3A_247 = arith.select %ge3A_244, %slice3A_245, %slice3A_246 : vector<256x128xi1>, vector<256x128xf32>
    %slice3A_248 = vector.extract_strided_slice %max3A_241 {offsets = [0, 0], sizes = [256, 128], strides = [1, 1]} : vector<512x128xf32> to vector<256x128xf32>
    %slice3A_249 = vector.extract_strided_slice %max3A_241 {offsets = [256, 0], sizes = [256, 128], strides = [1, 1]} : vector<512x128xf32> to vector<256x128xf32>
    %max3A_250 = arith.maximumf %slice3A_248, %slice3A_249 : vector<256x128xf32>
    %slice3A_251 = vector.extract_strided_slice %max3A_250 {offsets = [0, 0], sizes = [128, 128], strides = [1, 1]} : vector<256x128xf32> to vector<128x128xf32>
    %slice3A_252 = vector.extract_strided_slice %max3A_250 {offsets = [128, 0], sizes = [128, 128], strides = [1, 1]} : vector<256x128xf32> to vector<128x128xf32>
    %ge3A_253 = arith.cmpf oge, %slice3A_251, %slice3A_252 : vector<128x128xf32>
    %slice3A_254 = vector.extract_strided_slice %select_n3A_247 {offsets = [0, 0], sizes = [128, 128], strides = [1, 1]} : vector<256x128xf32> to vector<128x128xf32>
    %slice3A_255 = vector.extract_strided_slice %select_n3A_247 {offsets = [128, 0], sizes = [128, 128], strides = [1, 1]} : vector<256x128xf32> to vector<128x128xf32>
    %select_n3A_256 = arith.select %ge3A_253, %slice3A_254, %slice3A_255 : vector<128x128xi1>, vector<128x128xf32>
    %slice3A_257 = vector.extract_strided_slice %max3A_250 {offsets = [0, 0], sizes = [128, 128], strides = [1, 1]} : vector<256x128xf32> to vector<128x128xf32>
    %slice3A_258 = vector.extract_strided_slice %max3A_250 {offsets = [128, 0], sizes = [128, 128], strides = [1, 1]} : vector<256x128xf32> to vector<128x128xf32>
    %max3A_259 = arith.maximumf %slice3A_257, %slice3A_258 : vector<128x128xf32>
    %slice3A_260 = vector.extract_strided_slice %max3A_259 {offsets = [0, 0], sizes = [64, 128], strides = [1, 1]} : vector<128x128xf32> to vector<64x128xf32>
    %slice3A_261 = vector.extract_strided_slice %max3A_259 {offsets = [64, 0], sizes = [64, 128], strides = [1, 1]} : vector<128x128xf32> to vector<64x128xf32>
    %ge3A_262 = arith.cmpf oge, %slice3A_260, %slice3A_261 : vector<64x128xf32>
    %slice3A_263 = vector.extract_strided_slice %select_n3A_256 {offsets = [0, 0], sizes = [64, 128], strides = [1, 1]} : vector<128x128xf32> to vector<64x128xf32>
    %slice3A_264 = vector.extract_strided_slice %select_n3A_256 {offsets = [64, 0], sizes = [64, 128], strides = [1, 1]} : vector<128x128xf32> to vector<64x128xf32>
    %select_n3A_265 = arith.select %ge3A_262, %slice3A_263, %slice3A_264 : vector<64x128xi1>, vector<64x128xf32>
    %slice3A_266 = vector.extract_strided_slice %max3A_259 {offsets = [0, 0], sizes = [64, 128], strides = [1, 1]} : vector<128x128xf32> to vector<64x128xf32>
    %slice3A_267 = vector.extract_strided_slice %max3A_259 {offsets = [64, 0], sizes = [64, 128], strides = [1, 1]} : vector<128x128xf32> to vector<64x128xf32>
    %max3A_268 = arith.maximumf %slice3A_266, %slice3A_267 : vector<64x128xf32>
    %slice3A_269 = vector.extract_strided_slice %max3A_268 {offsets = [0, 0], sizes = [32, 128], strides = [1, 1]} : vector<64x128xf32> to vector<32x128xf32>
    %slice3A_270 = vector.extract_strided_slice %max3A_268 {offsets = [32, 0], sizes = [32, 128], strides = [1, 1]} : vector<64x128xf32> to vector<32x128xf32>
    %ge3A_271 = arith.cmpf oge, %slice3A_269, %slice3A_270 : vector<32x128xf32>
    %slice3A_272 = vector.extract_strided_slice %select_n3A_265 {offsets = [0, 0], sizes = [32, 128], strides = [1, 1]} : vector<64x128xf32> to vector<32x128xf32>
    %slice3A_273 = vector.extract_strided_slice %select_n3A_265 {offsets = [32, 0], sizes = [32, 128], strides = [1, 1]} : vector<64x128xf32> to vector<32x128xf32>
    %select_n3A_274 = arith.select %ge3A_271, %slice3A_272, %slice3A_273 : vector<32x128xi1>, vector<32x128xf32>
    %slice3A_275 = vector.extract_strided_slice %max3A_268 {offsets = [0, 0], sizes = [32, 128], strides = [1, 1]} : vector<64x128xf32> to vector<32x128xf32>
    %slice3A_276 = vector.extract_strided_slice %max3A_268 {offsets = [32, 0], sizes = [32, 128], strides = [1, 1]} : vector<64x128xf32> to vector<32x128xf32>
    %max3A_277 = arith.maximumf %slice3A_275, %slice3A_276 : vector<32x128xf32>
    %slice3A_278 = vector.extract_strided_slice %max3A_277 {offsets = [0, 0], sizes = [16, 128], strides = [1, 1]} : vector<32x128xf32> to vector<16x128xf32>
    %slice3A_279 = vector.extract_strided_slice %max3A_277 {offsets = [16, 0], sizes = [16, 128], strides = [1, 1]} : vector<32x128xf32> to vector<16x128xf32>
    %ge3A_280 = arith.cmpf oge, %slice3A_278, %slice3A_279 : vector<16x128xf32>
    %slice3A_281 = vector.extract_strided_slice %select_n3A_274 {offsets = [0, 0], sizes = [16, 128], strides = [1, 1]} : vector<32x128xf32> to vector<16x128xf32>
    %slice3A_282 = vector.extract_strided_slice %select_n3A_274 {offsets = [16, 0], sizes = [16, 128], strides = [1, 1]} : vector<32x128xf32> to vector<16x128xf32>
    %select_n3A_283 = arith.select %ge3A_280, %slice3A_281, %slice3A_282 : vector<16x128xi1>, vector<16x128xf32>
    %slice3A_284 = vector.extract_strided_slice %max3A_277 {offsets = [0, 0], sizes = [16, 128], strides = [1, 1]} : vector<32x128xf32> to vector<16x128xf32>
    %slice3A_285 = vector.extract_strided_slice %max3A_277 {offsets = [16, 0], sizes = [16, 128], strides = [1, 1]} : vector<32x128xf32> to vector<16x128xf32>
    %max3A_286 = arith.maximumf %slice3A_284, %slice3A_285 : vector<16x128xf32>
    %slice3A_287 = vector.extract_strided_slice %max3A_286 {offsets = [0, 0], sizes = [8, 128], strides = [1, 1]} : vector<16x128xf32> to vector<8x128xf32>
    %slice3A_288 = vector.extract_strided_slice %max3A_286 {offsets = [8, 0], sizes = [8, 128], strides = [1, 1]} : vector<16x128xf32> to vector<8x128xf32>
    %ge3A_289 = arith.cmpf oge, %slice3A_287, %slice3A_288 : vector<8x128xf32>
    %slice3A_290 = vector.extract_strided_slice %select_n3A_283 {offsets = [0, 0], sizes = [8, 128], strides = [1, 1]} : vector<16x128xf32> to vector<8x128xf32>
    %slice3A_291 = vector.extract_strided_slice %select_n3A_283 {offsets = [8, 0], sizes = [8, 128], strides = [1, 1]} : vector<16x128xf32> to vector<8x128xf32>
    %select_n3A_292 = arith.select %ge3A_289, %slice3A_290, %slice3A_291 : vector<8x128xi1>, vector<8x128xf32>
    %slice3A_293 = vector.extract_strided_slice %max3A_286 {offsets = [0, 0], sizes = [8, 128], strides = [1, 1]} : vector<16x128xf32> to vector<8x128xf32>
    %slice3A_294 = vector.extract_strided_slice %max3A_286 {offsets = [8, 0], sizes = [8, 128], strides = [1, 1]} : vector<16x128xf32> to vector<8x128xf32>
    %max3A_295 = arith.maximumf %slice3A_293, %slice3A_294 : vector<8x128xf32>
    %reduce_max3A_296 = arith.constant dense<0xFF800000> : vector<128xf32>
    %reduce_max3A_297 = vector.multi_reduction <maximumf>, %max3A_295, %reduce_max3A_296 [0] : vector<8x128xf32> to vector<128xf32>
    %broadcast_in_dim3A_298 = vector.shape_cast %reduce_max3A_297 : vector<128xf32> to vector<1x128xf32>
    %ge3A_299 = vector.broadcast %broadcast_in_dim3A_298 : vector<1x128xf32> to vector<8x128xf32>
    %ge3A_300 = arith.cmpf oge, %max3A_295, %ge3A_299 : vector<8x128xf32>
    %jit3A_301 = arith.constant 1.024000e+03 : f32
    %broadcast_in_dim3A_302 = vector.broadcast %jit3A_301 : f32 to vector<8x128xf32>
    %select_n3A_303 = arith.select %ge3A_300, %select_n3A_292, %broadcast_in_dim3A_302 : vector<8x128xi1>, vector<8x128xf32>
    %reduce_min3A_304 = arith.constant dense<0x7F800000> : vector<128xf32>
    %reduce_min3A_305 = vector.multi_reduction <minimumf>, %select_n3A_303, %reduce_min3A_304 [0] : vector<8x128xf32> to vector<128xf32>
    %slice3A_306 = vector.extract_strided_slice %dot_general3A_12 {offsets = [0, 512], sizes = [1024, 128], strides = [1, 1]} : vector<1024x2048xf32> to vector<1024x128xf32>
    %slice3A_307 = vector.extract_strided_slice %slice3A_306 {offsets = [0, 0], sizes = [512, 128], strides = [1, 1]} : vector<1024x128xf32> to vector<512x128xf32>
    %slice3A_308 = vector.extract_strided_slice %slice3A_306 {offsets = [512, 0], sizes = [512, 128], strides = [1, 1]} : vector<1024x128xf32> to vector<512x128xf32>
    %ge3A_309 = arith.cmpf oge, %slice3A_307, %slice3A_308 : vector<512x128xf32>
    %slice3A_310 = vector.extract_strided_slice %get3A_15 {offsets = [0, 0], sizes = [512, 128], strides = [1, 1]} : vector<1024x128xf32> to vector<512x128xf32>
    %slice3A_311 = vector.extract_strided_slice %get3A_15 {offsets = [512, 0], sizes = [512, 128], strides = [1, 1]} : vector<1024x128xf32> to vector<512x128xf32>
    %select_n3A_312 = arith.select %ge3A_309, %slice3A_310, %slice3A_311 : vector<512x128xi1>, vector<512x128xf32>
    %slice3A_313 = vector.extract_strided_slice %slice3A_306 {offsets = [0, 0], sizes = [512, 128], strides = [1, 1]} : vector<1024x128xf32> to vector<512x128xf32>
    %slice3A_314 = vector.extract_strided_slice %slice3A_306 {offsets = [512, 0], sizes = [512, 128], strides = [1, 1]} : vector<1024x128xf32> to vector<512x128xf32>
    %max3A_315 = arith.maximumf %slice3A_313, %slice3A_314 : vector<512x128xf32>
    %slice3A_316 = vector.extract_strided_slice %max3A_315 {offsets = [0, 0], sizes = [256, 128], strides = [1, 1]} : vector<512x128xf32> to vector<256x128xf32>
    %slice3A_317 = vector.extract_strided_slice %max3A_315 {offsets = [256, 0], sizes = [256, 128], strides = [1, 1]} : vector<512x128xf32> to vector<256x128xf32>
    %ge3A_318 = arith.cmpf oge, %slice3A_316, %slice3A_317 : vector<256x128xf32>
    %slice3A_319 = vector.extract_strided_slice %select_n3A_312 {offsets = [0, 0], sizes = [256, 128], strides = [1, 1]} : vector<512x128xf32> to vector<256x128xf32>
    %slice3A_320 = vector.extract_strided_slice %select_n3A_312 {offsets = [256, 0], sizes = [256, 128], strides = [1, 1]} : vector<512x128xf32> to vector<256x128xf32>
    %select_n3A_321 = arith.select %ge3A_318, %slice3A_319, %slice3A_320 : vector<256x128xi1>, vector<256x128xf32>
    %slice3A_322 = vector.extract_strided_slice %max3A_315 {offsets = [0, 0], sizes = [256, 128], strides = [1, 1]} : vector<512x128xf32> to vector<256x128xf32>
    %slice3A_323 = vector.extract_strided_slice %max3A_315 {offsets = [256, 0], sizes = [256, 128], strides = [1, 1]} : vector<512x128xf32> to vector<256x128xf32>
    %max3A_324 = arith.maximumf %slice3A_322, %slice3A_323 : vector<256x128xf32>
    %slice3A_325 = vector.extract_strided_slice %max3A_324 {offsets = [0, 0], sizes = [128, 128], strides = [1, 1]} : vector<256x128xf32> to vector<128x128xf32>
    %slice3A_326 = vector.extract_strided_slice %max3A_324 {offsets = [128, 0], sizes = [128, 128], strides = [1, 1]} : vector<256x128xf32> to vector<128x128xf32>
    %ge3A_327 = arith.cmpf oge, %slice3A_325, %slice3A_326 : vector<128x128xf32>
    %slice3A_328 = vector.extract_strided_slice %select_n3A_321 {offsets = [0, 0], sizes = [128, 128], strides = [1, 1]} : vector<256x128xf32> to vector<128x128xf32>
    %slice3A_329 = vector.extract_strided_slice %select_n3A_321 {offsets = [128, 0], sizes = [128, 128], strides = [1, 1]} : vector<256x128xf32> to vector<128x128xf32>
    %select_n3A_330 = arith.select %ge3A_327, %slice3A_328, %slice3A_329 : vector<128x128xi1>, vector<128x128xf32>
    %slice3A_331 = vector.extract_strided_slice %max3A_324 {offsets = [0, 0], sizes = [128, 128], strides = [1, 1]} : vector<256x128xf32> to vector<128x128xf32>
    %slice3A_332 = vector.extract_strided_slice %max3A_324 {offsets = [128, 0], sizes = [128, 128], strides = [1, 1]} : vector<256x128xf32> to vector<128x128xf32>
    %max3A_333 = arith.maximumf %slice3A_331, %slice3A_332 : vector<128x128xf32>
    %slice3A_334 = vector.extract_strided_slice %max3A_333 {offsets = [0, 0], sizes = [64, 128], strides = [1, 1]} : vector<128x128xf32> to vector<64x128xf32>
    %slice3A_335 = vector.extract_strided_slice %max3A_333 {offsets = [64, 0], sizes = [64, 128], strides = [1, 1]} : vector<128x128xf32> to vector<64x128xf32>
    %ge3A_336 = arith.cmpf oge, %slice3A_334, %slice3A_335 : vector<64x128xf32>
    %slice3A_337 = vector.extract_strided_slice %select_n3A_330 {offsets = [0, 0], sizes = [64, 128], strides = [1, 1]} : vector<128x128xf32> to vector<64x128xf32>
    %slice3A_338 = vector.extract_strided_slice %select_n3A_330 {offsets = [64, 0], sizes = [64, 128], strides = [1, 1]} : vector<128x128xf32> to vector<64x128xf32>
    %select_n3A_339 = arith.select %ge3A_336, %slice3A_337, %slice3A_338 : vector<64x128xi1>, vector<64x128xf32>
    %slice3A_340 = vector.extract_strided_slice %max3A_333 {offsets = [0, 0], sizes = [64, 128], strides = [1, 1]} : vector<128x128xf32> to vector<64x128xf32>
    %slice3A_341 = vector.extract_strided_slice %max3A_333 {offsets = [64, 0], sizes = [64, 128], strides = [1, 1]} : vector<128x128xf32> to vector<64x128xf32>
    %max3A_342 = arith.maximumf %slice3A_340, %slice3A_341 : vector<64x128xf32>
    %slice3A_343 = vector.extract_strided_slice %max3A_342 {offsets = [0, 0], sizes = [32, 128], strides = [1, 1]} : vector<64x128xf32> to vector<32x128xf32>
    %slice3A_344 = vector.extract_strided_slice %max3A_342 {offsets = [32, 0], sizes = [32, 128], strides = [1, 1]} : vector<64x128xf32> to vector<32x128xf32>
    %ge3A_345 = arith.cmpf oge, %slice3A_343, %slice3A_344 : vector<32x128xf32>
    %slice3A_346 = vector.extract_strided_slice %select_n3A_339 {offsets = [0, 0], sizes = [32, 128], strides = [1, 1]} : vector<64x128xf32> to vector<32x128xf32>
    %slice3A_347 = vector.extract_strided_slice %select_n3A_339 {offsets = [32, 0], sizes = [32, 128], strides = [1, 1]} : vector<64x128xf32> to vector<32x128xf32>
    %select_n3A_348 = arith.select %ge3A_345, %slice3A_346, %slice3A_347 : vector<32x128xi1>, vector<32x128xf32>
    %slice3A_349 = vector.extract_strided_slice %max3A_342 {offsets = [0, 0], sizes = [32, 128], strides = [1, 1]} : vector<64x128xf32> to vector<32x128xf32>
    %slice3A_350 = vector.extract_strided_slice %max3A_342 {offsets = [32, 0], sizes = [32, 128], strides = [1, 1]} : vector<64x128xf32> to vector<32x128xf32>
    %max3A_351 = arith.maximumf %slice3A_349, %slice3A_350 : vector<32x128xf32>
    %slice3A_352 = vector.extract_strided_slice %max3A_351 {offsets = [0, 0], sizes = [16, 128], strides = [1, 1]} : vector<32x128xf32> to vector<16x128xf32>
    %slice3A_353 = vector.extract_strided_slice %max3A_351 {offsets = [16, 0], sizes = [16, 128], strides = [1, 1]} : vector<32x128xf32> to vector<16x128xf32>
    %ge3A_354 = arith.cmpf oge, %slice3A_352, %slice3A_353 : vector<16x128xf32>
    %slice3A_355 = vector.extract_strided_slice %select_n3A_348 {offsets = [0, 0], sizes = [16, 128], strides = [1, 1]} : vector<32x128xf32> to vector<16x128xf32>
    %slice3A_356 = vector.extract_strided_slice %select_n3A_348 {offsets = [16, 0], sizes = [16, 128], strides = [1, 1]} : vector<32x128xf32> to vector<16x128xf32>
    %select_n3A_357 = arith.select %ge3A_354, %slice3A_355, %slice3A_356 : vector<16x128xi1>, vector<16x128xf32>
    %slice3A_358 = vector.extract_strided_slice %max3A_351 {offsets = [0, 0], sizes = [16, 128], strides = [1, 1]} : vector<32x128xf32> to vector<16x128xf32>
    %slice3A_359 = vector.extract_strided_slice %max3A_351 {offsets = [16, 0], sizes = [16, 128], strides = [1, 1]} : vector<32x128xf32> to vector<16x128xf32>
    %max3A_360 = arith.maximumf %slice3A_358, %slice3A_359 : vector<16x128xf32>
    %slice3A_361 = vector.extract_strided_slice %max3A_360 {offsets = [0, 0], sizes = [8, 128], strides = [1, 1]} : vector<16x128xf32> to vector<8x128xf32>
    %slice3A_362 = vector.extract_strided_slice %max3A_360 {offsets = [8, 0], sizes = [8, 128], strides = [1, 1]} : vector<16x128xf32> to vector<8x128xf32>
    %ge3A_363 = arith.cmpf oge, %slice3A_361, %slice3A_362 : vector<8x128xf32>
    %slice3A_364 = vector.extract_strided_slice %select_n3A_357 {offsets = [0, 0], sizes = [8, 128], strides = [1, 1]} : vector<16x128xf32> to vector<8x128xf32>
    %slice3A_365 = vector.extract_strided_slice %select_n3A_357 {offsets = [8, 0], sizes = [8, 128], strides = [1, 1]} : vector<16x128xf32> to vector<8x128xf32>
    %select_n3A_366 = arith.select %ge3A_363, %slice3A_364, %slice3A_365 : vector<8x128xi1>, vector<8x128xf32>
    %slice3A_367 = vector.extract_strided_slice %max3A_360 {offsets = [0, 0], sizes = [8, 128], strides = [1, 1]} : vector<16x128xf32> to vector<8x128xf32>
    %slice3A_368 = vector.extract_strided_slice %max3A_360 {offsets = [8, 0], sizes = [8, 128], strides = [1, 1]} : vector<16x128xf32> to vector<8x128xf32>
    %max3A_369 = arith.maximumf %slice3A_367, %slice3A_368 : vector<8x128xf32>
    %reduce_max3A_370 = arith.constant dense<0xFF800000> : vector<128xf32>
    %reduce_max3A_371 = vector.multi_reduction <maximumf>, %max3A_369, %reduce_max3A_370 [0] : vector<8x128xf32> to vector<128xf32>
    %broadcast_in_dim3A_372 = vector.shape_cast %reduce_max3A_371 : vector<128xf32> to vector<1x128xf32>
    %ge3A_373 = vector.broadcast %broadcast_in_dim3A_372 : vector<1x128xf32> to vector<8x128xf32>
    %ge3A_374 = arith.cmpf oge, %max3A_369, %ge3A_373 : vector<8x128xf32>
    %jit3A_375 = arith.constant 1.024000e+03 : f32
    %broadcast_in_dim3A_376 = vector.broadcast %jit3A_375 : f32 to vector<8x128xf32>
    %select_n3A_377 = arith.select %ge3A_374, %select_n3A_366, %broadcast_in_dim3A_376 : vector<8x128xi1>, vector<8x128xf32>
    %reduce_min3A_378 = arith.constant dense<0x7F800000> : vector<128xf32>
    %reduce_min3A_379 = vector.multi_reduction <minimumf>, %select_n3A_377, %reduce_min3A_378 [0] : vector<8x128xf32> to vector<128xf32>
    %slice3A_380 = vector.extract_strided_slice %dot_general3A_12 {offsets = [0, 640], sizes = [1024, 128], strides = [1, 1]} : vector<1024x2048xf32> to vector<1024x128xf32>
    %slice3A_381 = vector.extract_strided_slice %slice3A_380 {offsets = [0, 0], sizes = [512, 128], strides = [1, 1]} : vector<1024x128xf32> to vector<512x128xf32>
    %slice3A_382 = vector.extract_strided_slice %slice3A_380 {offsets = [512, 0], sizes = [512, 128], strides = [1, 1]} : vector<1024x128xf32> to vector<512x128xf32>
    %ge3A_383 = arith.cmpf oge, %slice3A_381, %slice3A_382 : vector<512x128xf32>
    %slice3A_384 = vector.extract_strided_slice %get3A_15 {offsets = [0, 0], sizes = [512, 128], strides = [1, 1]} : vector<1024x128xf32> to vector<512x128xf32>
    %slice3A_385 = vector.extract_strided_slice %get3A_15 {offsets = [512, 0], sizes = [512, 128], strides = [1, 1]} : vector<1024x128xf32> to vector<512x128xf32>
    %select_n3A_386 = arith.select %ge3A_383, %slice3A_384, %slice3A_385 : vector<512x128xi1>, vector<512x128xf32>
    %slice3A_387 = vector.extract_strided_slice %slice3A_380 {offsets = [0, 0], sizes = [512, 128], strides = [1, 1]} : vector<1024x128xf32> to vector<512x128xf32>
    %slice3A_388 = vector.extract_strided_slice %slice3A_380 {offsets = [512, 0], sizes = [512, 128], strides = [1, 1]} : vector<1024x128xf32> to vector<512x128xf32>
    %max3A_389 = arith.maximumf %slice3A_387, %slice3A_388 : vector<512x128xf32>
    %slice3A_390 = vector.extract_strided_slice %max3A_389 {offsets = [0, 0], sizes = [256, 128], strides = [1, 1]} : vector<512x128xf32> to vector<256x128xf32>
    %slice3A_391 = vector.extract_strided_slice %max3A_389 {offsets = [256, 0], sizes = [256, 128], strides = [1, 1]} : vector<512x128xf32> to vector<256x128xf32>
    %ge3A_392 = arith.cmpf oge, %slice3A_390, %slice3A_391 : vector<256x128xf32>
    %slice3A_393 = vector.extract_strided_slice %select_n3A_386 {offsets = [0, 0], sizes = [256, 128], strides = [1, 1]} : vector<512x128xf32> to vector<256x128xf32>
    %slice3A_394 = vector.extract_strided_slice %select_n3A_386 {offsets = [256, 0], sizes = [256, 128], strides = [1, 1]} : vector<512x128xf32> to vector<256x128xf32>
    %select_n3A_395 = arith.select %ge3A_392, %slice3A_393, %slice3A_394 : vector<256x128xi1>, vector<256x128xf32>
    %slice3A_396 = vector.extract_strided_slice %max3A_389 {offsets = [0, 0], sizes = [256, 128], strides = [1, 1]} : vector<512x128xf32> to vector<256x128xf32>
    %slice3A_397 = vector.extract_strided_slice %max3A_389 {offsets = [256, 0], sizes = [256, 128], strides = [1, 1]} : vector<512x128xf32> to vector<256x128xf32>
    %max3A_398 = arith.maximumf %slice3A_396, %slice3A_397 : vector<256x128xf32>
    %slice3A_399 = vector.extract_strided_slice %max3A_398 {offsets = [0, 0], sizes = [128, 128], strides = [1, 1]} : vector<256x128xf32> to vector<128x128xf32>
    %slice3A_400 = vector.extract_strided_slice %max3A_398 {offsets = [128, 0], sizes = [128, 128], strides = [1, 1]} : vector<256x128xf32> to vector<128x128xf32>
    %ge3A_401 = arith.cmpf oge, %slice3A_399, %slice3A_400 : vector<128x128xf32>
    %slice3A_402 = vector.extract_strided_slice %select_n3A_395 {offsets = [0, 0], sizes = [128, 128], strides = [1, 1]} : vector<256x128xf32> to vector<128x128xf32>
    %slice3A_403 = vector.extract_strided_slice %select_n3A_395 {offsets = [128, 0], sizes = [128, 128], strides = [1, 1]} : vector<256x128xf32> to vector<128x128xf32>
    %select_n3A_404 = arith.select %ge3A_401, %slice3A_402, %slice3A_403 : vector<128x128xi1>, vector<128x128xf32>
    %slice3A_405 = vector.extract_strided_slice %max3A_398 {offsets = [0, 0], sizes = [128, 128], strides = [1, 1]} : vector<256x128xf32> to vector<128x128xf32>
    %slice3A_406 = vector.extract_strided_slice %max3A_398 {offsets = [128, 0], sizes = [128, 128], strides = [1, 1]} : vector<256x128xf32> to vector<128x128xf32>
    %max3A_407 = arith.maximumf %slice3A_405, %slice3A_406 : vector<128x128xf32>
    %slice3A_408 = vector.extract_strided_slice %max3A_407 {offsets = [0, 0], sizes = [64, 128], strides = [1, 1]} : vector<128x128xf32> to vector<64x128xf32>
    %slice3A_409 = vector.extract_strided_slice %max3A_407 {offsets = [64, 0], sizes = [64, 128], strides = [1, 1]} : vector<128x128xf32> to vector<64x128xf32>
    %ge3A_410 = arith.cmpf oge, %slice3A_408, %slice3A_409 : vector<64x128xf32>
    %slice3A_411 = vector.extract_strided_slice %select_n3A_404 {offsets = [0, 0], sizes = [64, 128], strides = [1, 1]} : vector<128x128xf32> to vector<64x128xf32>
    %slice3A_412 = vector.extract_strided_slice %select_n3A_404 {offsets = [64, 0], sizes = [64, 128], strides = [1, 1]} : vector<128x128xf32> to vector<64x128xf32>
    %select_n3A_413 = arith.select %ge3A_410, %slice3A_411, %slice3A_412 : vector<64x128xi1>, vector<64x128xf32>
    %slice3A_414 = vector.extract_strided_slice %max3A_407 {offsets = [0, 0], sizes = [64, 128], strides = [1, 1]} : vector<128x128xf32> to vector<64x128xf32>
    %slice3A_415 = vector.extract_strided_slice %max3A_407 {offsets = [64, 0], sizes = [64, 128], strides = [1, 1]} : vector<128x128xf32> to vector<64x128xf32>
    %max3A_416 = arith.maximumf %slice3A_414, %slice3A_415 : vector<64x128xf32>
    %slice3A_417 = vector.extract_strided_slice %max3A_416 {offsets = [0, 0], sizes = [32, 128], strides = [1, 1]} : vector<64x128xf32> to vector<32x128xf32>
    %slice3A_418 = vector.extract_strided_slice %max3A_416 {offsets = [32, 0], sizes = [32, 128], strides = [1, 1]} : vector<64x128xf32> to vector<32x128xf32>
    %ge3A_419 = arith.cmpf oge, %slice3A_417, %slice3A_418 : vector<32x128xf32>
    %slice3A_420 = vector.extract_strided_slice %select_n3A_413 {offsets = [0, 0], sizes = [32, 128], strides = [1, 1]} : vector<64x128xf32> to vector<32x128xf32>
    %slice3A_421 = vector.extract_strided_slice %select_n3A_413 {offsets = [32, 0], sizes = [32, 128], strides = [1, 1]} : vector<64x128xf32> to vector<32x128xf32>
    %select_n3A_422 = arith.select %ge3A_419, %slice3A_420, %slice3A_421 : vector<32x128xi1>, vector<32x128xf32>
    %slice3A_423 = vector.extract_strided_slice %max3A_416 {offsets = [0, 0], sizes = [32, 128], strides = [1, 1]} : vector<64x128xf32> to vector<32x128xf32>
    %slice3A_424 = vector.extract_strided_slice %max3A_416 {offsets = [32, 0], sizes = [32, 128], strides = [1, 1]} : vector<64x128xf32> to vector<32x128xf32>
    %max3A_425 = arith.maximumf %slice3A_423, %slice3A_424 : vector<32x128xf32>
    %slice3A_426 = vector.extract_strided_slice %max3A_425 {offsets = [0, 0], sizes = [16, 128], strides = [1, 1]} : vector<32x128xf32> to vector<16x128xf32>
    %slice3A_427 = vector.extract_strided_slice %max3A_425 {offsets = [16, 0], sizes = [16, 128], strides = [1, 1]} : vector<32x128xf32> to vector<16x128xf32>
    %ge3A_428 = arith.cmpf oge, %slice3A_426, %slice3A_427 : vector<16x128xf32>
    %slice3A_429 = vector.extract_strided_slice %select_n3A_422 {offsets = [0, 0], sizes = [16, 128], strides = [1, 1]} : vector<32x128xf32> to vector<16x128xf32>
    %slice3A_430 = vector.extract_strided_slice %select_n3A_422 {offsets = [16, 0], sizes = [16, 128], strides = [1, 1]} : vector<32x128xf32> to vector<16x128xf32>
    %select_n3A_431 = arith.select %ge3A_428, %slice3A_429, %slice3A_430 : vector<16x128xi1>, vector<16x128xf32>
    %slice3A_432 = vector.extract_strided_slice %max3A_425 {offsets = [0, 0], sizes = [16, 128], strides = [1, 1]} : vector<32x128xf32> to vector<16x128xf32>
    %slice3A_433 = vector.extract_strided_slice %max3A_425 {offsets = [16, 0], sizes = [16, 128], strides = [1, 1]} : vector<32x128xf32> to vector<16x128xf32>
    %max3A_434 = arith.maximumf %slice3A_432, %slice3A_433 : vector<16x128xf32>
    %slice3A_435 = vector.extract_strided_slice %max3A_434 {offsets = [0, 0], sizes = [8, 128], strides = [1, 1]} : vector<16x128xf32> to vector<8x128xf32>
    %slice3A_436 = vector.extract_strided_slice %max3A_434 {offsets = [8, 0], sizes = [8, 128], strides = [1, 1]} : vector<16x128xf32> to vector<8x128xf32>
    %ge3A_437 = arith.cmpf oge, %slice3A_435, %slice3A_436 : vector<8x128xf32>
    %slice3A_438 = vector.extract_strided_slice %select_n3A_431 {offsets = [0, 0], sizes = [8, 128], strides = [1, 1]} : vector<16x128xf32> to vector<8x128xf32>
    %slice3A_439 = vector.extract_strided_slice %select_n3A_431 {offsets = [8, 0], sizes = [8, 128], strides = [1, 1]} : vector<16x128xf32> to vector<8x128xf32>
    %select_n3A_440 = arith.select %ge3A_437, %slice3A_438, %slice3A_439 : vector<8x128xi1>, vector<8x128xf32>
    %slice3A_441 = vector.extract_strided_slice %max3A_434 {offsets = [0, 0], sizes = [8, 128], strides = [1, 1]} : vector<16x128xf32> to vector<8x128xf32>
    %slice3A_442 = vector.extract_strided_slice %max3A_434 {offsets = [8, 0], sizes = [8, 128], strides = [1, 1]} : vector<16x128xf32> to vector<8x128xf32>
    %max3A_443 = arith.maximumf %slice3A_441, %slice3A_442 : vector<8x128xf32>
    %reduce_max3A_444 = arith.constant dense<0xFF800000> : vector<128xf32>
    %reduce_max3A_445 = vector.multi_reduction <maximumf>, %max3A_443, %reduce_max3A_444 [0] : vector<8x128xf32> to vector<128xf32>
    %broadcast_in_dim3A_446 = vector.shape_cast %reduce_max3A_445 : vector<128xf32> to vector<1x128xf32>
    %ge3A_447 = vector.broadcast %broadcast_in_dim3A_446 : vector<1x128xf32> to vector<8x128xf32>
    %ge3A_448 = arith.cmpf oge, %max3A_443, %ge3A_447 : vector<8x128xf32>
    %jit3A_449 = arith.constant 1.024000e+03 : f32
    %broadcast_in_dim3A_450 = vector.broadcast %jit3A_449 : f32 to vector<8x128xf32>
    %select_n3A_451 = arith.select %ge3A_448, %select_n3A_440, %broadcast_in_dim3A_450 : vector<8x128xi1>, vector<8x128xf32>
    %reduce_min3A_452 = arith.constant dense<0x7F800000> : vector<128xf32>
    %reduce_min3A_453 = vector.multi_reduction <minimumf>, %select_n3A_451, %reduce_min3A_452 [0] : vector<8x128xf32> to vector<128xf32>
    %slice3A_454 = vector.extract_strided_slice %dot_general3A_12 {offsets = [0, 768], sizes = [1024, 128], strides = [1, 1]} : vector<1024x2048xf32> to vector<1024x128xf32>
    %slice3A_455 = vector.extract_strided_slice %slice3A_454 {offsets = [0, 0], sizes = [512, 128], strides = [1, 1]} : vector<1024x128xf32> to vector<512x128xf32>
    %slice3A_456 = vector.extract_strided_slice %slice3A_454 {offsets = [512, 0], sizes = [512, 128], strides = [1, 1]} : vector<1024x128xf32> to vector<512x128xf32>
    %ge3A_457 = arith.cmpf oge, %slice3A_455, %slice3A_456 : vector<512x128xf32>
    %slice3A_458 = vector.extract_strided_slice %get3A_15 {offsets = [0, 0], sizes = [512, 128], strides = [1, 1]} : vector<1024x128xf32> to vector<512x128xf32>
    %slice3A_459 = vector.extract_strided_slice %get3A_15 {offsets = [512, 0], sizes = [512, 128], strides = [1, 1]} : vector<1024x128xf32> to vector<512x128xf32>
    %select_n3A_460 = arith.select %ge3A_457, %slice3A_458, %slice3A_459 : vector<512x128xi1>, vector<512x128xf32>
    %slice3A_461 = vector.extract_strided_slice %slice3A_454 {offsets = [0, 0], sizes = [512, 128], strides = [1, 1]} : vector<1024x128xf32> to vector<512x128xf32>
    %slice3A_462 = vector.extract_strided_slice %slice3A_454 {offsets = [512, 0], sizes = [512, 128], strides = [1, 1]} : vector<1024x128xf32> to vector<512x128xf32>
    %max3A_463 = arith.maximumf %slice3A_461, %slice3A_462 : vector<512x128xf32>
    %slice3A_464 = vector.extract_strided_slice %max3A_463 {offsets = [0, 0], sizes = [256, 128], strides = [1, 1]} : vector<512x128xf32> to vector<256x128xf32>
    %slice3A_465 = vector.extract_strided_slice %max3A_463 {offsets = [256, 0], sizes = [256, 128], strides = [1, 1]} : vector<512x128xf32> to vector<256x128xf32>
    %ge3A_466 = arith.cmpf oge, %slice3A_464, %slice3A_465 : vector<256x128xf32>
    %slice3A_467 = vector.extract_strided_slice %select_n3A_460 {offsets = [0, 0], sizes = [256, 128], strides = [1, 1]} : vector<512x128xf32> to vector<256x128xf32>
    %slice3A_468 = vector.extract_strided_slice %select_n3A_460 {offsets = [256, 0], sizes = [256, 128], strides = [1, 1]} : vector<512x128xf32> to vector<256x128xf32>
    %select_n3A_469 = arith.select %ge3A_466, %slice3A_467, %slice3A_468 : vector<256x128xi1>, vector<256x128xf32>
    %slice3A_470 = vector.extract_strided_slice %max3A_463 {offsets = [0, 0], sizes = [256, 128], strides = [1, 1]} : vector<512x128xf32> to vector<256x128xf32>
    %slice3A_471 = vector.extract_strided_slice %max3A_463 {offsets = [256, 0], sizes = [256, 128], strides = [1, 1]} : vector<512x128xf32> to vector<256x128xf32>
    %max3A_472 = arith.maximumf %slice3A_470, %slice3A_471 : vector<256x128xf32>
    %slice3A_473 = vector.extract_strided_slice %max3A_472 {offsets = [0, 0], sizes = [128, 128], strides = [1, 1]} : vector<256x128xf32> to vector<128x128xf32>
    %slice3A_474 = vector.extract_strided_slice %max3A_472 {offsets = [128, 0], sizes = [128, 128], strides = [1, 1]} : vector<256x128xf32> to vector<128x128xf32>
    %ge3A_475 = arith.cmpf oge, %slice3A_473, %slice3A_474 : vector<128x128xf32>
    %slice3A_476 = vector.extract_strided_slice %select_n3A_469 {offsets = [0, 0], sizes = [128, 128], strides = [1, 1]} : vector<256x128xf32> to vector<128x128xf32>
    %slice3A_477 = vector.extract_strided_slice %select_n3A_469 {offsets = [128, 0], sizes = [128, 128], strides = [1, 1]} : vector<256x128xf32> to vector<128x128xf32>
    %select_n3A_478 = arith.select %ge3A_475, %slice3A_476, %slice3A_477 : vector<128x128xi1>, vector<128x128xf32>
    %slice3A_479 = vector.extract_strided_slice %max3A_472 {offsets = [0, 0], sizes = [128, 128], strides = [1, 1]} : vector<256x128xf32> to vector<128x128xf32>
    %slice3A_480 = vector.extract_strided_slice %max3A_472 {offsets = [128, 0], sizes = [128, 128], strides = [1, 1]} : vector<256x128xf32> to vector<128x128xf32>
    %max3A_481 = arith.maximumf %slice3A_479, %slice3A_480 : vector<128x128xf32>
    %slice3A_482 = vector.extract_strided_slice %max3A_481 {offsets = [0, 0], sizes = [64, 128], strides = [1, 1]} : vector<128x128xf32> to vector<64x128xf32>
    %slice3A_483 = vector.extract_strided_slice %max3A_481 {offsets = [64, 0], sizes = [64, 128], strides = [1, 1]} : vector<128x128xf32> to vector<64x128xf32>
    %ge3A_484 = arith.cmpf oge, %slice3A_482, %slice3A_483 : vector<64x128xf32>
    %slice3A_485 = vector.extract_strided_slice %select_n3A_478 {offsets = [0, 0], sizes = [64, 128], strides = [1, 1]} : vector<128x128xf32> to vector<64x128xf32>
    %slice3A_486 = vector.extract_strided_slice %select_n3A_478 {offsets = [64, 0], sizes = [64, 128], strides = [1, 1]} : vector<128x128xf32> to vector<64x128xf32>
    %select_n3A_487 = arith.select %ge3A_484, %slice3A_485, %slice3A_486 : vector<64x128xi1>, vector<64x128xf32>
    %slice3A_488 = vector.extract_strided_slice %max3A_481 {offsets = [0, 0], sizes = [64, 128], strides = [1, 1]} : vector<128x128xf32> to vector<64x128xf32>
    %slice3A_489 = vector.extract_strided_slice %max3A_481 {offsets = [64, 0], sizes = [64, 128], strides = [1, 1]} : vector<128x128xf32> to vector<64x128xf32>
    %max3A_490 = arith.maximumf %slice3A_488, %slice3A_489 : vector<64x128xf32>
    %slice3A_491 = vector.extract_strided_slice %max3A_490 {offsets = [0, 0], sizes = [32, 128], strides = [1, 1]} : vector<64x128xf32> to vector<32x128xf32>
    %slice3A_492 = vector.extract_strided_slice %max3A_490 {offsets = [32, 0], sizes = [32, 128], strides = [1, 1]} : vector<64x128xf32> to vector<32x128xf32>
    %ge3A_493 = arith.cmpf oge, %slice3A_491, %slice3A_492 : vector<32x128xf32>
    %slice3A_494 = vector.extract_strided_slice %select_n3A_487 {offsets = [0, 0], sizes = [32, 128], strides = [1, 1]} : vector<64x128xf32> to vector<32x128xf32>
    %slice3A_495 = vector.extract_strided_slice %select_n3A_487 {offsets = [32, 0], sizes = [32, 128], strides = [1, 1]} : vector<64x128xf32> to vector<32x128xf32>
    %select_n3A_496 = arith.select %ge3A_493, %slice3A_494, %slice3A_495 : vector<32x128xi1>, vector<32x128xf32>
    %slice3A_497 = vector.extract_strided_slice %max3A_490 {offsets = [0, 0], sizes = [32, 128], strides = [1, 1]} : vector<64x128xf32> to vector<32x128xf32>
    %slice3A_498 = vector.extract_strided_slice %max3A_490 {offsets = [32, 0], sizes = [32, 128], strides = [1, 1]} : vector<64x128xf32> to vector<32x128xf32>
    %max3A_499 = arith.maximumf %slice3A_497, %slice3A_498 : vector<32x128xf32>
    %slice3A_500 = vector.extract_strided_slice %max3A_499 {offsets = [0, 0], sizes = [16, 128], strides = [1, 1]} : vector<32x128xf32> to vector<16x128xf32>
    %slice3A_501 = vector.extract_strided_slice %max3A_499 {offsets = [16, 0], sizes = [16, 128], strides = [1, 1]} : vector<32x128xf32> to vector<16x128xf32>
    %ge3A_502 = arith.cmpf oge, %slice3A_500, %slice3A_501 : vector<16x128xf32>
    %slice3A_503 = vector.extract_strided_slice %select_n3A_496 {offsets = [0, 0], sizes = [16, 128], strides = [1, 1]} : vector<32x128xf32> to vector<16x128xf32>
    %slice3A_504 = vector.extract_strided_slice %select_n3A_496 {offsets = [16, 0], sizes = [16, 128], strides = [1, 1]} : vector<32x128xf32> to vector<16x128xf32>
    %select_n3A_505 = arith.select %ge3A_502, %slice3A_503, %slice3A_504 : vector<16x128xi1>, vector<16x128xf32>
    %slice3A_506 = vector.extract_strided_slice %max3A_499 {offsets = [0, 0], sizes = [16, 128], strides = [1, 1]} : vector<32x128xf32> to vector<16x128xf32>
    %slice3A_507 = vector.extract_strided_slice %max3A_499 {offsets = [16, 0], sizes = [16, 128], strides = [1, 1]} : vector<32x128xf32> to vector<16x128xf32>
    %max3A_508 = arith.maximumf %slice3A_506, %slice3A_507 : vector<16x128xf32>
    %slice3A_509 = vector.extract_strided_slice %max3A_508 {offsets = [0, 0], sizes = [8, 128], strides = [1, 1]} : vector<16x128xf32> to vector<8x128xf32>
    %slice3A_510 = vector.extract_strided_slice %max3A_508 {offsets = [8, 0], sizes = [8, 128], strides = [1, 1]} : vector<16x128xf32> to vector<8x128xf32>
    %ge3A_511 = arith.cmpf oge, %slice3A_509, %slice3A_510 : vector<8x128xf32>
    %slice3A_512 = vector.extract_strided_slice %select_n3A_505 {offsets = [0, 0], sizes = [8, 128], strides = [1, 1]} : vector<16x128xf32> to vector<8x128xf32>
    %slice3A_513 = vector.extract_strided_slice %select_n3A_505 {offsets = [8, 0], sizes = [8, 128], strides = [1, 1]} : vector<16x128xf32> to vector<8x128xf32>
    %select_n3A_514 = arith.select %ge3A_511, %slice3A_512, %slice3A_513 : vector<8x128xi1>, vector<8x128xf32>
    %slice3A_515 = vector.extract_strided_slice %max3A_508 {offsets = [0, 0], sizes = [8, 128], strides = [1, 1]} : vector<16x128xf32> to vector<8x128xf32>
    %slice3A_516 = vector.extract_strided_slice %max3A_508 {offsets = [8, 0], sizes = [8, 128], strides = [1, 1]} : vector<16x128xf32> to vector<8x128xf32>
    %max3A_517 = arith.maximumf %slice3A_515, %slice3A_516 : vector<8x128xf32>
    %reduce_max3A_518 = arith.constant dense<0xFF800000> : vector<128xf32>
    %reduce_max3A_519 = vector.multi_reduction <maximumf>, %max3A_517, %reduce_max3A_518 [0] : vector<8x128xf32> to vector<128xf32>
    %broadcast_in_dim3A_520 = vector.shape_cast %reduce_max3A_519 : vector<128xf32> to vector<1x128xf32>
    %ge3A_521 = vector.broadcast %broadcast_in_dim3A_520 : vector<1x128xf32> to vector<8x128xf32>
    %ge3A_522 = arith.cmpf oge, %max3A_517, %ge3A_521 : vector<8x128xf32>
    %jit3A_523 = arith.constant 1.024000e+03 : f32
    %broadcast_in_dim3A_524 = vector.broadcast %jit3A_523 : f32 to vector<8x128xf32>
    %select_n3A_525 = arith.select %ge3A_522, %select_n3A_514, %broadcast_in_dim3A_524 : vector<8x128xi1>, vector<8x128xf32>
    %reduce_min3A_526 = arith.constant dense<0x7F800000> : vector<128xf32>
    %reduce_min3A_527 = vector.multi_reduction <minimumf>, %select_n3A_525, %reduce_min3A_526 [0] : vector<8x128xf32> to vector<128xf32>
    %slice3A_528 = vector.extract_strided_slice %dot_general3A_12 {offsets = [0, 896], sizes = [1024, 128], strides = [1, 1]} : vector<1024x2048xf32> to vector<1024x128xf32>
    %slice3A_529 = vector.extract_strided_slice %slice3A_528 {offsets = [0, 0], sizes = [512, 128], strides = [1, 1]} : vector<1024x128xf32> to vector<512x128xf32>
    %slice3A_530 = vector.extract_strided_slice %slice3A_528 {offsets = [512, 0], sizes = [512, 128], strides = [1, 1]} : vector<1024x128xf32> to vector<512x128xf32>
    %ge3A_531 = arith.cmpf oge, %slice3A_529, %slice3A_530 : vector<512x128xf32>
    %slice3A_532 = vector.extract_strided_slice %get3A_15 {offsets = [0, 0], sizes = [512, 128], strides = [1, 1]} : vector<1024x128xf32> to vector<512x128xf32>
    %slice3A_533 = vector.extract_strided_slice %get3A_15 {offsets = [512, 0], sizes = [512, 128], strides = [1, 1]} : vector<1024x128xf32> to vector<512x128xf32>
    %select_n3A_534 = arith.select %ge3A_531, %slice3A_532, %slice3A_533 : vector<512x128xi1>, vector<512x128xf32>
    %slice3A_535 = vector.extract_strided_slice %slice3A_528 {offsets = [0, 0], sizes = [512, 128], strides = [1, 1]} : vector<1024x128xf32> to vector<512x128xf32>
    %slice3A_536 = vector.extract_strided_slice %slice3A_528 {offsets = [512, 0], sizes = [512, 128], strides = [1, 1]} : vector<1024x128xf32> to vector<512x128xf32>
    %max3A_537 = arith.maximumf %slice3A_535, %slice3A_536 : vector<512x128xf32>
    %slice3A_538 = vector.extract_strided_slice %max3A_537 {offsets = [0, 0], sizes = [256, 128], strides = [1, 1]} : vector<512x128xf32> to vector<256x128xf32>
    %slice3A_539 = vector.extract_strided_slice %max3A_537 {offsets = [256, 0], sizes = [256, 128], strides = [1, 1]} : vector<512x128xf32> to vector<256x128xf32>
    %ge3A_540 = arith.cmpf oge, %slice3A_538, %slice3A_539 : vector<256x128xf32>
    %slice3A_541 = vector.extract_strided_slice %select_n3A_534 {offsets = [0, 0], sizes = [256, 128], strides = [1, 1]} : vector<512x128xf32> to vector<256x128xf32>
    %slice3A_542 = vector.extract_strided_slice %select_n3A_534 {offsets = [256, 0], sizes = [256, 128], strides = [1, 1]} : vector<512x128xf32> to vector<256x128xf32>
    %select_n3A_543 = arith.select %ge3A_540, %slice3A_541, %slice3A_542 : vector<256x128xi1>, vector<256x128xf32>
    %slice3A_544 = vector.extract_strided_slice %max3A_537 {offsets = [0, 0], sizes = [256, 128], strides = [1, 1]} : vector<512x128xf32> to vector<256x128xf32>
    %slice3A_545 = vector.extract_strided_slice %max3A_537 {offsets = [256, 0], sizes = [256, 128], strides = [1, 1]} : vector<512x128xf32> to vector<256x128xf32>
    %max3A_546 = arith.maximumf %slice3A_544, %slice3A_545 : vector<256x128xf32>
    %slice3A_547 = vector.extract_strided_slice %max3A_546 {offsets = [0, 0], sizes = [128, 128], strides = [1, 1]} : vector<256x128xf32> to vector<128x128xf32>
    %slice3A_548 = vector.extract_strided_slice %max3A_546 {offsets = [128, 0], sizes = [128, 128], strides = [1, 1]} : vector<256x128xf32> to vector<128x128xf32>
    %ge3A_549 = arith.cmpf oge, %slice3A_547, %slice3A_548 : vector<128x128xf32>
    %slice3A_550 = vector.extract_strided_slice %select_n3A_543 {offsets = [0, 0], sizes = [128, 128], strides = [1, 1]} : vector<256x128xf32> to vector<128x128xf32>
    %slice3A_551 = vector.extract_strided_slice %select_n3A_543 {offsets = [128, 0], sizes = [128, 128], strides = [1, 1]} : vector<256x128xf32> to vector<128x128xf32>
    %select_n3A_552 = arith.select %ge3A_549, %slice3A_550, %slice3A_551 : vector<128x128xi1>, vector<128x128xf32>
    %slice3A_553 = vector.extract_strided_slice %max3A_546 {offsets = [0, 0], sizes = [128, 128], strides = [1, 1]} : vector<256x128xf32> to vector<128x128xf32>
    %slice3A_554 = vector.extract_strided_slice %max3A_546 {offsets = [128, 0], sizes = [128, 128], strides = [1, 1]} : vector<256x128xf32> to vector<128x128xf32>
    %max3A_555 = arith.maximumf %slice3A_553, %slice3A_554 : vector<128x128xf32>
    %slice3A_556 = vector.extract_strided_slice %max3A_555 {offsets = [0, 0], sizes = [64, 128], strides = [1, 1]} : vector<128x128xf32> to vector<64x128xf32>
    %slice3A_557 = vector.extract_strided_slice %max3A_555 {offsets = [64, 0], sizes = [64, 128], strides = [1, 1]} : vector<128x128xf32> to vector<64x128xf32>
    %ge3A_558 = arith.cmpf oge, %slice3A_556, %slice3A_557 : vector<64x128xf32>
    %slice3A_559 = vector.extract_strided_slice %select_n3A_552 {offsets = [0, 0], sizes = [64, 128], strides = [1, 1]} : vector<128x128xf32> to vector<64x128xf32>
    %slice3A_560 = vector.extract_strided_slice %select_n3A_552 {offsets = [64, 0], sizes = [64, 128], strides = [1, 1]} : vector<128x128xf32> to vector<64x128xf32>
    %select_n3A_561 = arith.select %ge3A_558, %slice3A_559, %slice3A_560 : vector<64x128xi1>, vector<64x128xf32>
    %slice3A_562 = vector.extract_strided_slice %max3A_555 {offsets = [0, 0], sizes = [64, 128], strides = [1, 1]} : vector<128x128xf32> to vector<64x128xf32>
    %slice3A_563 = vector.extract_strided_slice %max3A_555 {offsets = [64, 0], sizes = [64, 128], strides = [1, 1]} : vector<128x128xf32> to vector<64x128xf32>
    %max3A_564 = arith.maximumf %slice3A_562, %slice3A_563 : vector<64x128xf32>
    %slice3A_565 = vector.extract_strided_slice %max3A_564 {offsets = [0, 0], sizes = [32, 128], strides = [1, 1]} : vector<64x128xf32> to vector<32x128xf32>
    %slice3A_566 = vector.extract_strided_slice %max3A_564 {offsets = [32, 0], sizes = [32, 128], strides = [1, 1]} : vector<64x128xf32> to vector<32x128xf32>
    %ge3A_567 = arith.cmpf oge, %slice3A_565, %slice3A_566 : vector<32x128xf32>
    %slice3A_568 = vector.extract_strided_slice %select_n3A_561 {offsets = [0, 0], sizes = [32, 128], strides = [1, 1]} : vector<64x128xf32> to vector<32x128xf32>
    %slice3A_569 = vector.extract_strided_slice %select_n3A_561 {offsets = [32, 0], sizes = [32, 128], strides = [1, 1]} : vector<64x128xf32> to vector<32x128xf32>
    %select_n3A_570 = arith.select %ge3A_567, %slice3A_568, %slice3A_569 : vector<32x128xi1>, vector<32x128xf32>
    %slice3A_571 = vector.extract_strided_slice %max3A_564 {offsets = [0, 0], sizes = [32, 128], strides = [1, 1]} : vector<64x128xf32> to vector<32x128xf32>
    %slice3A_572 = vector.extract_strided_slice %max3A_564 {offsets = [32, 0], sizes = [32, 128], strides = [1, 1]} : vector<64x128xf32> to vector<32x128xf32>
    %max3A_573 = arith.maximumf %slice3A_571, %slice3A_572 : vector<32x128xf32>
    %slice3A_574 = vector.extract_strided_slice %max3A_573 {offsets = [0, 0], sizes = [16, 128], strides = [1, 1]} : vector<32x128xf32> to vector<16x128xf32>
    %slice3A_575 = vector.extract_strided_slice %max3A_573 {offsets = [16, 0], sizes = [16, 128], strides = [1, 1]} : vector<32x128xf32> to vector<16x128xf32>
    %ge3A_576 = arith.cmpf oge, %slice3A_574, %slice3A_575 : vector<16x128xf32>
    %slice3A_577 = vector.extract_strided_slice %select_n3A_570 {offsets = [0, 0], sizes = [16, 128], strides = [1, 1]} : vector<32x128xf32> to vector<16x128xf32>
    %slice3A_578 = vector.extract_strided_slice %select_n3A_570 {offsets = [16, 0], sizes = [16, 128], strides = [1, 1]} : vector<32x128xf32> to vector<16x128xf32>
    %select_n3A_579 = arith.select %ge3A_576, %slice3A_577, %slice3A_578 : vector<16x128xi1>, vector<16x128xf32>
    %slice3A_580 = vector.extract_strided_slice %max3A_573 {offsets = [0, 0], sizes = [16, 128], strides = [1, 1]} : vector<32x128xf32> to vector<16x128xf32>
    %slice3A_581 = vector.extract_strided_slice %max3A_573 {offsets = [16, 0], sizes = [16, 128], strides = [1, 1]} : vector<32x128xf32> to vector<16x128xf32>
    %max3A_582 = arith.maximumf %slice3A_580, %slice3A_581 : vector<16x128xf32>
    %slice3A_583 = vector.extract_strided_slice %max3A_582 {offsets = [0, 0], sizes = [8, 128], strides = [1, 1]} : vector<16x128xf32> to vector<8x128xf32>
    %slice3A_584 = vector.extract_strided_slice %max3A_582 {offsets = [8, 0], sizes = [8, 128], strides = [1, 1]} : vector<16x128xf32> to vector<8x128xf32>
    %ge3A_585 = arith.cmpf oge, %slice3A_583, %slice3A_584 : vector<8x128xf32>
    %slice3A_586 = vector.extract_strided_slice %select_n3A_579 {offsets = [0, 0], sizes = [8, 128], strides = [1, 1]} : vector<16x128xf32> to vector<8x128xf32>
    %slice3A_587 = vector.extract_strided_slice %select_n3A_579 {offsets = [8, 0], sizes = [8, 128], strides = [1, 1]} : vector<16x128xf32> to vector<8x128xf32>
    %select_n3A_588 = arith.select %ge3A_585, %slice3A_586, %slice3A_587 : vector<8x128xi1>, vector<8x128xf32>
    %slice3A_589 = vector.extract_strided_slice %max3A_582 {offsets = [0, 0], sizes = [8, 128], strides = [1, 1]} : vector<16x128xf32> to vector<8x128xf32>
    %slice3A_590 = vector.extract_strided_slice %max3A_582 {offsets = [8, 0], sizes = [8, 128], strides = [1, 1]} : vector<16x128xf32> to vector<8x128xf32>
    %max3A_591 = arith.maximumf %slice3A_589, %slice3A_590 : vector<8x128xf32>
    %reduce_max3A_592 = arith.constant dense<0xFF800000> : vector<128xf32>
    %reduce_max3A_593 = vector.multi_reduction <maximumf>, %max3A_591, %reduce_max3A_592 [0] : vector<8x128xf32> to vector<128xf32>
    %broadcast_in_dim3A_594 = vector.shape_cast %reduce_max3A_593 : vector<128xf32> to vector<1x128xf32>
    %ge3A_595 = vector.broadcast %broadcast_in_dim3A_594 : vector<1x128xf32> to vector<8x128xf32>
    %ge3A_596 = arith.cmpf oge, %max3A_591, %ge3A_595 : vector<8x128xf32>
    %jit3A_597 = arith.constant 1.024000e+03 : f32
    %broadcast_in_dim3A_598 = vector.broadcast %jit3A_597 : f32 to vector<8x128xf32>
    %select_n3A_599 = arith.select %ge3A_596, %select_n3A_588, %broadcast_in_dim3A_598 : vector<8x128xi1>, vector<8x128xf32>
    %reduce_min3A_600 = arith.constant dense<0x7F800000> : vector<128xf32>
    %reduce_min3A_601 = vector.multi_reduction <minimumf>, %select_n3A_599, %reduce_min3A_600 [0] : vector<8x128xf32> to vector<128xf32>
    %slice3A_602 = vector.extract_strided_slice %dot_general3A_12 {offsets = [0, 1024], sizes = [1024, 128], strides = [1, 1]} : vector<1024x2048xf32> to vector<1024x128xf32>
    %slice3A_603 = vector.extract_strided_slice %slice3A_602 {offsets = [0, 0], sizes = [512, 128], strides = [1, 1]} : vector<1024x128xf32> to vector<512x128xf32>
    %slice3A_604 = vector.extract_strided_slice %slice3A_602 {offsets = [512, 0], sizes = [512, 128], strides = [1, 1]} : vector<1024x128xf32> to vector<512x128xf32>
    %ge3A_605 = arith.cmpf oge, %slice3A_603, %slice3A_604 : vector<512x128xf32>
    %slice3A_606 = vector.extract_strided_slice %get3A_15 {offsets = [0, 0], sizes = [512, 128], strides = [1, 1]} : vector<1024x128xf32> to vector<512x128xf32>
    %slice3A_607 = vector.extract_strided_slice %get3A_15 {offsets = [512, 0], sizes = [512, 128], strides = [1, 1]} : vector<1024x128xf32> to vector<512x128xf32>
    %select_n3A_608 = arith.select %ge3A_605, %slice3A_606, %slice3A_607 : vector<512x128xi1>, vector<512x128xf32>
    %slice3A_609 = vector.extract_strided_slice %slice3A_602 {offsets = [0, 0], sizes = [512, 128], strides = [1, 1]} : vector<1024x128xf32> to vector<512x128xf32>
    %slice3A_610 = vector.extract_strided_slice %slice3A_602 {offsets = [512, 0], sizes = [512, 128], strides = [1, 1]} : vector<1024x128xf32> to vector<512x128xf32>
    %max3A_611 = arith.maximumf %slice3A_609, %slice3A_610 : vector<512x128xf32>
    %slice3A_612 = vector.extract_strided_slice %max3A_611 {offsets = [0, 0], sizes = [256, 128], strides = [1, 1]} : vector<512x128xf32> to vector<256x128xf32>
    %slice3A_613 = vector.extract_strided_slice %max3A_611 {offsets = [256, 0], sizes = [256, 128], strides = [1, 1]} : vector<512x128xf32> to vector<256x128xf32>
    %ge3A_614 = arith.cmpf oge, %slice3A_612, %slice3A_613 : vector<256x128xf32>
    %slice3A_615 = vector.extract_strided_slice %select_n3A_608 {offsets = [0, 0], sizes = [256, 128], strides = [1, 1]} : vector<512x128xf32> to vector<256x128xf32>
    %slice3A_616 = vector.extract_strided_slice %select_n3A_608 {offsets = [256, 0], sizes = [256, 128], strides = [1, 1]} : vector<512x128xf32> to vector<256x128xf32>
    %select_n3A_617 = arith.select %ge3A_614, %slice3A_615, %slice3A_616 : vector<256x128xi1>, vector<256x128xf32>
    %slice3A_618 = vector.extract_strided_slice %max3A_611 {offsets = [0, 0], sizes = [256, 128], strides = [1, 1]} : vector<512x128xf32> to vector<256x128xf32>
    %slice3A_619 = vector.extract_strided_slice %max3A_611 {offsets = [256, 0], sizes = [256, 128], strides = [1, 1]} : vector<512x128xf32> to vector<256x128xf32>
    %max3A_620 = arith.maximumf %slice3A_618, %slice3A_619 : vector<256x128xf32>
    %slice3A_621 = vector.extract_strided_slice %max3A_620 {offsets = [0, 0], sizes = [128, 128], strides = [1, 1]} : vector<256x128xf32> to vector<128x128xf32>
    %slice3A_622 = vector.extract_strided_slice %max3A_620 {offsets = [128, 0], sizes = [128, 128], strides = [1, 1]} : vector<256x128xf32> to vector<128x128xf32>
    %ge3A_623 = arith.cmpf oge, %slice3A_621, %slice3A_622 : vector<128x128xf32>
    %slice3A_624 = vector.extract_strided_slice %select_n3A_617 {offsets = [0, 0], sizes = [128, 128], strides = [1, 1]} : vector<256x128xf32> to vector<128x128xf32>
    %slice3A_625 = vector.extract_strided_slice %select_n3A_617 {offsets = [128, 0], sizes = [128, 128], strides = [1, 1]} : vector<256x128xf32> to vector<128x128xf32>
    %select_n3A_626 = arith.select %ge3A_623, %slice3A_624, %slice3A_625 : vector<128x128xi1>, vector<128x128xf32>
    %slice3A_627 = vector.extract_strided_slice %max3A_620 {offsets = [0, 0], sizes = [128, 128], strides = [1, 1]} : vector<256x128xf32> to vector<128x128xf32>
    %slice3A_628 = vector.extract_strided_slice %max3A_620 {offsets = [128, 0], sizes = [128, 128], strides = [1, 1]} : vector<256x128xf32> to vector<128x128xf32>
    %max3A_629 = arith.maximumf %slice3A_627, %slice3A_628 : vector<128x128xf32>
    %slice3A_630 = vector.extract_strided_slice %max3A_629 {offsets = [0, 0], sizes = [64, 128], strides = [1, 1]} : vector<128x128xf32> to vector<64x128xf32>
    %slice3A_631 = vector.extract_strided_slice %max3A_629 {offsets = [64, 0], sizes = [64, 128], strides = [1, 1]} : vector<128x128xf32> to vector<64x128xf32>
    %ge3A_632 = arith.cmpf oge, %slice3A_630, %slice3A_631 : vector<64x128xf32>
    %slice3A_633 = vector.extract_strided_slice %select_n3A_626 {offsets = [0, 0], sizes = [64, 128], strides = [1, 1]} : vector<128x128xf32> to vector<64x128xf32>
    %slice3A_634 = vector.extract_strided_slice %select_n3A_626 {offsets = [64, 0], sizes = [64, 128], strides = [1, 1]} : vector<128x128xf32> to vector<64x128xf32>
    %select_n3A_635 = arith.select %ge3A_632, %slice3A_633, %slice3A_634 : vector<64x128xi1>, vector<64x128xf32>
    %slice3A_636 = vector.extract_strided_slice %max3A_629 {offsets = [0, 0], sizes = [64, 128], strides = [1, 1]} : vector<128x128xf32> to vector<64x128xf32>
    %slice3A_637 = vector.extract_strided_slice %max3A_629 {offsets = [64, 0], sizes = [64, 128], strides = [1, 1]} : vector<128x128xf32> to vector<64x128xf32>
    %max3A_638 = arith.maximumf %slice3A_636, %slice3A_637 : vector<64x128xf32>
    %slice3A_639 = vector.extract_strided_slice %max3A_638 {offsets = [0, 0], sizes = [32, 128], strides = [1, 1]} : vector<64x128xf32> to vector<32x128xf32>
    %slice3A_640 = vector.extract_strided_slice %max3A_638 {offsets = [32, 0], sizes = [32, 128], strides = [1, 1]} : vector<64x128xf32> to vector<32x128xf32>
    %ge3A_641 = arith.cmpf oge, %slice3A_639, %slice3A_640 : vector<32x128xf32>
    %slice3A_642 = vector.extract_strided_slice %select_n3A_635 {offsets = [0, 0], sizes = [32, 128], strides = [1, 1]} : vector<64x128xf32> to vector<32x128xf32>
    %slice3A_643 = vector.extract_strided_slice %select_n3A_635 {offsets = [32, 0], sizes = [32, 128], strides = [1, 1]} : vector<64x128xf32> to vector<32x128xf32>
    %select_n3A_644 = arith.select %ge3A_641, %slice3A_642, %slice3A_643 : vector<32x128xi1>, vector<32x128xf32>
    %slice3A_645 = vector.extract_strided_slice %max3A_638 {offsets = [0, 0], sizes = [32, 128], strides = [1, 1]} : vector<64x128xf32> to vector<32x128xf32>
    %slice3A_646 = vector.extract_strided_slice %max3A_638 {offsets = [32, 0], sizes = [32, 128], strides = [1, 1]} : vector<64x128xf32> to vector<32x128xf32>
    %max3A_647 = arith.maximumf %slice3A_645, %slice3A_646 : vector<32x128xf32>
    %slice3A_648 = vector.extract_strided_slice %max3A_647 {offsets = [0, 0], sizes = [16, 128], strides = [1, 1]} : vector<32x128xf32> to vector<16x128xf32>
    %slice3A_649 = vector.extract_strided_slice %max3A_647 {offsets = [16, 0], sizes = [16, 128], strides = [1, 1]} : vector<32x128xf32> to vector<16x128xf32>
    %ge3A_650 = arith.cmpf oge, %slice3A_648, %slice3A_649 : vector<16x128xf32>
    %slice3A_651 = vector.extract_strided_slice %select_n3A_644 {offsets = [0, 0], sizes = [16, 128], strides = [1, 1]} : vector<32x128xf32> to vector<16x128xf32>
    %slice3A_652 = vector.extract_strided_slice %select_n3A_644 {offsets = [16, 0], sizes = [16, 128], strides = [1, 1]} : vector<32x128xf32> to vector<16x128xf32>
    %select_n3A_653 = arith.select %ge3A_650, %slice3A_651, %slice3A_652 : vector<16x128xi1>, vector<16x128xf32>
    %slice3A_654 = vector.extract_strided_slice %max3A_647 {offsets = [0, 0], sizes = [16, 128], strides = [1, 1]} : vector<32x128xf32> to vector<16x128xf32>
    %slice3A_655 = vector.extract_strided_slice %max3A_647 {offsets = [16, 0], sizes = [16, 128], strides = [1, 1]} : vector<32x128xf32> to vector<16x128xf32>
    %max3A_656 = arith.maximumf %slice3A_654, %slice3A_655 : vector<16x128xf32>
    %slice3A_657 = vector.extract_strided_slice %max3A_656 {offsets = [0, 0], sizes = [8, 128], strides = [1, 1]} : vector<16x128xf32> to vector<8x128xf32>
    %slice3A_658 = vector.extract_strided_slice %max3A_656 {offsets = [8, 0], sizes = [8, 128], strides = [1, 1]} : vector<16x128xf32> to vector<8x128xf32>
    %ge3A_659 = arith.cmpf oge, %slice3A_657, %slice3A_658 : vector<8x128xf32>
    %slice3A_660 = vector.extract_strided_slice %select_n3A_653 {offsets = [0, 0], sizes = [8, 128], strides = [1, 1]} : vector<16x128xf32> to vector<8x128xf32>
    %slice3A_661 = vector.extract_strided_slice %select_n3A_653 {offsets = [8, 0], sizes = [8, 128], strides = [1, 1]} : vector<16x128xf32> to vector<8x128xf32>
    %select_n3A_662 = arith.select %ge3A_659, %slice3A_660, %slice3A_661 : vector<8x128xi1>, vector<8x128xf32>
    %slice3A_663 = vector.extract_strided_slice %max3A_656 {offsets = [0, 0], sizes = [8, 128], strides = [1, 1]} : vector<16x128xf32> to vector<8x128xf32>
    %slice3A_664 = vector.extract_strided_slice %max3A_656 {offsets = [8, 0], sizes = [8, 128], strides = [1, 1]} : vector<16x128xf32> to vector<8x128xf32>
    %max3A_665 = arith.maximumf %slice3A_663, %slice3A_664 : vector<8x128xf32>
    %reduce_max3A_666 = arith.constant dense<0xFF800000> : vector<128xf32>
    %reduce_max3A_667 = vector.multi_reduction <maximumf>, %max3A_665, %reduce_max3A_666 [0] : vector<8x128xf32> to vector<128xf32>
    %broadcast_in_dim3A_668 = vector.shape_cast %reduce_max3A_667 : vector<128xf32> to vector<1x128xf32>
    %ge3A_669 = vector.broadcast %broadcast_in_dim3A_668 : vector<1x128xf32> to vector<8x128xf32>
    %ge3A_670 = arith.cmpf oge, %max3A_665, %ge3A_669 : vector<8x128xf32>
    %jit3A_671 = arith.constant 1.024000e+03 : f32
    %broadcast_in_dim3A_672 = vector.broadcast %jit3A_671 : f32 to vector<8x128xf32>
    %select_n3A_673 = arith.select %ge3A_670, %select_n3A_662, %broadcast_in_dim3A_672 : vector<8x128xi1>, vector<8x128xf32>
    %reduce_min3A_674 = arith.constant dense<0x7F800000> : vector<128xf32>
    %reduce_min3A_675 = vector.multi_reduction <minimumf>, %select_n3A_673, %reduce_min3A_674 [0] : vector<8x128xf32> to vector<128xf32>
    %slice3A_676 = vector.extract_strided_slice %dot_general3A_12 {offsets = [0, 1152], sizes = [1024, 128], strides = [1, 1]} : vector<1024x2048xf32> to vector<1024x128xf32>
    %slice3A_677 = vector.extract_strided_slice %slice3A_676 {offsets = [0, 0], sizes = [512, 128], strides = [1, 1]} : vector<1024x128xf32> to vector<512x128xf32>
    %slice3A_678 = vector.extract_strided_slice %slice3A_676 {offsets = [512, 0], sizes = [512, 128], strides = [1, 1]} : vector<1024x128xf32> to vector<512x128xf32>
    %ge3A_679 = arith.cmpf oge, %slice3A_677, %slice3A_678 : vector<512x128xf32>
    %slice3A_680 = vector.extract_strided_slice %get3A_15 {offsets = [0, 0], sizes = [512, 128], strides = [1, 1]} : vector<1024x128xf32> to vector<512x128xf32>
    %slice3A_681 = vector.extract_strided_slice %get3A_15 {offsets = [512, 0], sizes = [512, 128], strides = [1, 1]} : vector<1024x128xf32> to vector<512x128xf32>
    %select_n3A_682 = arith.select %ge3A_679, %slice3A_680, %slice3A_681 : vector<512x128xi1>, vector<512x128xf32>
    %slice3A_683 = vector.extract_strided_slice %slice3A_676 {offsets = [0, 0], sizes = [512, 128], strides = [1, 1]} : vector<1024x128xf32> to vector<512x128xf32>
    %slice3A_684 = vector.extract_strided_slice %slice3A_676 {offsets = [512, 0], sizes = [512, 128], strides = [1, 1]} : vector<1024x128xf32> to vector<512x128xf32>
    %max3A_685 = arith.maximumf %slice3A_683, %slice3A_684 : vector<512x128xf32>
    %slice3A_686 = vector.extract_strided_slice %max3A_685 {offsets = [0, 0], sizes = [256, 128], strides = [1, 1]} : vector<512x128xf32> to vector<256x128xf32>
    %slice3A_687 = vector.extract_strided_slice %max3A_685 {offsets = [256, 0], sizes = [256, 128], strides = [1, 1]} : vector<512x128xf32> to vector<256x128xf32>
    %ge3A_688 = arith.cmpf oge, %slice3A_686, %slice3A_687 : vector<256x128xf32>
    %slice3A_689 = vector.extract_strided_slice %select_n3A_682 {offsets = [0, 0], sizes = [256, 128], strides = [1, 1]} : vector<512x128xf32> to vector<256x128xf32>
    %slice3A_690 = vector.extract_strided_slice %select_n3A_682 {offsets = [256, 0], sizes = [256, 128], strides = [1, 1]} : vector<512x128xf32> to vector<256x128xf32>
    %select_n3A_691 = arith.select %ge3A_688, %slice3A_689, %slice3A_690 : vector<256x128xi1>, vector<256x128xf32>
    %slice3A_692 = vector.extract_strided_slice %max3A_685 {offsets = [0, 0], sizes = [256, 128], strides = [1, 1]} : vector<512x128xf32> to vector<256x128xf32>
    %slice3A_693 = vector.extract_strided_slice %max3A_685 {offsets = [256, 0], sizes = [256, 128], strides = [1, 1]} : vector<512x128xf32> to vector<256x128xf32>
    %max3A_694 = arith.maximumf %slice3A_692, %slice3A_693 : vector<256x128xf32>
    %slice3A_695 = vector.extract_strided_slice %max3A_694 {offsets = [0, 0], sizes = [128, 128], strides = [1, 1]} : vector<256x128xf32> to vector<128x128xf32>
    %slice3A_696 = vector.extract_strided_slice %max3A_694 {offsets = [128, 0], sizes = [128, 128], strides = [1, 1]} : vector<256x128xf32> to vector<128x128xf32>
    %ge3A_697 = arith.cmpf oge, %slice3A_695, %slice3A_696 : vector<128x128xf32>
    %slice3A_698 = vector.extract_strided_slice %select_n3A_691 {offsets = [0, 0], sizes = [128, 128], strides = [1, 1]} : vector<256x128xf32> to vector<128x128xf32>
    %slice3A_699 = vector.extract_strided_slice %select_n3A_691 {offsets = [128, 0], sizes = [128, 128], strides = [1, 1]} : vector<256x128xf32> to vector<128x128xf32>
    %select_n3A_700 = arith.select %ge3A_697, %slice3A_698, %slice3A_699 : vector<128x128xi1>, vector<128x128xf32>
    %slice3A_701 = vector.extract_strided_slice %max3A_694 {offsets = [0, 0], sizes = [128, 128], strides = [1, 1]} : vector<256x128xf32> to vector<128x128xf32>
    %slice3A_702 = vector.extract_strided_slice %max3A_694 {offsets = [128, 0], sizes = [128, 128], strides = [1, 1]} : vector<256x128xf32> to vector<128x128xf32>
    %max3A_703 = arith.maximumf %slice3A_701, %slice3A_702 : vector<128x128xf32>
    %slice3A_704 = vector.extract_strided_slice %max3A_703 {offsets = [0, 0], sizes = [64, 128], strides = [1, 1]} : vector<128x128xf32> to vector<64x128xf32>
    %slice3A_705 = vector.extract_strided_slice %max3A_703 {offsets = [64, 0], sizes = [64, 128], strides = [1, 1]} : vector<128x128xf32> to vector<64x128xf32>
    %ge3A_706 = arith.cmpf oge, %slice3A_704, %slice3A_705 : vector<64x128xf32>
    %slice3A_707 = vector.extract_strided_slice %select_n3A_700 {offsets = [0, 0], sizes = [64, 128], strides = [1, 1]} : vector<128x128xf32> to vector<64x128xf32>
    %slice3A_708 = vector.extract_strided_slice %select_n3A_700 {offsets = [64, 0], sizes = [64, 128], strides = [1, 1]} : vector<128x128xf32> to vector<64x128xf32>
    %select_n3A_709 = arith.select %ge3A_706, %slice3A_707, %slice3A_708 : vector<64x128xi1>, vector<64x128xf32>
    %slice3A_710 = vector.extract_strided_slice %max3A_703 {offsets = [0, 0], sizes = [64, 128], strides = [1, 1]} : vector<128x128xf32> to vector<64x128xf32>
    %slice3A_711 = vector.extract_strided_slice %max3A_703 {offsets = [64, 0], sizes = [64, 128], strides = [1, 1]} : vector<128x128xf32> to vector<64x128xf32>
    %max3A_712 = arith.maximumf %slice3A_710, %slice3A_711 : vector<64x128xf32>
    %slice3A_713 = vector.extract_strided_slice %max3A_712 {offsets = [0, 0], sizes = [32, 128], strides = [1, 1]} : vector<64x128xf32> to vector<32x128xf32>
    %slice3A_714 = vector.extract_strided_slice %max3A_712 {offsets = [32, 0], sizes = [32, 128], strides = [1, 1]} : vector<64x128xf32> to vector<32x128xf32>
    %ge3A_715 = arith.cmpf oge, %slice3A_713, %slice3A_714 : vector<32x128xf32>
    %slice3A_716 = vector.extract_strided_slice %select_n3A_709 {offsets = [0, 0], sizes = [32, 128], strides = [1, 1]} : vector<64x128xf32> to vector<32x128xf32>
    %slice3A_717 = vector.extract_strided_slice %select_n3A_709 {offsets = [32, 0], sizes = [32, 128], strides = [1, 1]} : vector<64x128xf32> to vector<32x128xf32>
    %select_n3A_718 = arith.select %ge3A_715, %slice3A_716, %slice3A_717 : vector<32x128xi1>, vector<32x128xf32>
    %slice3A_719 = vector.extract_strided_slice %max3A_712 {offsets = [0, 0], sizes = [32, 128], strides = [1, 1]} : vector<64x128xf32> to vector<32x128xf32>
    %slice3A_720 = vector.extract_strided_slice %max3A_712 {offsets = [32, 0], sizes = [32, 128], strides = [1, 1]} : vector<64x128xf32> to vector<32x128xf32>
    %max3A_721 = arith.maximumf %slice3A_719, %slice3A_720 : vector<32x128xf32>
    %slice3A_722 = vector.extract_strided_slice %max3A_721 {offsets = [0, 0], sizes = [16, 128], strides = [1, 1]} : vector<32x128xf32> to vector<16x128xf32>
    %slice3A_723 = vector.extract_strided_slice %max3A_721 {offsets = [16, 0], sizes = [16, 128], strides = [1, 1]} : vector<32x128xf32> to vector<16x128xf32>
    %ge3A_724 = arith.cmpf oge, %slice3A_722, %slice3A_723 : vector<16x128xf32>
    %slice3A_725 = vector.extract_strided_slice %select_n3A_718 {offsets = [0, 0], sizes = [16, 128], strides = [1, 1]} : vector<32x128xf32> to vector<16x128xf32>
    %slice3A_726 = vector.extract_strided_slice %select_n3A_718 {offsets = [16, 0], sizes = [16, 128], strides = [1, 1]} : vector<32x128xf32> to vector<16x128xf32>
    %select_n3A_727 = arith.select %ge3A_724, %slice3A_725, %slice3A_726 : vector<16x128xi1>, vector<16x128xf32>
    %slice3A_728 = vector.extract_strided_slice %max3A_721 {offsets = [0, 0], sizes = [16, 128], strides = [1, 1]} : vector<32x128xf32> to vector<16x128xf32>
    %slice3A_729 = vector.extract_strided_slice %max3A_721 {offsets = [16, 0], sizes = [16, 128], strides = [1, 1]} : vector<32x128xf32> to vector<16x128xf32>
    %max3A_730 = arith.maximumf %slice3A_728, %slice3A_729 : vector<16x128xf32>
    %slice3A_731 = vector.extract_strided_slice %max3A_730 {offsets = [0, 0], sizes = [8, 128], strides = [1, 1]} : vector<16x128xf32> to vector<8x128xf32>
    %slice3A_732 = vector.extract_strided_slice %max3A_730 {offsets = [8, 0], sizes = [8, 128], strides = [1, 1]} : vector<16x128xf32> to vector<8x128xf32>
    %ge3A_733 = arith.cmpf oge, %slice3A_731, %slice3A_732 : vector<8x128xf32>
    %slice3A_734 = vector.extract_strided_slice %select_n3A_727 {offsets = [0, 0], sizes = [8, 128], strides = [1, 1]} : vector<16x128xf32> to vector<8x128xf32>
    %slice3A_735 = vector.extract_strided_slice %select_n3A_727 {offsets = [8, 0], sizes = [8, 128], strides = [1, 1]} : vector<16x128xf32> to vector<8x128xf32>
    %select_n3A_736 = arith.select %ge3A_733, %slice3A_734, %slice3A_735 : vector<8x128xi1>, vector<8x128xf32>
    %slice3A_737 = vector.extract_strided_slice %max3A_730 {offsets = [0, 0], sizes = [8, 128], strides = [1, 1]} : vector<16x128xf32> to vector<8x128xf32>
    %slice3A_738 = vector.extract_strided_slice %max3A_730 {offsets = [8, 0], sizes = [8, 128], strides = [1, 1]} : vector<16x128xf32> to vector<8x128xf32>
    %max3A_739 = arith.maximumf %slice3A_737, %slice3A_738 : vector<8x128xf32>
    %reduce_max3A_740 = arith.constant dense<0xFF800000> : vector<128xf32>
    %reduce_max3A_741 = vector.multi_reduction <maximumf>, %max3A_739, %reduce_max3A_740 [0] : vector<8x128xf32> to vector<128xf32>
    %broadcast_in_dim3A_742 = vector.shape_cast %reduce_max3A_741 : vector<128xf32> to vector<1x128xf32>
    %ge3A_743 = vector.broadcast %broadcast_in_dim3A_742 : vector<1x128xf32> to vector<8x128xf32>
    %ge3A_744 = arith.cmpf oge, %max3A_739, %ge3A_743 : vector<8x128xf32>
    %jit3A_745 = arith.constant 1.024000e+03 : f32
    %broadcast_in_dim3A_746 = vector.broadcast %jit3A_745 : f32 to vector<8x128xf32>
    %select_n3A_747 = arith.select %ge3A_744, %select_n3A_736, %broadcast_in_dim3A_746 : vector<8x128xi1>, vector<8x128xf32>
    %reduce_min3A_748 = arith.constant dense<0x7F800000> : vector<128xf32>
    %reduce_min3A_749 = vector.multi_reduction <minimumf>, %select_n3A_747, %reduce_min3A_748 [0] : vector<8x128xf32> to vector<128xf32>
    %slice3A_750 = vector.extract_strided_slice %dot_general3A_12 {offsets = [0, 1280], sizes = [1024, 128], strides = [1, 1]} : vector<1024x2048xf32> to vector<1024x128xf32>
    %slice3A_751 = vector.extract_strided_slice %slice3A_750 {offsets = [0, 0], sizes = [512, 128], strides = [1, 1]} : vector<1024x128xf32> to vector<512x128xf32>
    %slice3A_752 = vector.extract_strided_slice %slice3A_750 {offsets = [512, 0], sizes = [512, 128], strides = [1, 1]} : vector<1024x128xf32> to vector<512x128xf32>
    %ge3A_753 = arith.cmpf oge, %slice3A_751, %slice3A_752 : vector<512x128xf32>
    %slice3A_754 = vector.extract_strided_slice %get3A_15 {offsets = [0, 0], sizes = [512, 128], strides = [1, 1]} : vector<1024x128xf32> to vector<512x128xf32>
    %slice3A_755 = vector.extract_strided_slice %get3A_15 {offsets = [512, 0], sizes = [512, 128], strides = [1, 1]} : vector<1024x128xf32> to vector<512x128xf32>
    %select_n3A_756 = arith.select %ge3A_753, %slice3A_754, %slice3A_755 : vector<512x128xi1>, vector<512x128xf32>
    %slice3A_757 = vector.extract_strided_slice %slice3A_750 {offsets = [0, 0], sizes = [512, 128], strides = [1, 1]} : vector<1024x128xf32> to vector<512x128xf32>
    %slice3A_758 = vector.extract_strided_slice %slice3A_750 {offsets = [512, 0], sizes = [512, 128], strides = [1, 1]} : vector<1024x128xf32> to vector<512x128xf32>
    %max3A_759 = arith.maximumf %slice3A_757, %slice3A_758 : vector<512x128xf32>
    %slice3A_760 = vector.extract_strided_slice %max3A_759 {offsets = [0, 0], sizes = [256, 128], strides = [1, 1]} : vector<512x128xf32> to vector<256x128xf32>
    %slice3A_761 = vector.extract_strided_slice %max3A_759 {offsets = [256, 0], sizes = [256, 128], strides = [1, 1]} : vector<512x128xf32> to vector<256x128xf32>
    %ge3A_762 = arith.cmpf oge, %slice3A_760, %slice3A_761 : vector<256x128xf32>
    %slice3A_763 = vector.extract_strided_slice %select_n3A_756 {offsets = [0, 0], sizes = [256, 128], strides = [1, 1]} : vector<512x128xf32> to vector<256x128xf32>
    %slice3A_764 = vector.extract_strided_slice %select_n3A_756 {offsets = [256, 0], sizes = [256, 128], strides = [1, 1]} : vector<512x128xf32> to vector<256x128xf32>
    %select_n3A_765 = arith.select %ge3A_762, %slice3A_763, %slice3A_764 : vector<256x128xi1>, vector<256x128xf32>
    %slice3A_766 = vector.extract_strided_slice %max3A_759 {offsets = [0, 0], sizes = [256, 128], strides = [1, 1]} : vector<512x128xf32> to vector<256x128xf32>
    %slice3A_767 = vector.extract_strided_slice %max3A_759 {offsets = [256, 0], sizes = [256, 128], strides = [1, 1]} : vector<512x128xf32> to vector<256x128xf32>
    %max3A_768 = arith.maximumf %slice3A_766, %slice3A_767 : vector<256x128xf32>
    %slice3A_769 = vector.extract_strided_slice %max3A_768 {offsets = [0, 0], sizes = [128, 128], strides = [1, 1]} : vector<256x128xf32> to vector<128x128xf32>
    %slice3A_770 = vector.extract_strided_slice %max3A_768 {offsets = [128, 0], sizes = [128, 128], strides = [1, 1]} : vector<256x128xf32> to vector<128x128xf32>
    %ge3A_771 = arith.cmpf oge, %slice3A_769, %slice3A_770 : vector<128x128xf32>
    %slice3A_772 = vector.extract_strided_slice %select_n3A_765 {offsets = [0, 0], sizes = [128, 128], strides = [1, 1]} : vector<256x128xf32> to vector<128x128xf32>
    %slice3A_773 = vector.extract_strided_slice %select_n3A_765 {offsets = [128, 0], sizes = [128, 128], strides = [1, 1]} : vector<256x128xf32> to vector<128x128xf32>
    %select_n3A_774 = arith.select %ge3A_771, %slice3A_772, %slice3A_773 : vector<128x128xi1>, vector<128x128xf32>
    %slice3A_775 = vector.extract_strided_slice %max3A_768 {offsets = [0, 0], sizes = [128, 128], strides = [1, 1]} : vector<256x128xf32> to vector<128x128xf32>
    %slice3A_776 = vector.extract_strided_slice %max3A_768 {offsets = [128, 0], sizes = [128, 128], strides = [1, 1]} : vector<256x128xf32> to vector<128x128xf32>
    %max3A_777 = arith.maximumf %slice3A_775, %slice3A_776 : vector<128x128xf32>
    %slice3A_778 = vector.extract_strided_slice %max3A_777 {offsets = [0, 0], sizes = [64, 128], strides = [1, 1]} : vector<128x128xf32> to vector<64x128xf32>
    %slice3A_779 = vector.extract_strided_slice %max3A_777 {offsets = [64, 0], sizes = [64, 128], strides = [1, 1]} : vector<128x128xf32> to vector<64x128xf32>
    %ge3A_780 = arith.cmpf oge, %slice3A_778, %slice3A_779 : vector<64x128xf32>
    %slice3A_781 = vector.extract_strided_slice %select_n3A_774 {offsets = [0, 0], sizes = [64, 128], strides = [1, 1]} : vector<128x128xf32> to vector<64x128xf32>
    %slice3A_782 = vector.extract_strided_slice %select_n3A_774 {offsets = [64, 0], sizes = [64, 128], strides = [1, 1]} : vector<128x128xf32> to vector<64x128xf32>
    %select_n3A_783 = arith.select %ge3A_780, %slice3A_781, %slice3A_782 : vector<64x128xi1>, vector<64x128xf32>
    %slice3A_784 = vector.extract_strided_slice %max3A_777 {offsets = [0, 0], sizes = [64, 128], strides = [1, 1]} : vector<128x128xf32> to vector<64x128xf32>
    %slice3A_785 = vector.extract_strided_slice %max3A_777 {offsets = [64, 0], sizes = [64, 128], strides = [1, 1]} : vector<128x128xf32> to vector<64x128xf32>
    %max3A_786 = arith.maximumf %slice3A_784, %slice3A_785 : vector<64x128xf32>
    %slice3A_787 = vector.extract_strided_slice %max3A_786 {offsets = [0, 0], sizes = [32, 128], strides = [1, 1]} : vector<64x128xf32> to vector<32x128xf32>
    %slice3A_788 = vector.extract_strided_slice %max3A_786 {offsets = [32, 0], sizes = [32, 128], strides = [1, 1]} : vector<64x128xf32> to vector<32x128xf32>
    %ge3A_789 = arith.cmpf oge, %slice3A_787, %slice3A_788 : vector<32x128xf32>
    %slice3A_790 = vector.extract_strided_slice %select_n3A_783 {offsets = [0, 0], sizes = [32, 128], strides = [1, 1]} : vector<64x128xf32> to vector<32x128xf32>
    %slice3A_791 = vector.extract_strided_slice %select_n3A_783 {offsets = [32, 0], sizes = [32, 128], strides = [1, 1]} : vector<64x128xf32> to vector<32x128xf32>
    %select_n3A_792 = arith.select %ge3A_789, %slice3A_790, %slice3A_791 : vector<32x128xi1>, vector<32x128xf32>
    %slice3A_793 = vector.extract_strided_slice %max3A_786 {offsets = [0, 0], sizes = [32, 128], strides = [1, 1]} : vector<64x128xf32> to vector<32x128xf32>
    %slice3A_794 = vector.extract_strided_slice %max3A_786 {offsets = [32, 0], sizes = [32, 128], strides = [1, 1]} : vector<64x128xf32> to vector<32x128xf32>
    %max3A_795 = arith.maximumf %slice3A_793, %slice3A_794 : vector<32x128xf32>
    %slice3A_796 = vector.extract_strided_slice %max3A_795 {offsets = [0, 0], sizes = [16, 128], strides = [1, 1]} : vector<32x128xf32> to vector<16x128xf32>
    %slice3A_797 = vector.extract_strided_slice %max3A_795 {offsets = [16, 0], sizes = [16, 128], strides = [1, 1]} : vector<32x128xf32> to vector<16x128xf32>
    %ge3A_798 = arith.cmpf oge, %slice3A_796, %slice3A_797 : vector<16x128xf32>
    %slice3A_799 = vector.extract_strided_slice %select_n3A_792 {offsets = [0, 0], sizes = [16, 128], strides = [1, 1]} : vector<32x128xf32> to vector<16x128xf32>
    %slice3A_800 = vector.extract_strided_slice %select_n3A_792 {offsets = [16, 0], sizes = [16, 128], strides = [1, 1]} : vector<32x128xf32> to vector<16x128xf32>
    %select_n3A_801 = arith.select %ge3A_798, %slice3A_799, %slice3A_800 : vector<16x128xi1>, vector<16x128xf32>
    %slice3A_802 = vector.extract_strided_slice %max3A_795 {offsets = [0, 0], sizes = [16, 128], strides = [1, 1]} : vector<32x128xf32> to vector<16x128xf32>
    %slice3A_803 = vector.extract_strided_slice %max3A_795 {offsets = [16, 0], sizes = [16, 128], strides = [1, 1]} : vector<32x128xf32> to vector<16x128xf32>
    %max3A_804 = arith.maximumf %slice3A_802, %slice3A_803 : vector<16x128xf32>
    %slice3A_805 = vector.extract_strided_slice %max3A_804 {offsets = [0, 0], sizes = [8, 128], strides = [1, 1]} : vector<16x128xf32> to vector<8x128xf32>
    %slice3A_806 = vector.extract_strided_slice %max3A_804 {offsets = [8, 0], sizes = [8, 128], strides = [1, 1]} : vector<16x128xf32> to vector<8x128xf32>
    %ge3A_807 = arith.cmpf oge, %slice3A_805, %slice3A_806 : vector<8x128xf32>
    %slice3A_808 = vector.extract_strided_slice %select_n3A_801 {offsets = [0, 0], sizes = [8, 128], strides = [1, 1]} : vector<16x128xf32> to vector<8x128xf32>
    %slice3A_809 = vector.extract_strided_slice %select_n3A_801 {offsets = [8, 0], sizes = [8, 128], strides = [1, 1]} : vector<16x128xf32> to vector<8x128xf32>
    %select_n3A_810 = arith.select %ge3A_807, %slice3A_808, %slice3A_809 : vector<8x128xi1>, vector<8x128xf32>
    %slice3A_811 = vector.extract_strided_slice %max3A_804 {offsets = [0, 0], sizes = [8, 128], strides = [1, 1]} : vector<16x128xf32> to vector<8x128xf32>
    %slice3A_812 = vector.extract_strided_slice %max3A_804 {offsets = [8, 0], sizes = [8, 128], strides = [1, 1]} : vector<16x128xf32> to vector<8x128xf32>
    %max3A_813 = arith.maximumf %slice3A_811, %slice3A_812 : vector<8x128xf32>
    %reduce_max3A_814 = arith.constant dense<0xFF800000> : vector<128xf32>
    %reduce_max3A_815 = vector.multi_reduction <maximumf>, %max3A_813, %reduce_max3A_814 [0] : vector<8x128xf32> to vector<128xf32>
    %broadcast_in_dim3A_816 = vector.shape_cast %reduce_max3A_815 : vector<128xf32> to vector<1x128xf32>
    %ge3A_817 = vector.broadcast %broadcast_in_dim3A_816 : vector<1x128xf32> to vector<8x128xf32>
    %ge3A_818 = arith.cmpf oge, %max3A_813, %ge3A_817 : vector<8x128xf32>
    %jit3A_819 = arith.constant 1.024000e+03 : f32
    %broadcast_in_dim3A_820 = vector.broadcast %jit3A_819 : f32 to vector<8x128xf32>
    %select_n3A_821 = arith.select %ge3A_818, %select_n3A_810, %broadcast_in_dim3A_820 : vector<8x128xi1>, vector<8x128xf32>
    %reduce_min3A_822 = arith.constant dense<0x7F800000> : vector<128xf32>
    %reduce_min3A_823 = vector.multi_reduction <minimumf>, %select_n3A_821, %reduce_min3A_822 [0] : vector<8x128xf32> to vector<128xf32>
    %slice3A_824 = vector.extract_strided_slice %dot_general3A_12 {offsets = [0, 1408], sizes = [1024, 128], strides = [1, 1]} : vector<1024x2048xf32> to vector<1024x128xf32>
    %slice3A_825 = vector.extract_strided_slice %slice3A_824 {offsets = [0, 0], sizes = [512, 128], strides = [1, 1]} : vector<1024x128xf32> to vector<512x128xf32>
    %slice3A_826 = vector.extract_strided_slice %slice3A_824 {offsets = [512, 0], sizes = [512, 128], strides = [1, 1]} : vector<1024x128xf32> to vector<512x128xf32>
    %ge3A_827 = arith.cmpf oge, %slice3A_825, %slice3A_826 : vector<512x128xf32>
    %slice3A_828 = vector.extract_strided_slice %get3A_15 {offsets = [0, 0], sizes = [512, 128], strides = [1, 1]} : vector<1024x128xf32> to vector<512x128xf32>
    %slice3A_829 = vector.extract_strided_slice %get3A_15 {offsets = [512, 0], sizes = [512, 128], strides = [1, 1]} : vector<1024x128xf32> to vector<512x128xf32>
    %select_n3A_830 = arith.select %ge3A_827, %slice3A_828, %slice3A_829 : vector<512x128xi1>, vector<512x128xf32>
    %slice3A_831 = vector.extract_strided_slice %slice3A_824 {offsets = [0, 0], sizes = [512, 128], strides = [1, 1]} : vector<1024x128xf32> to vector<512x128xf32>
    %slice3A_832 = vector.extract_strided_slice %slice3A_824 {offsets = [512, 0], sizes = [512, 128], strides = [1, 1]} : vector<1024x128xf32> to vector<512x128xf32>
    %max3A_833 = arith.maximumf %slice3A_831, %slice3A_832 : vector<512x128xf32>
    %slice3A_834 = vector.extract_strided_slice %max3A_833 {offsets = [0, 0], sizes = [256, 128], strides = [1, 1]} : vector<512x128xf32> to vector<256x128xf32>
    %slice3A_835 = vector.extract_strided_slice %max3A_833 {offsets = [256, 0], sizes = [256, 128], strides = [1, 1]} : vector<512x128xf32> to vector<256x128xf32>
    %ge3A_836 = arith.cmpf oge, %slice3A_834, %slice3A_835 : vector<256x128xf32>
    %slice3A_837 = vector.extract_strided_slice %select_n3A_830 {offsets = [0, 0], sizes = [256, 128], strides = [1, 1]} : vector<512x128xf32> to vector<256x128xf32>
    %slice3A_838 = vector.extract_strided_slice %select_n3A_830 {offsets = [256, 0], sizes = [256, 128], strides = [1, 1]} : vector<512x128xf32> to vector<256x128xf32>
    %select_n3A_839 = arith.select %ge3A_836, %slice3A_837, %slice3A_838 : vector<256x128xi1>, vector<256x128xf32>
    %slice3A_840 = vector.extract_strided_slice %max3A_833 {offsets = [0, 0], sizes = [256, 128], strides = [1, 1]} : vector<512x128xf32> to vector<256x128xf32>
    %slice3A_841 = vector.extract_strided_slice %max3A_833 {offsets = [256, 0], sizes = [256, 128], strides = [1, 1]} : vector<512x128xf32> to vector<256x128xf32>
    %max3A_842 = arith.maximumf %slice3A_840, %slice3A_841 : vector<256x128xf32>
    %slice3A_843 = vector.extract_strided_slice %max3A_842 {offsets = [0, 0], sizes = [128, 128], strides = [1, 1]} : vector<256x128xf32> to vector<128x128xf32>
    %slice3A_844 = vector.extract_strided_slice %max3A_842 {offsets = [128, 0], sizes = [128, 128], strides = [1, 1]} : vector<256x128xf32> to vector<128x128xf32>
    %ge3A_845 = arith.cmpf oge, %slice3A_843, %slice3A_844 : vector<128x128xf32>
    %slice3A_846 = vector.extract_strided_slice %select_n3A_839 {offsets = [0, 0], sizes = [128, 128], strides = [1, 1]} : vector<256x128xf32> to vector<128x128xf32>
    %slice3A_847 = vector.extract_strided_slice %select_n3A_839 {offsets = [128, 0], sizes = [128, 128], strides = [1, 1]} : vector<256x128xf32> to vector<128x128xf32>
    %select_n3A_848 = arith.select %ge3A_845, %slice3A_846, %slice3A_847 : vector<128x128xi1>, vector<128x128xf32>
    %slice3A_849 = vector.extract_strided_slice %max3A_842 {offsets = [0, 0], sizes = [128, 128], strides = [1, 1]} : vector<256x128xf32> to vector<128x128xf32>
    %slice3A_850 = vector.extract_strided_slice %max3A_842 {offsets = [128, 0], sizes = [128, 128], strides = [1, 1]} : vector<256x128xf32> to vector<128x128xf32>
    %max3A_851 = arith.maximumf %slice3A_849, %slice3A_850 : vector<128x128xf32>
    %slice3A_852 = vector.extract_strided_slice %max3A_851 {offsets = [0, 0], sizes = [64, 128], strides = [1, 1]} : vector<128x128xf32> to vector<64x128xf32>
    %slice3A_853 = vector.extract_strided_slice %max3A_851 {offsets = [64, 0], sizes = [64, 128], strides = [1, 1]} : vector<128x128xf32> to vector<64x128xf32>
    %ge3A_854 = arith.cmpf oge, %slice3A_852, %slice3A_853 : vector<64x128xf32>
    %slice3A_855 = vector.extract_strided_slice %select_n3A_848 {offsets = [0, 0], sizes = [64, 128], strides = [1, 1]} : vector<128x128xf32> to vector<64x128xf32>
    %slice3A_856 = vector.extract_strided_slice %select_n3A_848 {offsets = [64, 0], sizes = [64, 128], strides = [1, 1]} : vector<128x128xf32> to vector<64x128xf32>
    %select_n3A_857 = arith.select %ge3A_854, %slice3A_855, %slice3A_856 : vector<64x128xi1>, vector<64x128xf32>
    %slice3A_858 = vector.extract_strided_slice %max3A_851 {offsets = [0, 0], sizes = [64, 128], strides = [1, 1]} : vector<128x128xf32> to vector<64x128xf32>
    %slice3A_859 = vector.extract_strided_slice %max3A_851 {offsets = [64, 0], sizes = [64, 128], strides = [1, 1]} : vector<128x128xf32> to vector<64x128xf32>
    %max3A_860 = arith.maximumf %slice3A_858, %slice3A_859 : vector<64x128xf32>
    %slice3A_861 = vector.extract_strided_slice %max3A_860 {offsets = [0, 0], sizes = [32, 128], strides = [1, 1]} : vector<64x128xf32> to vector<32x128xf32>
    %slice3A_862 = vector.extract_strided_slice %max3A_860 {offsets = [32, 0], sizes = [32, 128], strides = [1, 1]} : vector<64x128xf32> to vector<32x128xf32>
    %ge3A_863 = arith.cmpf oge, %slice3A_861, %slice3A_862 : vector<32x128xf32>
    %slice3A_864 = vector.extract_strided_slice %select_n3A_857 {offsets = [0, 0], sizes = [32, 128], strides = [1, 1]} : vector<64x128xf32> to vector<32x128xf32>
    %slice3A_865 = vector.extract_strided_slice %select_n3A_857 {offsets = [32, 0], sizes = [32, 128], strides = [1, 1]} : vector<64x128xf32> to vector<32x128xf32>
    %select_n3A_866 = arith.select %ge3A_863, %slice3A_864, %slice3A_865 : vector<32x128xi1>, vector<32x128xf32>
    %slice3A_867 = vector.extract_strided_slice %max3A_860 {offsets = [0, 0], sizes = [32, 128], strides = [1, 1]} : vector<64x128xf32> to vector<32x128xf32>
    %slice3A_868 = vector.extract_strided_slice %max3A_860 {offsets = [32, 0], sizes = [32, 128], strides = [1, 1]} : vector<64x128xf32> to vector<32x128xf32>
    %max3A_869 = arith.maximumf %slice3A_867, %slice3A_868 : vector<32x128xf32>
    %slice3A_870 = vector.extract_strided_slice %max3A_869 {offsets = [0, 0], sizes = [16, 128], strides = [1, 1]} : vector<32x128xf32> to vector<16x128xf32>
    %slice3A_871 = vector.extract_strided_slice %max3A_869 {offsets = [16, 0], sizes = [16, 128], strides = [1, 1]} : vector<32x128xf32> to vector<16x128xf32>
    %ge3A_872 = arith.cmpf oge, %slice3A_870, %slice3A_871 : vector<16x128xf32>
    %slice3A_873 = vector.extract_strided_slice %select_n3A_866 {offsets = [0, 0], sizes = [16, 128], strides = [1, 1]} : vector<32x128xf32> to vector<16x128xf32>
    %slice3A_874 = vector.extract_strided_slice %select_n3A_866 {offsets = [16, 0], sizes = [16, 128], strides = [1, 1]} : vector<32x128xf32> to vector<16x128xf32>
    %select_n3A_875 = arith.select %ge3A_872, %slice3A_873, %slice3A_874 : vector<16x128xi1>, vector<16x128xf32>
    %slice3A_876 = vector.extract_strided_slice %max3A_869 {offsets = [0, 0], sizes = [16, 128], strides = [1, 1]} : vector<32x128xf32> to vector<16x128xf32>
    %slice3A_877 = vector.extract_strided_slice %max3A_869 {offsets = [16, 0], sizes = [16, 128], strides = [1, 1]} : vector<32x128xf32> to vector<16x128xf32>
    %max3A_878 = arith.maximumf %slice3A_876, %slice3A_877 : vector<16x128xf32>
    %slice3A_879 = vector.extract_strided_slice %max3A_878 {offsets = [0, 0], sizes = [8, 128], strides = [1, 1]} : vector<16x128xf32> to vector<8x128xf32>
    %slice3A_880 = vector.extract_strided_slice %max3A_878 {offsets = [8, 0], sizes = [8, 128], strides = [1, 1]} : vector<16x128xf32> to vector<8x128xf32>
    %ge3A_881 = arith.cmpf oge, %slice3A_879, %slice3A_880 : vector<8x128xf32>
    %slice3A_882 = vector.extract_strided_slice %select_n3A_875 {offsets = [0, 0], sizes = [8, 128], strides = [1, 1]} : vector<16x128xf32> to vector<8x128xf32>
    %slice3A_883 = vector.extract_strided_slice %select_n3A_875 {offsets = [8, 0], sizes = [8, 128], strides = [1, 1]} : vector<16x128xf32> to vector<8x128xf32>
    %select_n3A_884 = arith.select %ge3A_881, %slice3A_882, %slice3A_883 : vector<8x128xi1>, vector<8x128xf32>
    %slice3A_885 = vector.extract_strided_slice %max3A_878 {offsets = [0, 0], sizes = [8, 128], strides = [1, 1]} : vector<16x128xf32> to vector<8x128xf32>
    %slice3A_886 = vector.extract_strided_slice %max3A_878 {offsets = [8, 0], sizes = [8, 128], strides = [1, 1]} : vector<16x128xf32> to vector<8x128xf32>
    %max3A_887 = arith.maximumf %slice3A_885, %slice3A_886 : vector<8x128xf32>
    %reduce_max3A_888 = arith.constant dense<0xFF800000> : vector<128xf32>
    %reduce_max3A_889 = vector.multi_reduction <maximumf>, %max3A_887, %reduce_max3A_888 [0] : vector<8x128xf32> to vector<128xf32>
    %broadcast_in_dim3A_890 = vector.shape_cast %reduce_max3A_889 : vector<128xf32> to vector<1x128xf32>
    %ge3A_891 = vector.broadcast %broadcast_in_dim3A_890 : vector<1x128xf32> to vector<8x128xf32>
    %ge3A_892 = arith.cmpf oge, %max3A_887, %ge3A_891 : vector<8x128xf32>
    %jit3A_893 = arith.constant 1.024000e+03 : f32
    %broadcast_in_dim3A_894 = vector.broadcast %jit3A_893 : f32 to vector<8x128xf32>
    %select_n3A_895 = arith.select %ge3A_892, %select_n3A_884, %broadcast_in_dim3A_894 : vector<8x128xi1>, vector<8x128xf32>
    %reduce_min3A_896 = arith.constant dense<0x7F800000> : vector<128xf32>
    %reduce_min3A_897 = vector.multi_reduction <minimumf>, %select_n3A_895, %reduce_min3A_896 [0] : vector<8x128xf32> to vector<128xf32>
    %slice3A_898 = vector.extract_strided_slice %dot_general3A_12 {offsets = [0, 1536], sizes = [1024, 128], strides = [1, 1]} : vector<1024x2048xf32> to vector<1024x128xf32>
    %slice3A_899 = vector.extract_strided_slice %slice3A_898 {offsets = [0, 0], sizes = [512, 128], strides = [1, 1]} : vector<1024x128xf32> to vector<512x128xf32>
    %slice3A_900 = vector.extract_strided_slice %slice3A_898 {offsets = [512, 0], sizes = [512, 128], strides = [1, 1]} : vector<1024x128xf32> to vector<512x128xf32>
    %ge3A_901 = arith.cmpf oge, %slice3A_899, %slice3A_900 : vector<512x128xf32>
    %slice3A_902 = vector.extract_strided_slice %get3A_15 {offsets = [0, 0], sizes = [512, 128], strides = [1, 1]} : vector<1024x128xf32> to vector<512x128xf32>
    %slice3A_903 = vector.extract_strided_slice %get3A_15 {offsets = [512, 0], sizes = [512, 128], strides = [1, 1]} : vector<1024x128xf32> to vector<512x128xf32>
    %select_n3A_904 = arith.select %ge3A_901, %slice3A_902, %slice3A_903 : vector<512x128xi1>, vector<512x128xf32>
    %slice3A_905 = vector.extract_strided_slice %slice3A_898 {offsets = [0, 0], sizes = [512, 128], strides = [1, 1]} : vector<1024x128xf32> to vector<512x128xf32>
    %slice3A_906 = vector.extract_strided_slice %slice3A_898 {offsets = [512, 0], sizes = [512, 128], strides = [1, 1]} : vector<1024x128xf32> to vector<512x128xf32>
    %max3A_907 = arith.maximumf %slice3A_905, %slice3A_906 : vector<512x128xf32>
    %slice3A_908 = vector.extract_strided_slice %max3A_907 {offsets = [0, 0], sizes = [256, 128], strides = [1, 1]} : vector<512x128xf32> to vector<256x128xf32>
    %slice3A_909 = vector.extract_strided_slice %max3A_907 {offsets = [256, 0], sizes = [256, 128], strides = [1, 1]} : vector<512x128xf32> to vector<256x128xf32>
    %ge3A_910 = arith.cmpf oge, %slice3A_908, %slice3A_909 : vector<256x128xf32>
    %slice3A_911 = vector.extract_strided_slice %select_n3A_904 {offsets = [0, 0], sizes = [256, 128], strides = [1, 1]} : vector<512x128xf32> to vector<256x128xf32>
    %slice3A_912 = vector.extract_strided_slice %select_n3A_904 {offsets = [256, 0], sizes = [256, 128], strides = [1, 1]} : vector<512x128xf32> to vector<256x128xf32>
    %select_n3A_913 = arith.select %ge3A_910, %slice3A_911, %slice3A_912 : vector<256x128xi1>, vector<256x128xf32>
    %slice3A_914 = vector.extract_strided_slice %max3A_907 {offsets = [0, 0], sizes = [256, 128], strides = [1, 1]} : vector<512x128xf32> to vector<256x128xf32>
    %slice3A_915 = vector.extract_strided_slice %max3A_907 {offsets = [256, 0], sizes = [256, 128], strides = [1, 1]} : vector<512x128xf32> to vector<256x128xf32>
    %max3A_916 = arith.maximumf %slice3A_914, %slice3A_915 : vector<256x128xf32>
    %slice3A_917 = vector.extract_strided_slice %max3A_916 {offsets = [0, 0], sizes = [128, 128], strides = [1, 1]} : vector<256x128xf32> to vector<128x128xf32>
    %slice3A_918 = vector.extract_strided_slice %max3A_916 {offsets = [128, 0], sizes = [128, 128], strides = [1, 1]} : vector<256x128xf32> to vector<128x128xf32>
    %ge3A_919 = arith.cmpf oge, %slice3A_917, %slice3A_918 : vector<128x128xf32>
    %slice3A_920 = vector.extract_strided_slice %select_n3A_913 {offsets = [0, 0], sizes = [128, 128], strides = [1, 1]} : vector<256x128xf32> to vector<128x128xf32>
    %slice3A_921 = vector.extract_strided_slice %select_n3A_913 {offsets = [128, 0], sizes = [128, 128], strides = [1, 1]} : vector<256x128xf32> to vector<128x128xf32>
    %select_n3A_922 = arith.select %ge3A_919, %slice3A_920, %slice3A_921 : vector<128x128xi1>, vector<128x128xf32>
    %slice3A_923 = vector.extract_strided_slice %max3A_916 {offsets = [0, 0], sizes = [128, 128], strides = [1, 1]} : vector<256x128xf32> to vector<128x128xf32>
    %slice3A_924 = vector.extract_strided_slice %max3A_916 {offsets = [128, 0], sizes = [128, 128], strides = [1, 1]} : vector<256x128xf32> to vector<128x128xf32>
    %max3A_925 = arith.maximumf %slice3A_923, %slice3A_924 : vector<128x128xf32>
    %slice3A_926 = vector.extract_strided_slice %max3A_925 {offsets = [0, 0], sizes = [64, 128], strides = [1, 1]} : vector<128x128xf32> to vector<64x128xf32>
    %slice3A_927 = vector.extract_strided_slice %max3A_925 {offsets = [64, 0], sizes = [64, 128], strides = [1, 1]} : vector<128x128xf32> to vector<64x128xf32>
    %ge3A_928 = arith.cmpf oge, %slice3A_926, %slice3A_927 : vector<64x128xf32>
    %slice3A_929 = vector.extract_strided_slice %select_n3A_922 {offsets = [0, 0], sizes = [64, 128], strides = [1, 1]} : vector<128x128xf32> to vector<64x128xf32>
    %slice3A_930 = vector.extract_strided_slice %select_n3A_922 {offsets = [64, 0], sizes = [64, 128], strides = [1, 1]} : vector<128x128xf32> to vector<64x128xf32>
    %select_n3A_931 = arith.select %ge3A_928, %slice3A_929, %slice3A_930 : vector<64x128xi1>, vector<64x128xf32>
    %slice3A_932 = vector.extract_strided_slice %max3A_925 {offsets = [0, 0], sizes = [64, 128], strides = [1, 1]} : vector<128x128xf32> to vector<64x128xf32>
    %slice3A_933 = vector.extract_strided_slice %max3A_925 {offsets = [64, 0], sizes = [64, 128], strides = [1, 1]} : vector<128x128xf32> to vector<64x128xf32>
    %max3A_934 = arith.maximumf %slice3A_932, %slice3A_933 : vector<64x128xf32>
    %slice3A_935 = vector.extract_strided_slice %max3A_934 {offsets = [0, 0], sizes = [32, 128], strides = [1, 1]} : vector<64x128xf32> to vector<32x128xf32>
    %slice3A_936 = vector.extract_strided_slice %max3A_934 {offsets = [32, 0], sizes = [32, 128], strides = [1, 1]} : vector<64x128xf32> to vector<32x128xf32>
    %ge3A_937 = arith.cmpf oge, %slice3A_935, %slice3A_936 : vector<32x128xf32>
    %slice3A_938 = vector.extract_strided_slice %select_n3A_931 {offsets = [0, 0], sizes = [32, 128], strides = [1, 1]} : vector<64x128xf32> to vector<32x128xf32>
    %slice3A_939 = vector.extract_strided_slice %select_n3A_931 {offsets = [32, 0], sizes = [32, 128], strides = [1, 1]} : vector<64x128xf32> to vector<32x128xf32>
    %select_n3A_940 = arith.select %ge3A_937, %slice3A_938, %slice3A_939 : vector<32x128xi1>, vector<32x128xf32>
    %slice3A_941 = vector.extract_strided_slice %max3A_934 {offsets = [0, 0], sizes = [32, 128], strides = [1, 1]} : vector<64x128xf32> to vector<32x128xf32>
    %slice3A_942 = vector.extract_strided_slice %max3A_934 {offsets = [32, 0], sizes = [32, 128], strides = [1, 1]} : vector<64x128xf32> to vector<32x128xf32>
    %max3A_943 = arith.maximumf %slice3A_941, %slice3A_942 : vector<32x128xf32>
    %slice3A_944 = vector.extract_strided_slice %max3A_943 {offsets = [0, 0], sizes = [16, 128], strides = [1, 1]} : vector<32x128xf32> to vector<16x128xf32>
    %slice3A_945 = vector.extract_strided_slice %max3A_943 {offsets = [16, 0], sizes = [16, 128], strides = [1, 1]} : vector<32x128xf32> to vector<16x128xf32>
    %ge3A_946 = arith.cmpf oge, %slice3A_944, %slice3A_945 : vector<16x128xf32>
    %slice3A_947 = vector.extract_strided_slice %select_n3A_940 {offsets = [0, 0], sizes = [16, 128], strides = [1, 1]} : vector<32x128xf32> to vector<16x128xf32>
    %slice3A_948 = vector.extract_strided_slice %select_n3A_940 {offsets = [16, 0], sizes = [16, 128], strides = [1, 1]} : vector<32x128xf32> to vector<16x128xf32>
    %select_n3A_949 = arith.select %ge3A_946, %slice3A_947, %slice3A_948 : vector<16x128xi1>, vector<16x128xf32>
    %slice3A_950 = vector.extract_strided_slice %max3A_943 {offsets = [0, 0], sizes = [16, 128], strides = [1, 1]} : vector<32x128xf32> to vector<16x128xf32>
    %slice3A_951 = vector.extract_strided_slice %max3A_943 {offsets = [16, 0], sizes = [16, 128], strides = [1, 1]} : vector<32x128xf32> to vector<16x128xf32>
    %max3A_952 = arith.maximumf %slice3A_950, %slice3A_951 : vector<16x128xf32>
    %slice3A_953 = vector.extract_strided_slice %max3A_952 {offsets = [0, 0], sizes = [8, 128], strides = [1, 1]} : vector<16x128xf32> to vector<8x128xf32>
    %slice3A_954 = vector.extract_strided_slice %max3A_952 {offsets = [8, 0], sizes = [8, 128], strides = [1, 1]} : vector<16x128xf32> to vector<8x128xf32>
    %ge3A_955 = arith.cmpf oge, %slice3A_953, %slice3A_954 : vector<8x128xf32>
    %slice3A_956 = vector.extract_strided_slice %select_n3A_949 {offsets = [0, 0], sizes = [8, 128], strides = [1, 1]} : vector<16x128xf32> to vector<8x128xf32>
    %slice3A_957 = vector.extract_strided_slice %select_n3A_949 {offsets = [8, 0], sizes = [8, 128], strides = [1, 1]} : vector<16x128xf32> to vector<8x128xf32>
    %select_n3A_958 = arith.select %ge3A_955, %slice3A_956, %slice3A_957 : vector<8x128xi1>, vector<8x128xf32>
    %slice3A_959 = vector.extract_strided_slice %max3A_952 {offsets = [0, 0], sizes = [8, 128], strides = [1, 1]} : vector<16x128xf32> to vector<8x128xf32>
    %slice3A_960 = vector.extract_strided_slice %max3A_952 {offsets = [8, 0], sizes = [8, 128], strides = [1, 1]} : vector<16x128xf32> to vector<8x128xf32>
    %max3A_961 = arith.maximumf %slice3A_959, %slice3A_960 : vector<8x128xf32>
    %reduce_max3A_962 = arith.constant dense<0xFF800000> : vector<128xf32>
    %reduce_max3A_963 = vector.multi_reduction <maximumf>, %max3A_961, %reduce_max3A_962 [0] : vector<8x128xf32> to vector<128xf32>
    %broadcast_in_dim3A_964 = vector.shape_cast %reduce_max3A_963 : vector<128xf32> to vector<1x128xf32>
    %ge3A_965 = vector.broadcast %broadcast_in_dim3A_964 : vector<1x128xf32> to vector<8x128xf32>
    %ge3A_966 = arith.cmpf oge, %max3A_961, %ge3A_965 : vector<8x128xf32>
    %jit3A_967 = arith.constant 1.024000e+03 : f32
    %broadcast_in_dim3A_968 = vector.broadcast %jit3A_967 : f32 to vector<8x128xf32>
    %select_n3A_969 = arith.select %ge3A_966, %select_n3A_958, %broadcast_in_dim3A_968 : vector<8x128xi1>, vector<8x128xf32>
    %reduce_min3A_970 = arith.constant dense<0x7F800000> : vector<128xf32>
    %reduce_min3A_971 = vector.multi_reduction <minimumf>, %select_n3A_969, %reduce_min3A_970 [0] : vector<8x128xf32> to vector<128xf32>
    %slice3A_972 = vector.extract_strided_slice %dot_general3A_12 {offsets = [0, 1664], sizes = [1024, 128], strides = [1, 1]} : vector<1024x2048xf32> to vector<1024x128xf32>
    %slice3A_973 = vector.extract_strided_slice %slice3A_972 {offsets = [0, 0], sizes = [512, 128], strides = [1, 1]} : vector<1024x128xf32> to vector<512x128xf32>
    %slice3A_974 = vector.extract_strided_slice %slice3A_972 {offsets = [512, 0], sizes = [512, 128], strides = [1, 1]} : vector<1024x128xf32> to vector<512x128xf32>
    %ge3A_975 = arith.cmpf oge, %slice3A_973, %slice3A_974 : vector<512x128xf32>
    %slice3A_976 = vector.extract_strided_slice %get3A_15 {offsets = [0, 0], sizes = [512, 128], strides = [1, 1]} : vector<1024x128xf32> to vector<512x128xf32>
    %slice3A_977 = vector.extract_strided_slice %get3A_15 {offsets = [512, 0], sizes = [512, 128], strides = [1, 1]} : vector<1024x128xf32> to vector<512x128xf32>
    %select_n3A_978 = arith.select %ge3A_975, %slice3A_976, %slice3A_977 : vector<512x128xi1>, vector<512x128xf32>
    %slice3A_979 = vector.extract_strided_slice %slice3A_972 {offsets = [0, 0], sizes = [512, 128], strides = [1, 1]} : vector<1024x128xf32> to vector<512x128xf32>
    %slice3A_980 = vector.extract_strided_slice %slice3A_972 {offsets = [512, 0], sizes = [512, 128], strides = [1, 1]} : vector<1024x128xf32> to vector<512x128xf32>
    %max3A_981 = arith.maximumf %slice3A_979, %slice3A_980 : vector<512x128xf32>
    %slice3A_982 = vector.extract_strided_slice %max3A_981 {offsets = [0, 0], sizes = [256, 128], strides = [1, 1]} : vector<512x128xf32> to vector<256x128xf32>
    %slice3A_983 = vector.extract_strided_slice %max3A_981 {offsets = [256, 0], sizes = [256, 128], strides = [1, 1]} : vector<512x128xf32> to vector<256x128xf32>
    %ge3A_984 = arith.cmpf oge, %slice3A_982, %slice3A_983 : vector<256x128xf32>
    %slice3A_985 = vector.extract_strided_slice %select_n3A_978 {offsets = [0, 0], sizes = [256, 128], strides = [1, 1]} : vector<512x128xf32> to vector<256x128xf32>
    %slice3A_986 = vector.extract_strided_slice %select_n3A_978 {offsets = [256, 0], sizes = [256, 128], strides = [1, 1]} : vector<512x128xf32> to vector<256x128xf32>
    %select_n3A_987 = arith.select %ge3A_984, %slice3A_985, %slice3A_986 : vector<256x128xi1>, vector<256x128xf32>
    %slice3A_988 = vector.extract_strided_slice %max3A_981 {offsets = [0, 0], sizes = [256, 128], strides = [1, 1]} : vector<512x128xf32> to vector<256x128xf32>
    %slice3A_989 = vector.extract_strided_slice %max3A_981 {offsets = [256, 0], sizes = [256, 128], strides = [1, 1]} : vector<512x128xf32> to vector<256x128xf32>
    %max3A_990 = arith.maximumf %slice3A_988, %slice3A_989 : vector<256x128xf32>
    %slice3A_991 = vector.extract_strided_slice %max3A_990 {offsets = [0, 0], sizes = [128, 128], strides = [1, 1]} : vector<256x128xf32> to vector<128x128xf32>
    %slice3A_992 = vector.extract_strided_slice %max3A_990 {offsets = [128, 0], sizes = [128, 128], strides = [1, 1]} : vector<256x128xf32> to vector<128x128xf32>
    %ge3A_993 = arith.cmpf oge, %slice3A_991, %slice3A_992 : vector<128x128xf32>
    %slice3A_994 = vector.extract_strided_slice %select_n3A_987 {offsets = [0, 0], sizes = [128, 128], strides = [1, 1]} : vector<256x128xf32> to vector<128x128xf32>
    %slice3A_995 = vector.extract_strided_slice %select_n3A_987 {offsets = [128, 0], sizes = [128, 128], strides = [1, 1]} : vector<256x128xf32> to vector<128x128xf32>
    %select_n3A_996 = arith.select %ge3A_993, %slice3A_994, %slice3A_995 : vector<128x128xi1>, vector<128x128xf32>
    %slice3A_997 = vector.extract_strided_slice %max3A_990 {offsets = [0, 0], sizes = [128, 128], strides = [1, 1]} : vector<256x128xf32> to vector<128x128xf32>
    %slice3A_998 = vector.extract_strided_slice %max3A_990 {offsets = [128, 0], sizes = [128, 128], strides = [1, 1]} : vector<256x128xf32> to vector<128x128xf32>
    %max3A_999 = arith.maximumf %slice3A_997, %slice3A_998 : vector<128x128xf32>
    %slice3A_1000 = vector.extract_strided_slice %max3A_999 {offsets = [0, 0], sizes = [64, 128], strides = [1, 1]} : vector<128x128xf32> to vector<64x128xf32>
    %slice3A_1001 = vector.extract_strided_slice %max3A_999 {offsets = [64, 0], sizes = [64, 128], strides = [1, 1]} : vector<128x128xf32> to vector<64x128xf32>
    %ge3A_1002 = arith.cmpf oge, %slice3A_1000, %slice3A_1001 : vector<64x128xf32>
    %slice3A_1003 = vector.extract_strided_slice %select_n3A_996 {offsets = [0, 0], sizes = [64, 128], strides = [1, 1]} : vector<128x128xf32> to vector<64x128xf32>
    %slice3A_1004 = vector.extract_strided_slice %select_n3A_996 {offsets = [64, 0], sizes = [64, 128], strides = [1, 1]} : vector<128x128xf32> to vector<64x128xf32>
    %select_n3A_1005 = arith.select %ge3A_1002, %slice3A_1003, %slice3A_1004 : vector<64x128xi1>, vector<64x128xf32>
    %slice3A_1006 = vector.extract_strided_slice %max3A_999 {offsets = [0, 0], sizes = [64, 128], strides = [1, 1]} : vector<128x128xf32> to vector<64x128xf32>
    %slice3A_1007 = vector.extract_strided_slice %max3A_999 {offsets = [64, 0], sizes = [64, 128], strides = [1, 1]} : vector<128x128xf32> to vector<64x128xf32>
    %max3A_1008 = arith.maximumf %slice3A_1006, %slice3A_1007 : vector<64x128xf32>
    %slice3A_1009 = vector.extract_strided_slice %max3A_1008 {offsets = [0, 0], sizes = [32, 128], strides = [1, 1]} : vector<64x128xf32> to vector<32x128xf32>
    %slice3A_1010 = vector.extract_strided_slice %max3A_1008 {offsets = [32, 0], sizes = [32, 128], strides = [1, 1]} : vector<64x128xf32> to vector<32x128xf32>
    %ge3A_1011 = arith.cmpf oge, %slice3A_1009, %slice3A_1010 : vector<32x128xf32>
    %slice3A_1012 = vector.extract_strided_slice %select_n3A_1005 {offsets = [0, 0], sizes = [32, 128], strides = [1, 1]} : vector<64x128xf32> to vector<32x128xf32>
    %slice3A_1013 = vector.extract_strided_slice %select_n3A_1005 {offsets = [32, 0], sizes = [32, 128], strides = [1, 1]} : vector<64x128xf32> to vector<32x128xf32>
    %select_n3A_1014 = arith.select %ge3A_1011, %slice3A_1012, %slice3A_1013 : vector<32x128xi1>, vector<32x128xf32>
    %slice3A_1015 = vector.extract_strided_slice %max3A_1008 {offsets = [0, 0], sizes = [32, 128], strides = [1, 1]} : vector<64x128xf32> to vector<32x128xf32>
    %slice3A_1016 = vector.extract_strided_slice %max3A_1008 {offsets = [32, 0], sizes = [32, 128], strides = [1, 1]} : vector<64x128xf32> to vector<32x128xf32>
    %max3A_1017 = arith.maximumf %slice3A_1015, %slice3A_1016 : vector<32x128xf32>
    %slice3A_1018 = vector.extract_strided_slice %max3A_1017 {offsets = [0, 0], sizes = [16, 128], strides = [1, 1]} : vector<32x128xf32> to vector<16x128xf32>
    %slice3A_1019 = vector.extract_strided_slice %max3A_1017 {offsets = [16, 0], sizes = [16, 128], strides = [1, 1]} : vector<32x128xf32> to vector<16x128xf32>
    %ge3A_1020 = arith.cmpf oge, %slice3A_1018, %slice3A_1019 : vector<16x128xf32>
    %slice3A_1021 = vector.extract_strided_slice %select_n3A_1014 {offsets = [0, 0], sizes = [16, 128], strides = [1, 1]} : vector<32x128xf32> to vector<16x128xf32>
    %slice3A_1022 = vector.extract_strided_slice %select_n3A_1014 {offsets = [16, 0], sizes = [16, 128], strides = [1, 1]} : vector<32x128xf32> to vector<16x128xf32>
    %select_n3A_1023 = arith.select %ge3A_1020, %slice3A_1021, %slice3A_1022 : vector<16x128xi1>, vector<16x128xf32>
    %slice3A_1024 = vector.extract_strided_slice %max3A_1017 {offsets = [0, 0], sizes = [16, 128], strides = [1, 1]} : vector<32x128xf32> to vector<16x128xf32>
    %slice3A_1025 = vector.extract_strided_slice %max3A_1017 {offsets = [16, 0], sizes = [16, 128], strides = [1, 1]} : vector<32x128xf32> to vector<16x128xf32>
    %max3A_1026 = arith.maximumf %slice3A_1024, %slice3A_1025 : vector<16x128xf32>
    %slice3A_1027 = vector.extract_strided_slice %max3A_1026 {offsets = [0, 0], sizes = [8, 128], strides = [1, 1]} : vector<16x128xf32> to vector<8x128xf32>
    %slice3A_1028 = vector.extract_strided_slice %max3A_1026 {offsets = [8, 0], sizes = [8, 128], strides = [1, 1]} : vector<16x128xf32> to vector<8x128xf32>
    %ge3A_1029 = arith.cmpf oge, %slice3A_1027, %slice3A_1028 : vector<8x128xf32>
    %slice3A_1030 = vector.extract_strided_slice %select_n3A_1023 {offsets = [0, 0], sizes = [8, 128], strides = [1, 1]} : vector<16x128xf32> to vector<8x128xf32>
    %slice3A_1031 = vector.extract_strided_slice %select_n3A_1023 {offsets = [8, 0], sizes = [8, 128], strides = [1, 1]} : vector<16x128xf32> to vector<8x128xf32>
    %select_n3A_1032 = arith.select %ge3A_1029, %slice3A_1030, %slice3A_1031 : vector<8x128xi1>, vector<8x128xf32>
    %slice3A_1033 = vector.extract_strided_slice %max3A_1026 {offsets = [0, 0], sizes = [8, 128], strides = [1, 1]} : vector<16x128xf32> to vector<8x128xf32>
    %slice3A_1034 = vector.extract_strided_slice %max3A_1026 {offsets = [8, 0], sizes = [8, 128], strides = [1, 1]} : vector<16x128xf32> to vector<8x128xf32>
    %max3A_1035 = arith.maximumf %slice3A_1033, %slice3A_1034 : vector<8x128xf32>
    %reduce_max3A_1036 = arith.constant dense<0xFF800000> : vector<128xf32>
    %reduce_max3A_1037 = vector.multi_reduction <maximumf>, %max3A_1035, %reduce_max3A_1036 [0] : vector<8x128xf32> to vector<128xf32>
    %broadcast_in_dim3A_1038 = vector.shape_cast %reduce_max3A_1037 : vector<128xf32> to vector<1x128xf32>
    %ge3A_1039 = vector.broadcast %broadcast_in_dim3A_1038 : vector<1x128xf32> to vector<8x128xf32>
    %ge3A_1040 = arith.cmpf oge, %max3A_1035, %ge3A_1039 : vector<8x128xf32>
    %jit3A_1041 = arith.constant 1.024000e+03 : f32
    %broadcast_in_dim3A_1042 = vector.broadcast %jit3A_1041 : f32 to vector<8x128xf32>
    %select_n3A_1043 = arith.select %ge3A_1040, %select_n3A_1032, %broadcast_in_dim3A_1042 : vector<8x128xi1>, vector<8x128xf32>
    %reduce_min3A_1044 = arith.constant dense<0x7F800000> : vector<128xf32>
    %reduce_min3A_1045 = vector.multi_reduction <minimumf>, %select_n3A_1043, %reduce_min3A_1044 [0] : vector<8x128xf32> to vector<128xf32>
    %slice3A_1046 = vector.extract_strided_slice %dot_general3A_12 {offsets = [0, 1792], sizes = [1024, 128], strides = [1, 1]} : vector<1024x2048xf32> to vector<1024x128xf32>
    %slice3A_1047 = vector.extract_strided_slice %slice3A_1046 {offsets = [0, 0], sizes = [512, 128], strides = [1, 1]} : vector<1024x128xf32> to vector<512x128xf32>
    %slice3A_1048 = vector.extract_strided_slice %slice3A_1046 {offsets = [512, 0], sizes = [512, 128], strides = [1, 1]} : vector<1024x128xf32> to vector<512x128xf32>
    %ge3A_1049 = arith.cmpf oge, %slice3A_1047, %slice3A_1048 : vector<512x128xf32>
    %slice3A_1050 = vector.extract_strided_slice %get3A_15 {offsets = [0, 0], sizes = [512, 128], strides = [1, 1]} : vector<1024x128xf32> to vector<512x128xf32>
    %slice3A_1051 = vector.extract_strided_slice %get3A_15 {offsets = [512, 0], sizes = [512, 128], strides = [1, 1]} : vector<1024x128xf32> to vector<512x128xf32>
    %select_n3A_1052 = arith.select %ge3A_1049, %slice3A_1050, %slice3A_1051 : vector<512x128xi1>, vector<512x128xf32>
    %slice3A_1053 = vector.extract_strided_slice %slice3A_1046 {offsets = [0, 0], sizes = [512, 128], strides = [1, 1]} : vector<1024x128xf32> to vector<512x128xf32>
    %slice3A_1054 = vector.extract_strided_slice %slice3A_1046 {offsets = [512, 0], sizes = [512, 128], strides = [1, 1]} : vector<1024x128xf32> to vector<512x128xf32>
    %max3A_1055 = arith.maximumf %slice3A_1053, %slice3A_1054 : vector<512x128xf32>
    %slice3A_1056 = vector.extract_strided_slice %max3A_1055 {offsets = [0, 0], sizes = [256, 128], strides = [1, 1]} : vector<512x128xf32> to vector<256x128xf32>
    %slice3A_1057 = vector.extract_strided_slice %max3A_1055 {offsets = [256, 0], sizes = [256, 128], strides = [1, 1]} : vector<512x128xf32> to vector<256x128xf32>
    %ge3A_1058 = arith.cmpf oge, %slice3A_1056, %slice3A_1057 : vector<256x128xf32>
    %slice3A_1059 = vector.extract_strided_slice %select_n3A_1052 {offsets = [0, 0], sizes = [256, 128], strides = [1, 1]} : vector<512x128xf32> to vector<256x128xf32>
    %slice3A_1060 = vector.extract_strided_slice %select_n3A_1052 {offsets = [256, 0], sizes = [256, 128], strides = [1, 1]} : vector<512x128xf32> to vector<256x128xf32>
    %select_n3A_1061 = arith.select %ge3A_1058, %slice3A_1059, %slice3A_1060 : vector<256x128xi1>, vector<256x128xf32>
    %slice3A_1062 = vector.extract_strided_slice %max3A_1055 {offsets = [0, 0], sizes = [256, 128], strides = [1, 1]} : vector<512x128xf32> to vector<256x128xf32>
    %slice3A_1063 = vector.extract_strided_slice %max3A_1055 {offsets = [256, 0], sizes = [256, 128], strides = [1, 1]} : vector<512x128xf32> to vector<256x128xf32>
    %max3A_1064 = arith.maximumf %slice3A_1062, %slice3A_1063 : vector<256x128xf32>
    %slice3A_1065 = vector.extract_strided_slice %max3A_1064 {offsets = [0, 0], sizes = [128, 128], strides = [1, 1]} : vector<256x128xf32> to vector<128x128xf32>
    %slice3A_1066 = vector.extract_strided_slice %max3A_1064 {offsets = [128, 0], sizes = [128, 128], strides = [1, 1]} : vector<256x128xf32> to vector<128x128xf32>
    %ge3A_1067 = arith.cmpf oge, %slice3A_1065, %slice3A_1066 : vector<128x128xf32>
    %slice3A_1068 = vector.extract_strided_slice %select_n3A_1061 {offsets = [0, 0], sizes = [128, 128], strides = [1, 1]} : vector<256x128xf32> to vector<128x128xf32>
    %slice3A_1069 = vector.extract_strided_slice %select_n3A_1061 {offsets = [128, 0], sizes = [128, 128], strides = [1, 1]} : vector<256x128xf32> to vector<128x128xf32>
    %select_n3A_1070 = arith.select %ge3A_1067, %slice3A_1068, %slice3A_1069 : vector<128x128xi1>, vector<128x128xf32>
    %slice3A_1071 = vector.extract_strided_slice %max3A_1064 {offsets = [0, 0], sizes = [128, 128], strides = [1, 1]} : vector<256x128xf32> to vector<128x128xf32>
    %slice3A_1072 = vector.extract_strided_slice %max3A_1064 {offsets = [128, 0], sizes = [128, 128], strides = [1, 1]} : vector<256x128xf32> to vector<128x128xf32>
    %max3A_1073 = arith.maximumf %slice3A_1071, %slice3A_1072 : vector<128x128xf32>
    %slice3A_1074 = vector.extract_strided_slice %max3A_1073 {offsets = [0, 0], sizes = [64, 128], strides = [1, 1]} : vector<128x128xf32> to vector<64x128xf32>
    %slice3A_1075 = vector.extract_strided_slice %max3A_1073 {offsets = [64, 0], sizes = [64, 128], strides = [1, 1]} : vector<128x128xf32> to vector<64x128xf32>
    %ge3A_1076 = arith.cmpf oge, %slice3A_1074, %slice3A_1075 : vector<64x128xf32>
    %slice3A_1077 = vector.extract_strided_slice %select_n3A_1070 {offsets = [0, 0], sizes = [64, 128], strides = [1, 1]} : vector<128x128xf32> to vector<64x128xf32>
    %slice3A_1078 = vector.extract_strided_slice %select_n3A_1070 {offsets = [64, 0], sizes = [64, 128], strides = [1, 1]} : vector<128x128xf32> to vector<64x128xf32>
    %select_n3A_1079 = arith.select %ge3A_1076, %slice3A_1077, %slice3A_1078 : vector<64x128xi1>, vector<64x128xf32>
    %slice3A_1080 = vector.extract_strided_slice %max3A_1073 {offsets = [0, 0], sizes = [64, 128], strides = [1, 1]} : vector<128x128xf32> to vector<64x128xf32>
    %slice3A_1081 = vector.extract_strided_slice %max3A_1073 {offsets = [64, 0], sizes = [64, 128], strides = [1, 1]} : vector<128x128xf32> to vector<64x128xf32>
    %max3A_1082 = arith.maximumf %slice3A_1080, %slice3A_1081 : vector<64x128xf32>
    %slice3A_1083 = vector.extract_strided_slice %max3A_1082 {offsets = [0, 0], sizes = [32, 128], strides = [1, 1]} : vector<64x128xf32> to vector<32x128xf32>
    %slice3A_1084 = vector.extract_strided_slice %max3A_1082 {offsets = [32, 0], sizes = [32, 128], strides = [1, 1]} : vector<64x128xf32> to vector<32x128xf32>
    %ge3A_1085 = arith.cmpf oge, %slice3A_1083, %slice3A_1084 : vector<32x128xf32>
    %slice3A_1086 = vector.extract_strided_slice %select_n3A_1079 {offsets = [0, 0], sizes = [32, 128], strides = [1, 1]} : vector<64x128xf32> to vector<32x128xf32>
    %slice3A_1087 = vector.extract_strided_slice %select_n3A_1079 {offsets = [32, 0], sizes = [32, 128], strides = [1, 1]} : vector<64x128xf32> to vector<32x128xf32>
    %select_n3A_1088 = arith.select %ge3A_1085, %slice3A_1086, %slice3A_1087 : vector<32x128xi1>, vector<32x128xf32>
    %slice3A_1089 = vector.extract_strided_slice %max3A_1082 {offsets = [0, 0], sizes = [32, 128], strides = [1, 1]} : vector<64x128xf32> to vector<32x128xf32>
    %slice3A_1090 = vector.extract_strided_slice %max3A_1082 {offsets = [32, 0], sizes = [32, 128], strides = [1, 1]} : vector<64x128xf32> to vector<32x128xf32>
    %max3A_1091 = arith.maximumf %slice3A_1089, %slice3A_1090 : vector<32x128xf32>
    %slice3A_1092 = vector.extract_strided_slice %max3A_1091 {offsets = [0, 0], sizes = [16, 128], strides = [1, 1]} : vector<32x128xf32> to vector<16x128xf32>
    %slice3A_1093 = vector.extract_strided_slice %max3A_1091 {offsets = [16, 0], sizes = [16, 128], strides = [1, 1]} : vector<32x128xf32> to vector<16x128xf32>
    %ge3A_1094 = arith.cmpf oge, %slice3A_1092, %slice3A_1093 : vector<16x128xf32>
    %slice3A_1095 = vector.extract_strided_slice %select_n3A_1088 {offsets = [0, 0], sizes = [16, 128], strides = [1, 1]} : vector<32x128xf32> to vector<16x128xf32>
    %slice3A_1096 = vector.extract_strided_slice %select_n3A_1088 {offsets = [16, 0], sizes = [16, 128], strides = [1, 1]} : vector<32x128xf32> to vector<16x128xf32>
    %select_n3A_1097 = arith.select %ge3A_1094, %slice3A_1095, %slice3A_1096 : vector<16x128xi1>, vector<16x128xf32>
    %slice3A_1098 = vector.extract_strided_slice %max3A_1091 {offsets = [0, 0], sizes = [16, 128], strides = [1, 1]} : vector<32x128xf32> to vector<16x128xf32>
    %slice3A_1099 = vector.extract_strided_slice %max3A_1091 {offsets = [16, 0], sizes = [16, 128], strides = [1, 1]} : vector<32x128xf32> to vector<16x128xf32>
    %max3A_1100 = arith.maximumf %slice3A_1098, %slice3A_1099 : vector<16x128xf32>
    %slice3A_1101 = vector.extract_strided_slice %max3A_1100 {offsets = [0, 0], sizes = [8, 128], strides = [1, 1]} : vector<16x128xf32> to vector<8x128xf32>
    %slice3A_1102 = vector.extract_strided_slice %max3A_1100 {offsets = [8, 0], sizes = [8, 128], strides = [1, 1]} : vector<16x128xf32> to vector<8x128xf32>
    %ge3A_1103 = arith.cmpf oge, %slice3A_1101, %slice3A_1102 : vector<8x128xf32>
    %slice3A_1104 = vector.extract_strided_slice %select_n3A_1097 {offsets = [0, 0], sizes = [8, 128], strides = [1, 1]} : vector<16x128xf32> to vector<8x128xf32>
    %slice3A_1105 = vector.extract_strided_slice %select_n3A_1097 {offsets = [8, 0], sizes = [8, 128], strides = [1, 1]} : vector<16x128xf32> to vector<8x128xf32>
    %select_n3A_1106 = arith.select %ge3A_1103, %slice3A_1104, %slice3A_1105 : vector<8x128xi1>, vector<8x128xf32>
    %slice3A_1107 = vector.extract_strided_slice %max3A_1100 {offsets = [0, 0], sizes = [8, 128], strides = [1, 1]} : vector<16x128xf32> to vector<8x128xf32>
    %slice3A_1108 = vector.extract_strided_slice %max3A_1100 {offsets = [8, 0], sizes = [8, 128], strides = [1, 1]} : vector<16x128xf32> to vector<8x128xf32>
    %max3A_1109 = arith.maximumf %slice3A_1107, %slice3A_1108 : vector<8x128xf32>
    %reduce_max3A_1110 = arith.constant dense<0xFF800000> : vector<128xf32>
    %reduce_max3A_1111 = vector.multi_reduction <maximumf>, %max3A_1109, %reduce_max3A_1110 [0] : vector<8x128xf32> to vector<128xf32>
    %broadcast_in_dim3A_1112 = vector.shape_cast %reduce_max3A_1111 : vector<128xf32> to vector<1x128xf32>
    %ge3A_1113 = vector.broadcast %broadcast_in_dim3A_1112 : vector<1x128xf32> to vector<8x128xf32>
    %ge3A_1114 = arith.cmpf oge, %max3A_1109, %ge3A_1113 : vector<8x128xf32>
    %jit3A_1115 = arith.constant 1.024000e+03 : f32
    %broadcast_in_dim3A_1116 = vector.broadcast %jit3A_1115 : f32 to vector<8x128xf32>
    %select_n3A_1117 = arith.select %ge3A_1114, %select_n3A_1106, %broadcast_in_dim3A_1116 : vector<8x128xi1>, vector<8x128xf32>
    %reduce_min3A_1118 = arith.constant dense<0x7F800000> : vector<128xf32>
    %reduce_min3A_1119 = vector.multi_reduction <minimumf>, %select_n3A_1117, %reduce_min3A_1118 [0] : vector<8x128xf32> to vector<128xf32>
    %slice3A_1120 = vector.extract_strided_slice %dot_general3A_12 {offsets = [0, 1920], sizes = [1024, 128], strides = [1, 1]} : vector<1024x2048xf32> to vector<1024x128xf32>
    %slice3A_1121 = vector.extract_strided_slice %slice3A_1120 {offsets = [0, 0], sizes = [512, 128], strides = [1, 1]} : vector<1024x128xf32> to vector<512x128xf32>
    %slice3A_1122 = vector.extract_strided_slice %slice3A_1120 {offsets = [512, 0], sizes = [512, 128], strides = [1, 1]} : vector<1024x128xf32> to vector<512x128xf32>
    %ge3A_1123 = arith.cmpf oge, %slice3A_1121, %slice3A_1122 : vector<512x128xf32>
    %slice3A_1124 = vector.extract_strided_slice %get3A_15 {offsets = [0, 0], sizes = [512, 128], strides = [1, 1]} : vector<1024x128xf32> to vector<512x128xf32>
    %slice3A_1125 = vector.extract_strided_slice %get3A_15 {offsets = [512, 0], sizes = [512, 128], strides = [1, 1]} : vector<1024x128xf32> to vector<512x128xf32>
    %select_n3A_1126 = arith.select %ge3A_1123, %slice3A_1124, %slice3A_1125 : vector<512x128xi1>, vector<512x128xf32>
    %slice3A_1127 = vector.extract_strided_slice %slice3A_1120 {offsets = [0, 0], sizes = [512, 128], strides = [1, 1]} : vector<1024x128xf32> to vector<512x128xf32>
    %slice3A_1128 = vector.extract_strided_slice %slice3A_1120 {offsets = [512, 0], sizes = [512, 128], strides = [1, 1]} : vector<1024x128xf32> to vector<512x128xf32>
    %max3A_1129 = arith.maximumf %slice3A_1127, %slice3A_1128 : vector<512x128xf32>
    %slice3A_1130 = vector.extract_strided_slice %max3A_1129 {offsets = [0, 0], sizes = [256, 128], strides = [1, 1]} : vector<512x128xf32> to vector<256x128xf32>
    %slice3A_1131 = vector.extract_strided_slice %max3A_1129 {offsets = [256, 0], sizes = [256, 128], strides = [1, 1]} : vector<512x128xf32> to vector<256x128xf32>
    %ge3A_1132 = arith.cmpf oge, %slice3A_1130, %slice3A_1131 : vector<256x128xf32>
    %slice3A_1133 = vector.extract_strided_slice %select_n3A_1126 {offsets = [0, 0], sizes = [256, 128], strides = [1, 1]} : vector<512x128xf32> to vector<256x128xf32>
    %slice3A_1134 = vector.extract_strided_slice %select_n3A_1126 {offsets = [256, 0], sizes = [256, 128], strides = [1, 1]} : vector<512x128xf32> to vector<256x128xf32>
    %select_n3A_1135 = arith.select %ge3A_1132, %slice3A_1133, %slice3A_1134 : vector<256x128xi1>, vector<256x128xf32>
    %slice3A_1136 = vector.extract_strided_slice %max3A_1129 {offsets = [0, 0], sizes = [256, 128], strides = [1, 1]} : vector<512x128xf32> to vector<256x128xf32>
    %slice3A_1137 = vector.extract_strided_slice %max3A_1129 {offsets = [256, 0], sizes = [256, 128], strides = [1, 1]} : vector<512x128xf32> to vector<256x128xf32>
    %max3A_1138 = arith.maximumf %slice3A_1136, %slice3A_1137 : vector<256x128xf32>
    %slice3A_1139 = vector.extract_strided_slice %max3A_1138 {offsets = [0, 0], sizes = [128, 128], strides = [1, 1]} : vector<256x128xf32> to vector<128x128xf32>
    %slice3A_1140 = vector.extract_strided_slice %max3A_1138 {offsets = [128, 0], sizes = [128, 128], strides = [1, 1]} : vector<256x128xf32> to vector<128x128xf32>
    %ge3A_1141 = arith.cmpf oge, %slice3A_1139, %slice3A_1140 : vector<128x128xf32>
    %slice3A_1142 = vector.extract_strided_slice %select_n3A_1135 {offsets = [0, 0], sizes = [128, 128], strides = [1, 1]} : vector<256x128xf32> to vector<128x128xf32>
    %slice3A_1143 = vector.extract_strided_slice %select_n3A_1135 {offsets = [128, 0], sizes = [128, 128], strides = [1, 1]} : vector<256x128xf32> to vector<128x128xf32>
    %select_n3A_1144 = arith.select %ge3A_1141, %slice3A_1142, %slice3A_1143 : vector<128x128xi1>, vector<128x128xf32>
    %slice3A_1145 = vector.extract_strided_slice %max3A_1138 {offsets = [0, 0], sizes = [128, 128], strides = [1, 1]} : vector<256x128xf32> to vector<128x128xf32>
    %slice3A_1146 = vector.extract_strided_slice %max3A_1138 {offsets = [128, 0], sizes = [128, 128], strides = [1, 1]} : vector<256x128xf32> to vector<128x128xf32>
    %max3A_1147 = arith.maximumf %slice3A_1145, %slice3A_1146 : vector<128x128xf32>
    %slice3A_1148 = vector.extract_strided_slice %max3A_1147 {offsets = [0, 0], sizes = [64, 128], strides = [1, 1]} : vector<128x128xf32> to vector<64x128xf32>
    %slice3A_1149 = vector.extract_strided_slice %max3A_1147 {offsets = [64, 0], sizes = [64, 128], strides = [1, 1]} : vector<128x128xf32> to vector<64x128xf32>
    %ge3A_1150 = arith.cmpf oge, %slice3A_1148, %slice3A_1149 : vector<64x128xf32>
    %slice3A_1151 = vector.extract_strided_slice %select_n3A_1144 {offsets = [0, 0], sizes = [64, 128], strides = [1, 1]} : vector<128x128xf32> to vector<64x128xf32>
    %slice3A_1152 = vector.extract_strided_slice %select_n3A_1144 {offsets = [64, 0], sizes = [64, 128], strides = [1, 1]} : vector<128x128xf32> to vector<64x128xf32>
    %select_n3A_1153 = arith.select %ge3A_1150, %slice3A_1151, %slice3A_1152 : vector<64x128xi1>, vector<64x128xf32>
    %slice3A_1154 = vector.extract_strided_slice %max3A_1147 {offsets = [0, 0], sizes = [64, 128], strides = [1, 1]} : vector<128x128xf32> to vector<64x128xf32>
    %slice3A_1155 = vector.extract_strided_slice %max3A_1147 {offsets = [64, 0], sizes = [64, 128], strides = [1, 1]} : vector<128x128xf32> to vector<64x128xf32>
    %max3A_1156 = arith.maximumf %slice3A_1154, %slice3A_1155 : vector<64x128xf32>
    %slice3A_1157 = vector.extract_strided_slice %max3A_1156 {offsets = [0, 0], sizes = [32, 128], strides = [1, 1]} : vector<64x128xf32> to vector<32x128xf32>
    %slice3A_1158 = vector.extract_strided_slice %max3A_1156 {offsets = [32, 0], sizes = [32, 128], strides = [1, 1]} : vector<64x128xf32> to vector<32x128xf32>
    %ge3A_1159 = arith.cmpf oge, %slice3A_1157, %slice3A_1158 : vector<32x128xf32>
    %slice3A_1160 = vector.extract_strided_slice %select_n3A_1153 {offsets = [0, 0], sizes = [32, 128], strides = [1, 1]} : vector<64x128xf32> to vector<32x128xf32>
    %slice3A_1161 = vector.extract_strided_slice %select_n3A_1153 {offsets = [32, 0], sizes = [32, 128], strides = [1, 1]} : vector<64x128xf32> to vector<32x128xf32>
    %select_n3A_1162 = arith.select %ge3A_1159, %slice3A_1160, %slice3A_1161 : vector<32x128xi1>, vector<32x128xf32>
    %slice3A_1163 = vector.extract_strided_slice %max3A_1156 {offsets = [0, 0], sizes = [32, 128], strides = [1, 1]} : vector<64x128xf32> to vector<32x128xf32>
    %slice3A_1164 = vector.extract_strided_slice %max3A_1156 {offsets = [32, 0], sizes = [32, 128], strides = [1, 1]} : vector<64x128xf32> to vector<32x128xf32>
    %max3A_1165 = arith.maximumf %slice3A_1163, %slice3A_1164 : vector<32x128xf32>
    %slice3A_1166 = vector.extract_strided_slice %max3A_1165 {offsets = [0, 0], sizes = [16, 128], strides = [1, 1]} : vector<32x128xf32> to vector<16x128xf32>
    %slice3A_1167 = vector.extract_strided_slice %max3A_1165 {offsets = [16, 0], sizes = [16, 128], strides = [1, 1]} : vector<32x128xf32> to vector<16x128xf32>
    %ge3A_1168 = arith.cmpf oge, %slice3A_1166, %slice3A_1167 : vector<16x128xf32>
    %slice3A_1169 = vector.extract_strided_slice %select_n3A_1162 {offsets = [0, 0], sizes = [16, 128], strides = [1, 1]} : vector<32x128xf32> to vector<16x128xf32>
    %slice3A_1170 = vector.extract_strided_slice %select_n3A_1162 {offsets = [16, 0], sizes = [16, 128], strides = [1, 1]} : vector<32x128xf32> to vector<16x128xf32>
    %select_n3A_1171 = arith.select %ge3A_1168, %slice3A_1169, %slice3A_1170 : vector<16x128xi1>, vector<16x128xf32>
    %slice3A_1172 = vector.extract_strided_slice %max3A_1165 {offsets = [0, 0], sizes = [16, 128], strides = [1, 1]} : vector<32x128xf32> to vector<16x128xf32>
    %slice3A_1173 = vector.extract_strided_slice %max3A_1165 {offsets = [16, 0], sizes = [16, 128], strides = [1, 1]} : vector<32x128xf32> to vector<16x128xf32>
    %max3A_1174 = arith.maximumf %slice3A_1172, %slice3A_1173 : vector<16x128xf32>
    %slice3A_1175 = vector.extract_strided_slice %max3A_1174 {offsets = [0, 0], sizes = [8, 128], strides = [1, 1]} : vector<16x128xf32> to vector<8x128xf32>
    %slice3A_1176 = vector.extract_strided_slice %max3A_1174 {offsets = [8, 0], sizes = [8, 128], strides = [1, 1]} : vector<16x128xf32> to vector<8x128xf32>
    %ge3A_1177 = arith.cmpf oge, %slice3A_1175, %slice3A_1176 : vector<8x128xf32>
    %slice3A_1178 = vector.extract_strided_slice %select_n3A_1171 {offsets = [0, 0], sizes = [8, 128], strides = [1, 1]} : vector<16x128xf32> to vector<8x128xf32>
    %slice3A_1179 = vector.extract_strided_slice %select_n3A_1171 {offsets = [8, 0], sizes = [8, 128], strides = [1, 1]} : vector<16x128xf32> to vector<8x128xf32>
    %select_n3A_1180 = arith.select %ge3A_1177, %slice3A_1178, %slice3A_1179 : vector<8x128xi1>, vector<8x128xf32>
    %slice3A_1181 = vector.extract_strided_slice %max3A_1174 {offsets = [0, 0], sizes = [8, 128], strides = [1, 1]} : vector<16x128xf32> to vector<8x128xf32>
    %slice3A_1182 = vector.extract_strided_slice %max3A_1174 {offsets = [8, 0], sizes = [8, 128], strides = [1, 1]} : vector<16x128xf32> to vector<8x128xf32>
    %max3A_1183 = arith.maximumf %slice3A_1181, %slice3A_1182 : vector<8x128xf32>
    %reduce_max3A_1184 = arith.constant dense<0xFF800000> : vector<128xf32>
    %reduce_max3A_1185 = vector.multi_reduction <maximumf>, %max3A_1183, %reduce_max3A_1184 [0] : vector<8x128xf32> to vector<128xf32>
    %broadcast_in_dim3A_1186 = vector.shape_cast %reduce_max3A_1185 : vector<128xf32> to vector<1x128xf32>
    %ge3A_1187 = vector.broadcast %broadcast_in_dim3A_1186 : vector<1x128xf32> to vector<8x128xf32>
    %ge3A_1188 = arith.cmpf oge, %max3A_1183, %ge3A_1187 : vector<8x128xf32>
    %jit3A_1189 = arith.constant 1.024000e+03 : f32
    %broadcast_in_dim3A_1190 = vector.broadcast %jit3A_1189 : f32 to vector<8x128xf32>
    %select_n3A_1191 = arith.select %ge3A_1188, %select_n3A_1180, %broadcast_in_dim3A_1190 : vector<8x128xi1>, vector<8x128xf32>
    %reduce_min3A_1192 = arith.constant dense<0x7F800000> : vector<128xf32>
    %reduce_min3A_1193 = vector.multi_reduction <minimumf>, %select_n3A_1191, %reduce_min3A_1192 [0] : vector<8x128xf32> to vector<128xf32>
    %concatenate3A = tpu.concatenate %reduce_min3A_83, %reduce_min3A_157, %reduce_min3A_231, %reduce_min3A_305, %reduce_min3A_379, %reduce_min3A_453, %reduce_min3A_527, %reduce_min3A_601, %reduce_min3A_675, %reduce_min3A_749, %reduce_min3A_823, %reduce_min3A_897, %reduce_min3A_971, %reduce_min3A_1045, %reduce_min3A_1119, %reduce_min3A_1193 in 0 : vector<128xf32>, vector<128xf32>, vector<128xf32>, vector<128xf32>, vector<128xf32>, vector<128xf32>, vector<128xf32>, vector<128xf32>, vector<128xf32>, vector<128xf32>, vector<128xf32>, vector<128xf32>, vector<128xf32>, vector<128xf32>, vector<128xf32>, vector<128xf32> -> vector<2048xf32>
    %convert_element_type3A_1194 = arith.fptosi %concatenate3A : vector<2048xf32> to vector<2048xi32>
    %swap3A = arith.constant 0 : index
    %swap3A_1195 = arith.constant 0 : index
    %swap3A_1196 = arith.constant 0 : index
    %swap3A_1197 = vector.load %arg3[%swap3A, %swap3A_1195, %swap3A_1196] : memref<1x1x2048xi32, #tpu.memory_space<vmem>>, vector<1x1x2048xi32>
    %swap3A_1198 = vector.shape_cast %swap3A_1197 : vector<1x1x2048xi32> to vector<2048xi32>
    %swap3A_1199 = vector.shape_cast %convert_element_type3A_1194 : vector<2048xi32> to vector<1x1x2048xi32>
    tpu.vector_store %arg3[%swap3A, %swap3A_1195, %swap3A_1196], %swap3A_1199 {strides = array<i32>} : memref<1x1x2048xi32, #tpu.memory_space<vmem>>, vector<1x1x2048xi32>,
    return
  }
  func.func @transform_0(%arg0: i32) -> (i32, i32) {
    %c0_i32 = arith.constant 0 : i32
    %c0_i32_0 = arith.constant 0 : i32
    return %arg0, %c0_i32 : i32, i32
  }
  func.func @transform_1(%arg0: i32) -> (i32, i32) {
    %c0_i32 = arith.constant 0 : i32
    %c0_i32_0 = arith.constant 0 : i32
    %c0_i32_1 = arith.constant 0 : i32
    return %c0_i32, %c0_i32_0 : i32, i32
  }
  func.func @transform_2(%arg0: i32) -> (i32, i32, i32) {
    %c0_i32 = arith.constant 0 : i32
    %c0_i32_0 = arith.constant 0 : i32
    %c0_i32_1 = arith.constant 0 : i32
    return %arg0, %c0_i32, %c0_i32_0 : i32, i32, i32
  }
}

</mosaic_0001>

<sc_bundles>
// kernel: kernel.4.cloned.1.call-start
scs
__scs_entry_jumppad:
0x0: {  	(pc) =	sbr.rel $0x88, $3  }
0x1: {  	(tag) =	ssettag $0x0;
	lr =	simm.s32 $0x1  }
0x2: {  	[smem:$0x3F9F] =	sst lr;
	_ =	strace $0xD0000000  }
0x3: {  	_ = 	snop  }
0x4: {  	_ = 	snop  }
0x5: {  	_ = 	snop  }
0x6: {  	_ = 	snop  }
0x7: {  	_ = 	snop  }
__scs_overlays_trampoline_lowered:
0x8: {  	[smem:$0x3FAE] =	sst s0  }
0x9: {  	[smem:$0x3FAF] =	sst s1  }
0xa: {  	[smem:$0x3FB0] =	sst s2  }
0xb: {  	[smem:$0x3FB1] =	sst s3  }
0xc: {  	[smem:$0x3FB2] =	sst s4  }
0xd: {  	[smem:$0x3FB3] =	sst s5  }
0xe: {  	[smem:$0x3FB4] =	sst s6  }
0xf: {  	[smem:$0x3FB5] =	sst s7  }
0x10: {  	[smem:$0x3FB6] =	sst s8  }
0x11: {  	[smem:$0x3FB7] =	sst s9;
	s0 =	simm.s32 @!p0 $0x0  }
0x12: {  	s1 =	sld [smem:$0x3F9D];
	s0 =	simm.s32 @p0 $0x1  }
0x13: {  	[smem:$0x3FB8] =	sst s0;
	s0 =	simm.s32 @!p1 $0x0  }
0x14: {  	s2 =	sld [smem:$0x3F9C];
	s0 =	simm.s32 @p1 $0x1  }
0x15: {  	[smem:$0x3FB9] =	sst s0;
	s0 =	simm.s32 @!p2 $0x0  }
0x16: {  	s3 =	sld [smem:$0x3FDB];
	s0 =	simm.s32 @p2 $0x1  }
0x17: {  	s4 =	simm.s32 $0x1BF5;
	[smem:$0x3FBB] =	sst s0  }
0x18: {  	s0 =	sld [smem:$0x3F9E];
	_ =	swait.ge [sflag:s4], $0x0  }
0x19: {  	s7 =	sld [smem:$0x3F9F]  }
0x1a: {  	s8 =	sadd.s32 $0xFFFFE003, lr  }
0x1b: {  	s9 =	sadd.s32 $0xFFFFFEF7, lr;
	s5 =	simm.s32 $0xFFFFFFFF;
	p2 =	slt.u32 s8, $0xFFFFF086  }
0x1c: {  	p1 =	slt.u32 s9, $0xF7A;
	s5 =	simm.s32 @!p2 $0x0  }
0x1d: {  	s5 =	simm.s32 @p1 $0x1;
	p0 =	seq.s32 s7, s2  }
0x1e: {  	s7 =	smul.u32 @!p0 $0xF7A, s2;
	p2 =	seq.s32 @!p0 s5, $0x0  }
0x1f: {  	s9 =	smul.u32 $0xF7A, s1;
	s8 =	simm.s32 @!p0 $0x1BF5;
	p2 =	por !p2, p0  }
0x20: {  	[sflag:s8] =	ssyncset.s32 @!p0 $0xFFFFF086;
	s6 =	sadd.s32 @!p0 s3, s7;
	s7 =	simm.s32 @!p0 $0x108  }
0x21: {  	s3 =	sadd.s32 s3, s9;
	s6 =	sadd.s32 @!p0 $0x88, s6;
	s7 =	simm.s32 @p2 $0x1082  }
0x22: {  	[simem:s7], [sflag:s8] =	dma.local @!p0 [hbm:s6], $0xF7A  }
0x23: {  	s9 =	sor.u32 $0xD0000000, s2;
	s6 =	simm.s32 $0x108;
	_ =	swait.ge @!p0 [sflag:s8], $0x0  }
0x24: {  	s3 =	sadd.s32 $0x88, s3;
	s6 =	simm.s32 @!p1 $0x1082;
	[sflag:s4] =	ssyncset.s32 $0xFFFFF086  }
0x25: {  	[simem:s6], [sflag:s4] =	dma.local [hbm:s3], $0xF7A  }
0x26: {  	[smem:$0x3F9F] =	sst s1;
	(tag) =	ssettag s2;
	_ =	strace s9  }
0x27: {  	s1 =	sld [smem:$0x3FAF]  }
0x28: {  	s2 =	sld [smem:$0x3FB0]  }
0x29: {  	s4 =	sld [smem:$0x3FB2]  }
0x2a: {  	p0 =	seq.s32 s5, $0x0;
	s5 =	sld [smem:$0x3FB3]  }
0x2b: {  	s6 =	sld [smem:$0x3FB4]  }
0x2c: {  	s7 =	sld [smem:$0x3FB5]  }
0x2d: {  	s3 =	simm.s32 $0x108;
	s8 =	sld [smem:$0x3FB6]  }
0x2e: {  	s3 =	simm.s32 @!p0 $0x1082;
	s9 =	sld [smem:$0x3FB7]  }
0x2f: {  	lr =	sadd.s32 s0, s3;
	s0 =	sld [smem:$0x3FAE]  }
0x30: {  	s3 =	sld [smem:$0x3FB1]  }
0x31: {  	[smem:$0x3FBA] =	sst s10  }
0x32: {  	s10 =	sld [smem:$0x3FB8];
	_ =	sdelay $0x3  }
0x33: {  	p0 =	seq.s32 s10, $0x1;
	s10 =	sld [smem:$0x3FBA];
	_ =	sdelay $0x3  }
0x34: {  	[smem:$0x3FBA] =	sst s10  }
0x35: {  	s10 =	sld [smem:$0x3FB9];
	_ =	sdelay $0x3  }
0x36: {  	p1 =	seq.s32 s10, $0x1;
	s10 =	sld [smem:$0x3FBA];
	_ =	sdelay $0x3  }
0x37: {  	[smem:$0x3FBA] =	sst s10  }
0x38: {  	s10 =	sld [smem:$0x3FBB]  }
0x39: {  	_ = 	snop;
	(pc) =	sbr.ind lr, $3  }
0x3a: {  	_ = 	snop  }
0x3b: {  	_ = 	snop  }
0x3c: {  	p2 =	seq.s32 s10, $0x1;
	s10 =	sld [smem:$0x3FBA]  }
0x3d: {  	_ =	shalt  }
0x3e: {  	_ =	shalt  }
0x3f: {  	_ =	shalt  }
0x40: {  	_ =	shalt  }
0x41: {  	_ =	shalt  }
0x42: {  	_ =	shalt  }
0x43: {  	_ =	shalt  }
0x44: {  	_ =	shalt  }
0x45: {  	_ =	shalt  }
0x46: {  	_ =	shalt  }
0x47: {  	_ =	shalt  }
0x48: {  	_ =	shalt  }
0x49: {  	_ =	shalt  }
0x4a: {  	_ =	shalt  }
0x4b: {  	_ =	shalt  }
0x4c: {  	_ =	shalt  }
0x4d: {  	_ =	shalt  }
0x4e: {  	_ =	shalt  }
0x4f: {  	_ =	shalt  }
0x50: {  	_ =	shalt  }
0x51: {  	_ =	shalt  }
0x52: {  	_ =	shalt  }
0x53: {  	_ =	shalt  }
0x54: {  	_ =	shalt  }
0x55: {  	_ =	shalt  }
0x56: {  	_ =	shalt  }
0x57: {  	_ =	shalt  }
0x58: {  	_ =	shalt  }
0x59: {  	_ =	shalt  }
0x5a: {  	_ =	shalt  }
0x5b: {  	_ =	shalt  }
0x5c: {  	_ =	shalt  }
0x5d: {  	_ =	shalt  }
0x5e: {  	_ =	shalt  }
0x5f: {  	_ =	shalt  }
0x60: {  	_ =	shalt  }
0x61: {  	_ =	shalt  }
0x62: {  	_ =	shalt  }
0x63: {  	_ =	shalt  }
0x64: {  	_ =	shalt  }
0x65: {  	_ =	shalt  }
0x66: {  	_ =	shalt  }
0x67: {  	_ =	shalt  }
0x68: {  	_ =	shalt  }
0x69: {  	_ =	shalt  }
0x6a: {  	_ =	shalt  }
0x6b: {  	_ =	shalt  }
0x6c: {  	_ =	shalt  }
0x6d: {  	_ =	shalt  }
0x6e: {  	_ =	shalt  }
0x6f: {  	_ =	shalt  }
0x70: {  	_ =	shalt  }
0x71: {  	_ =	shalt  }
0x72: {  	_ =	shalt  }
0x73: {  	_ =	shalt  }
0x74: {  	_ =	shalt  }
0x75: {  	_ =	shalt  }
0x76: {  	_ =	shalt  }
0x77: {  	_ =	shalt  }
0x78: {  	_ =	shalt  }
0x79: {  	_ =	shalt  }
0x7a: {  	_ =	shalt  }
0x7b: {  	_ =	shalt  }
0x7c: {  	_ =	shalt  }
0x7d: {  	_ =	shalt  }
0x7e: {  	_ =	shalt  }
0x7f: {  	_ =	shalt  }
0x80: {  	_ =	shalt  }
0x81: {  	_ =	shalt  }
0x82: {  	_ =	shalt  }
0x83: {  	_ =	shalt  }
0x84: {  	_ =	shalt  }
0x85: {  	_ =	shalt  }
0x86: {  	_ =	shalt  }
0x87: {  	_ =	shalt  }
.Lfunc_end0:
.L_simem_size_0:
called_computation_lowered:
.L_overlay_start_0:
0x88: {  	s2 =	sld [smem:$0x3FD9]  }
0x89: {  	s3 =	sld [smem:$0x3FFE];
	_ =	sdelay $0x1  }
0x8a: {  	s1 =	srdreg.scid  }
0x8b: {  	s0 =	sand.u32 $0x1, s1  }
0x8c: {  	s14 =	sshll.u32 s0, $0xA;
	s2 =	sadd.s32 s3, s2  }
0x8d: {  	s2 =	sadd.s32 s2, s14  }
0x8e: {  	[smem:$0x3FC6] =	sst s2  }
0x8f: {  	_ = 	snop  }
0x90: {  	s2 =	sld [smem:$0x3FD0];
	_ =	sdelay $0x2  }
0x91: {  	s4 =	simm.s32 $0xA;
	s5 =	simm.s32 $0x10;
	s15 =	sld [smem:$0x3FC8]  }
0x92: {  	[smem:s5], [sflag:s4] =	dma.local [hbm:s2], $0x1  }
0x93: {  	_ =	swait.eq [sflag:s4], $0x1  }
0x94: {  	[sflag:s4] =	ssyncset.done $0x0  }
0x95: {  	[sflag:s4] =	ssyncadd.s32 $0xFFFFFFFF  }
0x96: {  	s16 =	sld [smem:$0x10];
	(tm) =	ssettm $0x1  }
0x97: {  	s17 =	sld [smem:$0x3FFB];
	_ =	sdelay $0x3  }
0x98: {  	_ =	strace s17  }
0x99: {  	s4 =	sld [smem:$0x3FFC];
	_ =	sdelay $0x3  }
0x9a: {  	_ =	strace s4  }
0x9b: {  	s4 =	sld [smem:$0x3FFD];
	_ =	sdelay $0x3  }
0x9c: {  	_ =	strace s4  }
0x9d: {  	_ =	strace $0x8FFFFFFF  }
0x9e: {  	s18 =	sld [smem:$0x3FDB];
	_ =	sdelay $0x1  }
0x9f: {  	s19 =	simm.s32 $_scs_section_size  }
0xa0: {  	s6 =	simm.s32 $_size__tile_overlayer_lowered;
	s7 =	simm.s32 $_tile_overlayer_lowered  }
0xa1: {  	s22 =	simm.s32 $0x1BFF;
	s21 =	sshll.u32 s7, $0x1;
	s4 =	sadd.s32 s19, s18  }
0xa2: {  	s8 =	simm.s32 $0x0;
	s20 =	sshll.u32 s6, $0x1;
	s6 =	sadd.s32 s21, s4  }
0xa3: {  	[timem:s8], [sflag:s22] =	dma.local [hbm:s6], s20  }
0xa4: {  	_ =	swait.ge [sflag:s22], s20  }
0xa5: {  	s5 =	ssub.s32 $0x0, s20;
	[sflag:s22] =	ssyncset.done $0x0  }
0xa6: {  	[sflag:s22] =	ssyncadd.s32 s5;
	_ =	sdelay $0x1  }
0xa7: {  	s23 =	simm.s32 $0x1B8B  }
0xa8: {  	_ =	swait.ge [sflag:s23], $0x1  }
0xa9: {  	[sflag:s23] =	ssyncset.done $0x0  }
0xaa: {  	s25 =	simm.s32 $0x1B8E;
	s24 =	sld [smem:$0x3FFE];
	[sflag:s23] =	ssyncadd.s32 $0xFFFFFFFF  }
0xab: {  	s26 =	simm.s32 $execute0_lowered;
	[smem:$0x3FD2] =	sst s25  }
0xac: {  	s6 =	sshll.u32 s26, $0x1;
	_ =	strace $0x80000046;
	[dreg:$0x1] =	wrdreg $0xFFFFFFFF  }
0xad: {  	s28 =	simm.s32 $_size_execute0_lowered;
	s4 =	sadd.s32 s4, s6;
	[dreg:$0x0] =	wrdreg $0x0  }
0xae: {  	s6 =	sshll.u32 s28, $0x1;
	[dreg:$0x2] =	wrdreg s4  }
0xaf: {  	[dreg:$0x3] =	wrdreg s6  }
0xb0: {  	[dreg:$0x4] =	wrdreg $0xC0  }
0xb1: {  	_ =	task [dreg:s8], $0x5FFFF  }
0xb2: {  	[dreg:$0x1] =	wrdreg $0xFFFFFFFF  }
0xb3: {  	[dreg:$0x0] =	wrdreg $0x60  }
0xb4: {  	[dreg:$0x2] =	wrdreg s15  }
0xb5: {  	[dreg:$0x3] =	wrdreg s24  }
0xb6: {  	[dreg:$0x4] =	wrdreg s16  }
0xb7: {  	[dreg:$0x5] =	wrdreg $0x9  }
0xb8: {  	_ =	task.clear_ibuf [dreg:s8], $0x6FFFF;
	_ =	strace $0x90000046  }
0xb9: {  	s29 =	simm.s32 $0x9;
	_ =	strace $0x80000048  }
0xba: {  	_ =	swait.ge [sflag:s29], $0x1  }
0xbb: {  	[sflag:s29] =	ssyncadd.s32 $0xFFFFFFFF  }
0xbc: {  	_ =	strace $0x90000048  }
0xbd: {  	_ =	sfence  }
0xbe: {  	s30 =	sld [smem:$0x0];
	_ =	sdelay $0x2  }
0xbf: {  	s31 =	sshll.u32 s1, $0xD;
	s1 =	sshrl.u32 s1, $0x2  }
0xc0: {  	s3 =	sand.u32 $0x4000, s31;
	s1 =	sadd.s32 s1, s30  }
0xc1: {  	s0 =	sor.u32 s3, s0;
	s1 =	sshll.u32 s1, $0x11  }
0xc2: {  	s0 =	sor.u32 s1, s0  }
0xc3: {  	s0 =	sadd.s32 $0x8F2B, s0  }
0xc4: {  	[sflag:s0] =	ssyncadd.remote.s32 $0x1  }
0xc5: {  	_ =	sfence.sel $0xFFFF  }
0xc6: {  	[dreg:$0x0] =	wrdreg $0xFFFFFFFF;
	(pc) =	sbr.abs _section_cstart, $3  }
0xc7: {  	[dreg:$0x1] =	wrdreg $0xFFFFFFFF  }
0xc8: {  	_ =	task.clear_ibuf [dreg:s8], $0x2FFFF;
	_ =	strace $0x9FFFFFFF  }
0xc9: {  	(tm) =	ssettm $0x7FFFFFFF  }
tec
execute0_lowered:
.L_overlay_start_1:
0x0: {  	(tag) =	ssettag $0x1  }
0x1: {  	s0 =	srdreg.scid  }
0x2: {  	s1 =	rddreg [dreg:$0x0];
	s3 =	stileid.u32;
	s0 =	sand.u32 $0x1, s0  }
0x3: {  	s2 =	rddreg [dreg:$0x1];
	s3 =	sshll.u32 s3, $0xB;
	s4 =	sshll.u32 s0, $0xA  }
0x4: {  	s5 =	rddreg [dreg:$0x2];
	s4 =	sor.u32 s4, s3  }
0x5: {  	s3 =	simm.s32 $0x0;
	s6 =	sshrl.u32 s4, $0x3;
	s4 =	sshll.u32 s4, $0x5  }
0x6: {  	[smem:$0x7FF] =	sst s3;
	s2 =	sadd.s32 s6, s2;
	s5 =	sadd.s32 s5, s4  }
0x7: {  	_ =	strace $0x80000047;
	s2 =	sadd.s32 $0x600, s2;
	[dreg:$0xc] =	wrdreg s5  }
0x8: {  	s13 =	simm.s32 $0x1;
	s23 =	sadd.s32 $0x1000, s5;
	[dreg:$0x4] =	wrdreg s2  }
0x9: {  	s14 =	simm.s32 $0x2;
	s24 =	sadd.s32 $0x2000, s5;
	[dreg:$0x5] =	wrdreg s23  }
0xa: {  	s0 =	ssub.s32 $0x2, s0;
	s25 =	sadd.s32 $0x3000, s5;
	[dreg:$0x6] =	wrdreg s24  }
0xb: {  	s30 =	sshrl.u32 s0, $0x1;
	s26 =	sadd.s32 $0x4000, s5;
	[dreg:$0x7] =	wrdreg s25  }
0xc: {  	s0 =	ssub.s32 s0, s30;
	s28 =	sadd.s32 $0x5000, s5;
	[dreg:$0x8] =	wrdreg s26  }
0xd: {  	v2 =	vlaneseq.u32;
	s6 =	simm.s32 $0x3;
	s29 =	sadd.s32 $0x6000, s5;
	[dreg:$0x9] =	wrdreg s28  }
0xe: {  	vm0 =	vmmov $0xffff;
	v1 =	vshrl.u32 v2, $0x3;
	s31 =	sadd.s32 $0x7000, s5;
	s5 =	smax.u32 s0, $0x1;
	[dreg:$0xa] =	wrdreg s29  }
0xf: {  	v0 =	vand.u32 $0x7, v2;
	v2 =	vor.u32 $0x8, v2;
	v1 =	vmul.u32 $0x8, v1;
	[dreg:$0xb] =	wrdreg s31;
	s24 =	simm.s32 $0x400;
	s23 =	simm.s32 $0x8400  }
.LBB2_1:
0x10: {  	s15 =	rddreg [dreg:$0x4]  }
0x11: {  	[tilespmem:s3], [sflag:$0x3] =	stream.linear.gather [hbm4b:s15+s3], $0x400, $0x38;
	[tilespmem:$0x10400] =	vst v63  }
0x12: {  	_ =	swait.ge [sflag:s6], $0x400  }
0x13: {  	[sflag:s6] =	ssyncset.done $0x0  }
0x14: {  	[sflag:s6] =	ssyncadd.s32 $0xFFFFFC00  }
0x15: {  	v3 =	vld [tilespmem:$0x0];
	_ =	sdelay $0x4  }
0x16: {  	v4 =	vshll.u32 v3, $0x1  }
0x17: {  	v3 =	vand.u32 $0x7, v3;
	v4 =	vand.u32 $0xFFFFFFF0, v4  }
0x18: {  	v3 =	vor.u32 v3, v4  }
0x19: {  	v4 =	vperm.xlane v3, v0;
	_ =	sdelay $0x1  }
0x1a: {  	v3 =	vperm.xlane v3, v2;
	v4 =	vadd.s32 v1, v4;
	_ =	sdelay $0x1  }
0x1b: {  	v3 =	vadd.s32 v1, v3;
	_ =	sdelay $0x2  }
0x1c: {  	[tilespmem:s24], [sflag:$0x1] =	stream.indirect_vreg.gather [hbm4b:s1+s3], $0x80, v4, vm0, $0xb8;
	[tilespmem:$0x10400] =	vst v63  }
0x1d: {  	s0 =	simm.s32 $0xC00  }
0x1e: {  	[tilespmem:s0], [sflag:$0x1] =	stream.indirect_vreg.gather [hbm4b:s1+s3], $0x80, v3, vm0, $0xb8;
	[tilespmem:$0x10400] =	vst v63  }
0x1f: {  	v3 =	vld [tilespmem:$0x10];
	_ =	sdelay $0x4  }
0x20: {  	v57 =	vshll.u32 v3, $0x1  }
0x21: {  	v3 =	vand.u32 $0x7, v3;
	v4 =	vand.u32 $0xFFFFFFF0, v57  }
0x22: {  	v3 =	vor.u32 v3, v4  }
0x23: {  	v4 =	vperm.xlane v3, v0;
	_ =	sdelay $0x1  }
0x24: {  	v3 =	vperm.xlane v3, v2;
	v4 =	vadd.s32 v1, v4;
	_ =	sdelay $0x1  }
0x25: {  	v3 =	vadd.s32 v1, v3;
	_ =	sdelay $0x1  }
0x26: {  	s28 =	simm.s32 $0x1400  }
0x27: {  	[tilespmem:s28], [sflag:$0x1] =	stream.indirect_vreg.gather [hbm4b:s1+s3], $0x80, v4, vm0, $0xb8;
	[tilespmem:$0x10400] =	vst v63  }
0x28: {  	s29 =	simm.s32 $0x1C00  }
0x29: {  	[tilespmem:s29], [sflag:$0x1] =	stream.indirect_vreg.gather [hbm4b:s1+s3], $0x80, v3, vm0, $0xb8;
	[tilespmem:$0x10400] =	vst v63  }
0x2a: {  	v3 =	vld [tilespmem:$0x20];
	_ =	sdelay $0x4  }
0x2b: {  	v58 =	vshll.u32 v3, $0x1  }
0x2c: {  	v3 =	vand.u32 $0x7, v3;
	v4 =	vand.u32 $0xFFFFFFF0, v58  }
0x2d: {  	v3 =	vor.u32 v3, v4  }
0x2e: {  	v4 =	vperm.xlane v3, v0;
	_ =	sdelay $0x1  }
0x2f: {  	v3 =	vperm.xlane v3, v2;
	v4 =	vadd.s32 v1, v4;
	_ =	sdelay $0x1  }
0x30: {  	v3 =	vadd.s32 v1, v3;
	_ =	sdelay $0x1  }
0x31: {  	s30 =	simm.s32 $0x2400  }
0x32: {  	[tilespmem:s30], [sflag:$0x1] =	stream.indirect_vreg.gather [hbm4b:s1+s3], $0x80, v4, vm0, $0xb8;
	[tilespmem:$0x10400] =	vst v63  }
0x33: {  	s31 =	simm.s32 $0x2C00  }
0x34: {  	[tilespmem:s31], [sflag:$0x1] =	stream.indirect_vreg.gather [hbm4b:s1+s3], $0x80, v3, vm0, $0xb8;
	[tilespmem:$0x10400] =	vst v63  }
0x35: {  	v3 =	vld [tilespmem:$0x30];
	_ =	sdelay $0x4  }
0x36: {  	v59 =	vshll.u32 v3, $0x1  }
0x37: {  	v3 =	vand.u32 $0x7, v3;
	v4 =	vand.u32 $0xFFFFFFF0, v59  }
0x38: {  	v3 =	vor.u32 v3, v4  }
0x39: {  	v4 =	vperm.xlane v3, v0;
	_ =	sdelay $0x1  }
0x3a: {  	v3 =	vperm.xlane v3, v2;
	v4 =	vadd.s32 v1, v4;
	_ =	sdelay $0x1  }
0x3b: {  	v3 =	vadd.s32 v1, v3;
	_ =	sdelay $0x1  }
0x3c: {  	s2 =	simm.s32 $0x3400  }
0x3d: {  	[tilespmem:s2], [sflag:$0x1] =	stream.indirect_vreg.gather [hbm4b:s1+s3], $0x80, v4, vm0, $0xb8;
	[tilespmem:$0x10400] =	vst v63  }
0x3e: {  	s10 =	simm.s32 $0x3C00  }
0x3f: {  	[tilespmem:s10], [sflag:$0x1] =	stream.indirect_vreg.gather [hbm4b:s1+s3], $0x80, v3, vm0, $0xb8;
	[tilespmem:$0x10400] =	vst v63  }
0x40: {  	v3 =	vld [tilespmem:$0x40];
	_ =	sdelay $0x4  }
0x41: {  	v60 =	vshll.u32 v3, $0x1  }
0x42: {  	v3 =	vand.u32 $0x7, v3;
	v4 =	vand.u32 $0xFFFFFFF0, v60  }
0x43: {  	v3 =	vor.u32 v3, v4  }
0x44: {  	v4 =	vperm.xlane v3, v0;
	_ =	sdelay $0x1  }
0x45: {  	v3 =	vperm.xlane v3, v2;
	v4 =	vadd.s32 v1, v4;
	_ =	sdelay $0x1  }
0x46: {  	v3 =	vadd.s32 v1, v3;
	_ =	sdelay $0x1  }
0x47: {  	s11 =	simm.s32 $0x4400  }
0x48: {  	[tilespmem:s11], [sflag:$0x1] =	stream.indirect_vreg.gather [hbm4b:s1+s3], $0x80, v4, vm0, $0xb8;
	[tilespmem:$0x10400] =	vst v63  }
0x49: {  	s12 =	simm.s32 $0x4C00  }
0x4a: {  	[tilespmem:s12], [sflag:$0x1] =	stream.indirect_vreg.gather [hbm4b:s1+s3], $0x80, v3, vm0, $0xb8;
	[tilespmem:$0x10400] =	vst v63  }
0x4b: {  	v3 =	vld [tilespmem:$0x50];
	_ =	sdelay $0x4  }
0x4c: {  	v61 =	vshll.u32 v3, $0x1  }
0x4d: {  	v3 =	vand.u32 $0x7, v3;
	v4 =	vand.u32 $0xFFFFFFF0, v61  }
0x4e: {  	v3 =	vor.u32 v3, v4  }
0x4f: {  	v4 =	vperm.xlane v3, v0;
	_ =	sdelay $0x1  }
0x50: {  	v3 =	vperm.xlane v3, v2;
	v4 =	vadd.s32 v1, v4;
	_ =	sdelay $0x1  }
0x51: {  	v3 =	vadd.s32 v1, v3;
	_ =	sdelay $0x1  }
0x52: {  	s15 =	simm.s32 $0x5400  }
0x53: {  	[tilespmem:s15], [sflag:$0x1] =	stream.indirect_vreg.gather [hbm4b:s1+s3], $0x80, v4, vm0, $0xb8;
	[tilespmem:$0x10400] =	vst v63  }
0x54: {  	s16 =	simm.s32 $0x5C00  }
0x55: {  	[tilespmem:s16], [sflag:$0x1] =	stream.indirect_vreg.gather [hbm4b:s1+s3], $0x80, v3, vm0, $0xb8;
	[tilespmem:$0x10400] =	vst v63  }
0x56: {  	v3 =	vld [tilespmem:$0x60];
	_ =	sdelay $0x4  }
0x57: {  	v62 =	vshll.u32 v3, $0x1  }
0x58: {  	v3 =	vand.u32 $0x7, v3;
	v4 =	vand.u32 $0xFFFFFFF0, v62  }
0x59: {  	v3 =	vor.u32 v3, v4  }
0x5a: {  	v4 =	vperm.xlane v3, v0;
	_ =	sdelay $0x1  }
0x5b: {  	v3 =	vperm.xlane v3, v2;
	v4 =	vadd.s32 v1, v4;
	_ =	sdelay $0x1  }
0x5c: {  	v3 =	vadd.s32 v1, v3;
	_ =	sdelay $0x1  }
0x5d: {  	s17 =	simm.s32 $0x6400  }
0x5e: {  	[tilespmem:s17], [sflag:$0x1] =	stream.indirect_vreg.gather [hbm4b:s1+s3], $0x80, v4, vm0, $0xb8;
	[tilespmem:$0x10400] =	vst v63  }
0x5f: {  	s18 =	simm.s32 $0x6C00  }
0x60: {  	[tilespmem:s18], [sflag:$0x1] =	stream.indirect_vreg.gather [hbm4b:s1+s3], $0x80, v3, vm0, $0xb8;
	[tilespmem:$0x10400] =	vst v63  }
0x61: {  	v3 =	vld [tilespmem:$0x70];
	_ =	sdelay $0x4  }
0x62: {  	v63 =	vshll.u32 v3, $0x1  }
0x63: {  	v3 =	vand.u32 $0x7, v3;
	v4 =	vand.u32 $0xFFFFFFF0, v63  }
0x64: {  	v3 =	vor.u32 v3, v4  }
0x65: {  	v4 =	vperm.xlane v3, v0;
	_ =	sdelay $0x1  }
0x66: {  	v3 =	vperm.xlane v3, v2;
	v4 =	vadd.s32 v1, v4;
	_ =	sdelay $0x1  }
0x67: {  	v3 =	vadd.s32 v1, v3;
	_ =	sdelay $0x1  }
0x68: {  	s19 =	simm.s32 $0x7400  }
0x69: {  	[tilespmem:s19], [sflag:$0x1] =	stream.indirect_vreg.gather [hbm4b:s1+s3], $0x80, v4, vm0, $0xb8;
	[tilespmem:$0x10400] =	vst v63  }
0x6a: {  	s20 =	simm.s32 $0x7C00  }
0x6b: {  	[tilespmem:s20], [sflag:$0x1] =	stream.indirect_vreg.gather [hbm4b:s1+s3], $0x80, v3, vm0, $0xb8;
	[tilespmem:$0x10400] =	vst v63  }
0x6c: {  	v3 =	vld [tilespmem:$0x80];
	_ =	sdelay $0x4  }
0x6d: {  	v8 =	vshll.u32 v3, $0x1  }
0x6e: {  	v3 =	vand.u32 $0x7, v3;
	v4 =	vand.u32 $0xFFFFFFF0, v8  }
0x6f: {  	v3 =	vor.u32 v3, v4  }
0x70: {  	v4 =	vperm.xlane v3, v0;
	_ =	sdelay $0x1  }
0x71: {  	v3 =	vperm.xlane v3, v2;
	v4 =	vadd.s32 v1, v4;
	_ =	sdelay $0x1  }
0x72: {  	v3 =	vadd.s32 v1, v3;
	_ =	sdelay $0x2  }
0x73: {  	[tilespmem:s23], [sflag:$0x2] =	stream.indirect_vreg.gather [hbm4b:s1+s3], $0x80, v4, vm0, $0xb8;
	[tilespmem:$0x10400] =	vst v63  }
0x74: {  	s21 =	simm.s32 $0x8C00  }
0x75: {  	[tilespmem:s21], [sflag:$0x2] =	stream.indirect_vreg.gather [hbm4b:s1+s3], $0x80, v3, vm0, $0xb8;
	[tilespmem:$0x10400] =	vst v63  }
0x76: {  	v3 =	vld [tilespmem:$0x90];
	_ =	sdelay $0x4  }
0x77: {  	v9 =	vshll.u32 v3, $0x1  }
0x78: {  	v3 =	vand.u32 $0x7, v3;
	v4 =	vand.u32 $0xFFFFFFF0, v9  }
0x79: {  	v3 =	vor.u32 v3, v4  }
0x7a: {  	v4 =	vperm.xlane v3, v0;
	_ =	sdelay $0x1  }
0x7b: {  	v3 =	vperm.xlane v3, v2;
	v4 =	vadd.s32 v1, v4;
	_ =	sdelay $0x1  }
0x7c: {  	v3 =	vadd.s32 v1, v3;
	_ =	sdelay $0x1  }
0x7d: {  	s22 =	simm.s32 $0x9400  }
0x7e: {  	[tilespmem:s22], [sflag:$0x2] =	stream.indirect_vreg.gather [hbm4b:s1+s3], $0x80, v4, vm0, $0xb8;
	[tilespmem:$0x10400] =	vst v63  }
0x7f: {  	s25 =	simm.s32 $0x9C00  }
0x80: {  	[tilespmem:s25], [sflag:$0x2] =	stream.indirect_vreg.gather [hbm4b:s1+s3], $0x80, v3, vm0, $0xb8;
	[tilespmem:$0x10400] =	vst v63  }
0x81: {  	v3 =	vld [tilespmem:$0xA0];
	_ =	sdelay $0x4  }
0x82: {  	v10 =	vshll.u32 v3, $0x1  }
0x83: {  	v3 =	vand.u32 $0x7, v3;
	v4 =	vand.u32 $0xFFFFFFF0, v10  }
0x84: {  	v3 =	vor.u32 v3, v4  }
0x85: {  	v4 =	vperm.xlane v3, v0;
	_ =	sdelay $0x1  }
0x86: {  	v3 =	vperm.xlane v3, v2;
	v4 =	vadd.s32 v1, v4;
	_ =	sdelay $0x1  }
0x87: {  	v3 =	vadd.s32 v1, v3;
	_ =	sdelay $0x1  }
0x88: {  	s26 =	simm.s32 $0xA400  }
0x89: {  	[tilespmem:s26], [sflag:$0x2] =	stream.indirect_vreg.gather [hbm4b:s1+s3], $0x80, v4, vm0, $0xb8;
	[tilespmem:$0x10400] =	vst v63  }
0x8a: {  	s28 =	simm.s32 $0xAC00  }
0x8b: {  	[tilespmem:s28], [sflag:$0x2] =	stream.indirect_vreg.gather [hbm4b:s1+s3], $0x80, v3, vm0, $0xb8;
	[tilespmem:$0x10400] =	vst v63  }
0x8c: {  	v3 =	vld [tilespmem:$0xB0];
	_ =	sdelay $0x4  }
0x8d: {  	v11 =	vshll.u32 v3, $0x1  }
0x8e: {  	v3 =	vand.u32 $0x7, v3;
	v4 =	vand.u32 $0xFFFFFFF0, v11  }
0x8f: {  	v3 =	vor.u32 v3, v4  }
0x90: {  	v4 =	vperm.xlane v3, v0;
	_ =	sdelay $0x1  }
0x91: {  	v3 =	vperm.xlane v3, v2;
	v4 =	vadd.s32 v1, v4;
	_ =	sdelay $0x1  }
0x92: {  	v3 =	vadd.s32 v1, v3;
	_ =	sdelay $0x1  }
0x93: {  	s29 =	simm.s32 $0xB400  }
0x94: {  	[tilespmem:s29], [sflag:$0x2] =	stream.indirect_vreg.gather [hbm4b:s1+s3], $0x80, v4, vm0, $0xb8;
	[tilespmem:$0x10400] =	vst v63  }
0x95: {  	s30 =	simm.s32 $0xBC00  }
0x96: {  	[tilespmem:s30], [sflag:$0x2] =	stream.indirect_vreg.gather [hbm4b:s1+s3], $0x80, v3, vm0, $0xb8;
	[tilespmem:$0x10400] =	vst v63  }
0x97: {  	v3 =	vld [tilespmem:$0xC0];
	_ =	sdelay $0x4  }
0x98: {  	v12 =	vshll.u32 v3, $0x1  }
0x99: {  	v3 =	vand.u32 $0x7, v3;
	v4 =	vand.u32 $0xFFFFFFF0, v12  }
0x9a: {  	v3 =	vor.u32 v3, v4  }
0x9b: {  	v4 =	vperm.xlane v3, v0;
	_ =	sdelay $0x1  }
0x9c: {  	v3 =	vperm.xlane v3, v2;
	v4 =	vadd.s32 v1, v4;
	_ =	sdelay $0x1  }
0x9d: {  	v3 =	vadd.s32 v1, v3;
	_ =	sdelay $0x1  }
0x9e: {  	s31 =	simm.s32 $0xC400  }
0x9f: {  	[tilespmem:s31], [sflag:$0x2] =	stream.indirect_vreg.gather [hbm4b:s1+s3], $0x80, v4, vm0, $0xb8;
	[tilespmem:$0x10400] =	vst v63  }
0xa0: {  	s0 =	simm.s32 $0xCC00  }
0xa1: {  	[tilespmem:s0], [sflag:$0x2] =	stream.indirect_vreg.gather [hbm4b:s1+s3], $0x80, v3, vm0, $0xb8;
	[tilespmem:$0x10400] =	vst v63  }
0xa2: {  	v3 =	vld [tilespmem:$0xD0];
	_ =	sdelay $0x4  }
0xa3: {  	v13 =	vshll.u32 v3, $0x1  }
0xa4: {  	v3 =	vand.u32 $0x7, v3;
	v4 =	vand.u32 $0xFFFFFFF0, v13  }
0xa5: {  	v3 =	vor.u32 v3, v4  }
0xa6: {  	v4 =	vperm.xlane v3, v0;
	_ =	sdelay $0x1  }
0xa7: {  	v3 =	vperm.xlane v3, v2;
	v4 =	vadd.s32 v1, v4;
	_ =	sdelay $0x1  }
0xa8: {  	v3 =	vadd.s32 v1, v3;
	_ =	sdelay $0x1  }
0xa9: {  	s11 =	simm.s32 $0xD400  }
0xaa: {  	[tilespmem:s11], [sflag:$0x2] =	stream.indirect_vreg.gather [hbm4b:s1+s3], $0x80, v4, vm0, $0xb8;
	[tilespmem:$0x10400] =	vst v63  }
0xab: {  	s12 =	simm.s32 $0xDC00  }
0xac: {  	[tilespmem:s12], [sflag:$0x2] =	stream.indirect_vreg.gather [hbm4b:s1+s3], $0x80, v3, vm0, $0xb8;
	[tilespmem:$0x10400] =	vst v63  }
0xad: {  	v3 =	vld [tilespmem:$0xE0];
	_ =	sdelay $0x4  }
0xae: {  	v14 =	vshll.u32 v3, $0x1  }
0xaf: {  	v3 =	vand.u32 $0x7, v3;
	v4 =	vand.u32 $0xFFFFFFF0, v14  }
0xb0: {  	v3 =	vor.u32 v3, v4  }
0xb1: {  	v4 =	vperm.xlane v3, v0;
	_ =	sdelay $0x1  }
0xb2: {  	v3 =	vperm.xlane v3, v2;
	v4 =	vadd.s32 v1, v4;
	_ =	sdelay $0x1  }
0xb3: {  	v3 =	vadd.s32 v1, v3;
	_ =	sdelay $0x1  }
0xb4: {  	s17 =	simm.s32 $0xE400  }
0xb5: {  	[tilespmem:s17], [sflag:$0x2] =	stream.indirect_vreg.gather [hbm4b:s1+s3], $0x80, v4, vm0, $0xb8;
	[tilespmem:$0x10400] =	vst v63  }
0xb6: {  	s18 =	simm.s32 $0xEC00  }
0xb7: {  	[tilespmem:s18], [sflag:$0x2] =	stream.indirect_vreg.gather [hbm4b:s1+s3], $0x80, v3, vm0, $0xb8;
	[tilespmem:$0x10400] =	vst v63  }
0xb8: {  	v3 =	vld [tilespmem:$0xF0];
	_ =	sdelay $0x4  }
0xb9: {  	v15 =	vshll.u32 v3, $0x1  }
0xba: {  	v3 =	vand.u32 $0x7, v3;
	v4 =	vand.u32 $0xFFFFFFF0, v15  }
0xbb: {  	v3 =	vor.u32 v3, v4  }
0xbc: {  	v4 =	vperm.xlane v3, v0;
	_ =	sdelay $0x1  }
0xbd: {  	v3 =	vperm.xlane v3, v2;
	v4 =	vadd.s32 v1, v4;
	_ =	sdelay $0x1  }
0xbe: {  	v3 =	vadd.s32 v1, v3;
	_ =	sdelay $0x1  }
0xbf: {  	s20 =	simm.s32 $0xF400  }
0xc0: {  	[tilespmem:s20], [sflag:$0x2] =	stream.indirect_vreg.gather [hbm4b:s1+s3], $0x80, v4, vm0, $0xb8;
	[tilespmem:$0x10400] =	vst v63  }
0xc1: {  	s26 =	simm.s32 $0xFC00  }
0xc2: {  	[tilespmem:s26], [sflag:$0x2] =	stream.indirect_vreg.gather [hbm4b:s1+s3], $0x80, v3, vm0, $0xb8;
	[tilespmem:$0x10400] =	vst v63  }
0xc3: {  	_ =	swait.ge [sflag:s13], $0x8000  }
0xc4: {  	[sflag:s13] =	ssyncset.done $0x0  }
0xc5: {  	s0 =	rddreg [dreg:$0xc];
	[sflag:s13] =	ssyncadd.s32 $0xFFFF8000  }
0xc6: {  	[hbm4b:s0+s3] =	stream.linear.scatter [tilespmem:s24], [sflag:$0x3], $0x8000, $0x38;
	[tilespmem:$0x10400] =	vst v63  }
0xc7: {  	_ =	swait.ge [sflag:s6], $0x8000  }
0xc8: {  	[sflag:s6] =	ssyncset.done $0x0  }
0xc9: {  	[sflag:s6] =	ssyncadd.s32 $0xFFFF8000  }
0xca: {  	v3 =	vld [tilespmem:$0x100];
	_ =	sdelay $0x4  }
0xcb: {  	v16 =	vshll.u32 v3, $0x1  }
0xcc: {  	v3 =	vand.u32 $0x7, v3;
	v4 =	vand.u32 $0xFFFFFFF0, v16  }
0xcd: {  	v3 =	vor.u32 v3, v4  }
0xce: {  	v4 =	vperm.xlane v3, v0;
	_ =	sdelay $0x1  }
0xcf: {  	v3 =	vperm.xlane v3, v2;
	v4 =	vadd.s32 v1, v4;
	_ =	sdelay $0x1  }
0xd0: {  	v3 =	vadd.s32 v1, v3;
	_ =	sdelay $0x2  }
0xd1: {  	[tilespmem:s24], [sflag:$0x1] =	stream.indirect_vreg.gather [hbm4b:s1+s3], $0x80, v4, vm0, $0xb8;
	[tilespmem:$0x10400] =	vst v63  }
0xd2: {  	s8 =	simm.s32 $0xC00  }
0xd3: {  	[tilespmem:s8], [sflag:$0x1] =	stream.indirect_vreg.gather [hbm4b:s1+s3], $0x80, v3, vm0, $0xb8;
	[tilespmem:$0x10400] =	vst v63  }
0xd4: {  	v3 =	vld [tilespmem:$0x110];
	_ =	sdelay $0x4  }
0xd5: {  	v17 =	vshll.u32 v3, $0x1  }
0xd6: {  	v3 =	vand.u32 $0x7, v3;
	v4 =	vand.u32 $0xFFFFFFF0, v17  }
0xd7: {  	v3 =	vor.u32 v3, v4  }
0xd8: {  	v4 =	vperm.xlane v3, v0;
	_ =	sdelay $0x1  }
0xd9: {  	v3 =	vperm.xlane v3, v2;
	v4 =	vadd.s32 v1, v4;
	_ =	sdelay $0x1  }
0xda: {  	v3 =	vadd.s32 v1, v3;
	_ =	sdelay $0x1  }
0xdb: {  	s4 =	simm.s32 $0x1400  }
0xdc: {  	[tilespmem:s4], [sflag:$0x1] =	stream.indirect_vreg.gather [hbm4b:s1+s3], $0x80, v4, vm0, $0xb8;
	[tilespmem:$0x10400] =	vst v63  }
0xdd: {  	s20 =	simm.s32 $0x1C00  }
0xde: {  	[tilespmem:s20], [sflag:$0x1] =	stream.indirect_vreg.gather [hbm4b:s1+s3], $0x80, v3, vm0, $0xb8;
	[tilespmem:$0x10400] =	vst v63  }
0xdf: {  	v3 =	vld [tilespmem:$0x120];
	_ =	sdelay $0x4  }
0xe0: {  	v18 =	vshll.u32 v3, $0x1  }
0xe1: {  	v3 =	vand.u32 $0x7, v3;
	v4 =	vand.u32 $0xFFFFFFF0, v18  }
0xe2: {  	v3 =	vor.u32 v3, v4  }
0xe3: {  	v4 =	vperm.xlane v3, v0;
	_ =	sdelay $0x1  }
0xe4: {  	v3 =	vperm.xlane v3, v2;
	v4 =	vadd.s32 v1, v4;
	_ =	sdelay $0x1  }
0xe5: {  	v3 =	vadd.s32 v1, v3;
	_ =	sdelay $0x1  }
0xe6: {  	s7 =	simm.s32 $0x2400  }
0xe7: {  	[tilespmem:s7], [sflag:$0x1] =	stream.indirect_vreg.gather [hbm4b:s1+s3], $0x80, v4, vm0, $0xb8;
	[tilespmem:$0x10400] =	vst v63  }
0xe8: {  	s9 =	simm.s32 $0x2C00  }
0xe9: {  	[tilespmem:s9], [sflag:$0x1] =	stream.indirect_vreg.gather [hbm4b:s1+s3], $0x80, v3, vm0, $0xb8;
	[tilespmem:$0x10400] =	vst v63  }
0xea: {  	v3 =	vld [tilespmem:$0x130];
	_ =	sdelay $0x4  }
0xeb: {  	v19 =	vshll.u32 v3, $0x1  }
0xec: {  	v3 =	vand.u32 $0x7, v3;
	v4 =	vand.u32 $0xFFFFFFF0, v19  }
0xed: {  	v3 =	vor.u32 v3, v4  }
0xee: {  	v4 =	vperm.xlane v3, v0;
	_ =	sdelay $0x1  }
0xef: {  	v3 =	vperm.xlane v3, v2;
	v4 =	vadd.s32 v1, v4;
	_ =	sdelay $0x1  }
0xf0: {  	v3 =	vadd.s32 v1, v3;
	_ =	sdelay $0x1  }
0xf1: {  	s8 =	simm.s32 $0x3400  }
0xf2: {  	[tilespmem:s8], [sflag:$0x1] =	stream.indirect_vreg.gather [hbm4b:s1+s3], $0x80, v4, vm0, $0xb8;
	[tilespmem:$0x10400] =	vst v63  }
0xf3: {  	s11 =	simm.s32 $0x3C00  }
0xf4: {  	[tilespmem:s11], [sflag:$0x1] =	stream.indirect_vreg.gather [hbm4b:s1+s3], $0x80, v3, vm0, $0xb8;
	[tilespmem:$0x10400] =	vst v63  }
0xf5: {  	v3 =	vld [tilespmem:$0x140];
	_ =	sdelay $0x4  }
0xf6: {  	v20 =	vshll.u32 v3, $0x1  }
0xf7: {  	v3 =	vand.u32 $0x7, v3;
	v4 =	vand.u32 $0xFFFFFFF0, v20  }
0xf8: {  	v3 =	vor.u32 v3, v4  }
0xf9: {  	v4 =	vperm.xlane v3, v0;
	_ =	sdelay $0x1  }
0xfa: {  	v3 =	vperm.xlane v3, v2;
	v4 =	vadd.s32 v1, v4;
	_ =	sdelay $0x1  }
0xfb: {  	v3 =	vadd.s32 v1, v3;
	_ =	sdelay $0x1  }
0xfc: {  	s9 =	simm.s32 $0x4400  }
0xfd: {  	[tilespmem:s9], [sflag:$0x1] =	stream.indirect_vreg.gather [hbm4b:s1+s3], $0x80, v4, vm0, $0xb8;
	[tilespmem:$0x10400] =	vst v63  }
0xfe: {  	s12 =	simm.s32 $0x4C00  }
0xff: {  	[tilespmem:s12], [sflag:$0x1] =	stream.indirect_vreg.gather [hbm4b:s1+s3], $0x80, v3, vm0, $0xb8;
	[tilespmem:$0x10400] =	vst v63  }
0x100: {  	v3 =	vld [tilespmem:$0x150];
	_ =	sdelay $0x4  }
0x101: {  	v21 =	vshll.u32 v3, $0x1  }
0x102: {  	v3 =	vand.u32 $0x7, v3;
	v4 =	vand.u32 $0xFFFFFFF0, v21  }
0x103: {  	v3 =	vor.u32 v3, v4  }
0x104: {  	v4 =	vperm.xlane v3, v0;
	_ =	sdelay $0x1  }
0x105: {  	v3 =	vperm.xlane v3, v2;
	v4 =	vadd.s32 v1, v4;
	_ =	sdelay $0x1  }
0x106: {  	v3 =	vadd.s32 v1, v3;
	_ =	sdelay $0x1  }
0x107: {  	s10 =	simm.s32 $0x5400  }
0x108: {  	[tilespmem:s10], [sflag:$0x1] =	stream.indirect_vreg.gather [hbm4b:s1+s3], $0x80, v4, vm0, $0xb8;
	[tilespmem:$0x10400] =	vst v63  }
0x109: {  	s16 =	simm.s32 $0x5C00  }
0x10a: {  	[tilespmem:s16], [sflag:$0x1] =	stream.indirect_vreg.gather [hbm4b:s1+s3], $0x80, v3, vm0, $0xb8;
	[tilespmem:$0x10400] =	vst v63  }
0x10b: {  	v3 =	vld [tilespmem:$0x160];
	_ =	sdelay $0x4  }
0x10c: {  	v22 =	vshll.u32 v3, $0x1  }
0x10d: {  	v3 =	vand.u32 $0x7, v3;
	v4 =	vand.u32 $0xFFFFFFF0, v22  }
0x10e: {  	v3 =	vor.u32 v3, v4  }
0x10f: {  	v4 =	vperm.xlane v3, v0;
	_ =	sdelay $0x1  }
0x110: {  	v3 =	vperm.xlane v3, v2;
	v4 =	vadd.s32 v1, v4;
	_ =	sdelay $0x1  }
0x111: {  	v3 =	vadd.s32 v1, v3;
	_ =	sdelay $0x1  }
0x112: {  	s16 =	simm.s32 $0x6400  }
0x113: {  	[tilespmem:s16], [sflag:$0x1] =	stream.indirect_vreg.gather [hbm4b:s1+s3], $0x80, v4, vm0, $0xb8;
	[tilespmem:$0x10400] =	vst v63  }
0x114: {  	s17 =	simm.s32 $0x6C00  }
0x115: {  	[tilespmem:s17], [sflag:$0x1] =	stream.indirect_vreg.gather [hbm4b:s1+s3], $0x80, v3, vm0, $0xb8;
	[tilespmem:$0x10400] =	vst v63  }
0x116: {  	v3 =	vld [tilespmem:$0x170];
	_ =	sdelay $0x4  }
0x117: {  	v23 =	vshll.u32 v3, $0x1  }
0x118: {  	v3 =	vand.u32 $0x7, v3;
	v4 =	vand.u32 $0xFFFFFFF0, v23  }
0x119: {  	v3 =	vor.u32 v3, v4  }
0x11a: {  	v4 =	vperm.xlane v3, v0;
	_ =	sdelay $0x1  }
0x11b: {  	v3 =	vperm.xlane v3, v2;
	v4 =	vadd.s32 v1, v4;
	_ =	sdelay $0x1  }
0x11c: {  	v3 =	vadd.s32 v1, v3;
	_ =	sdelay $0x1  }
0x11d: {  	s18 =	simm.s32 $0x7400  }
0x11e: {  	[tilespmem:s18], [sflag:$0x1] =	stream.indirect_vreg.gather [hbm4b:s1+s3], $0x80, v4, vm0, $0xb8;
	[tilespmem:$0x10400] =	vst v63  }
0x11f: {  	s10 =	simm.s32 $0x7C00  }
0x120: {  	[tilespmem:s10], [sflag:$0x1] =	stream.indirect_vreg.gather [hbm4b:s1+s3], $0x80, v3, vm0, $0xb8;
	[tilespmem:$0x10400] =	vst v63  }
0x121: {  	_ =	swait.ge [sflag:s14], $0x8000  }
0x122: {  	[sflag:s14] =	ssyncset.done $0x0  }
0x123: {  	s7 =	rddreg [dreg:$0x5];
	[sflag:s14] =	ssyncadd.s32 $0xFFFF8000  }
0x124: {  	[hbm4b:s7+s3] =	stream.linear.scatter [tilespmem:s23], [sflag:$0x3], $0x8000, $0x38;
	[tilespmem:$0x10400] =	vst v63  }
0x125: {  	_ =	swait.ge [sflag:s6], $0x8000  }
0x126: {  	[sflag:s6] =	ssyncset.done $0x0  }
0x127: {  	[sflag:s6] =	ssyncadd.s32 $0xFFFF8000  }
0x128: {  	v3 =	vld [tilespmem:$0x180];
	_ =	sdelay $0x4  }
0x129: {  	v24 =	vshll.u32 v3, $0x1  }
0x12a: {  	v3 =	vand.u32 $0x7, v3;
	v4 =	vand.u32 $0xFFFFFFF0, v24  }
0x12b: {  	v3 =	vor.u32 v3, v4  }
0x12c: {  	v4 =	vperm.xlane v3, v0;
	_ =	sdelay $0x1  }
0x12d: {  	v3 =	vperm.xlane v3, v2;
	v4 =	vadd.s32 v1, v4;
	_ =	sdelay $0x1  }
0x12e: {  	v3 =	vadd.s32 v1, v3;
	_ =	sdelay $0x2  }
0x12f: {  	[tilespmem:s23], [sflag:$0x2] =	stream.indirect_vreg.gather [hbm4b:s1+s3], $0x80, v4, vm0, $0xb8;
	[tilespmem:$0x10400] =	vst v63  }
0x130: {  	s2 =	simm.s32 $0x8C00  }
0x131: {  	[tilespmem:s2], [sflag:$0x2] =	stream.indirect_vreg.gather [hbm4b:s1+s3], $0x80, v3, vm0, $0xb8;
	[tilespmem:$0x10400] =	vst v63  }
0x132: {  	v3 =	vld [tilespmem:$0x190];
	_ =	sdelay $0x4  }
0x133: {  	v25 =	vshll.u32 v3, $0x1  }
0x134: {  	v3 =	vand.u32 $0x7, v3;
	v4 =	vand.u32 $0xFFFFFFF0, v25  }
0x135: {  	v3 =	vor.u32 v3, v4  }
0x136: {  	v4 =	vperm.xlane v3, v0;
	_ =	sdelay $0x1  }
0x137: {  	v3 =	vperm.xlane v3, v2;
	v4 =	vadd.s32 v1, v4;
	_ =	sdelay $0x1  }
0x138: {  	v3 =	vadd.s32 v1, v3;
	_ =	sdelay $0x1  }
0x139: {  	s0 =	simm.s32 $0x9400  }
0x13a: {  	[tilespmem:s0], [sflag:$0x2] =	stream.indirect_vreg.gather [hbm4b:s1+s3], $0x80, v4, vm0, $0xb8;
	[tilespmem:$0x10400] =	vst v63  }
0x13b: {  	s4 =	simm.s32 $0x9C00  }
0x13c: {  	[tilespmem:s4], [sflag:$0x2] =	stream.indirect_vreg.gather [hbm4b:s1+s3], $0x80, v3, vm0, $0xb8;
	[tilespmem:$0x10400] =	vst v63  }
0x13d: {  	v3 =	vld [tilespmem:$0x1A0];
	_ =	sdelay $0x4  }
0x13e: {  	v26 =	vshll.u32 v3, $0x1  }
0x13f: {  	v3 =	vand.u32 $0x7, v3;
	v4 =	vand.u32 $0xFFFFFFF0, v26  }
0x140: {  	v3 =	vor.u32 v3, v4  }
0x141: {  	v4 =	vperm.xlane v3, v0;
	_ =	sdelay $0x1  }
0x142: {  	v3 =	vperm.xlane v3, v2;
	v4 =	vadd.s32 v1, v4;
	_ =	sdelay $0x1  }
0x143: {  	v3 =	vadd.s32 v1, v3;
	_ =	sdelay $0x1  }
0x144: {  	s2 =	simm.s32 $0xA400  }
0x145: {  	[tilespmem:s2], [sflag:$0x2] =	stream.indirect_vreg.gather [hbm4b:s1+s3], $0x80, v4, vm0, $0xb8;
	[tilespmem:$0x10400] =	vst v63  }
0x146: {  	s7 =	simm.s32 $0xAC00  }
0x147: {  	[tilespmem:s7], [sflag:$0x2] =	stream.indirect_vreg.gather [hbm4b:s1+s3], $0x80, v3, vm0, $0xb8;
	[tilespmem:$0x10400] =	vst v63  }
0x148: {  	v3 =	vld [tilespmem:$0x1B0];
	_ =	sdelay $0x4  }
0x149: {  	v27 =	vshll.u32 v3, $0x1  }
0x14a: {  	v3 =	vand.u32 $0x7, v3;
	v4 =	vand.u32 $0xFFFFFFF0, v27  }
0x14b: {  	v3 =	vor.u32 v3, v4  }
0x14c: {  	v4 =	vperm.xlane v3, v0;
	_ =	sdelay $0x1  }
0x14d: {  	v3 =	vperm.xlane v3, v2;
	v4 =	vadd.s32 v1, v4;
	_ =	sdelay $0x1  }
0x14e: {  	v3 =	vadd.s32 v1, v3;
	_ =	sdelay $0x1  }
0x14f: {  	s28 =	simm.s32 $0xB400  }
0x150: {  	[tilespmem:s28], [sflag:$0x2] =	stream.indirect_vreg.gather [hbm4b:s1+s3], $0x80, v4, vm0, $0xb8;
	[tilespmem:$0x10400] =	vst v63  }
0x151: {  	s21 =	simm.s32 $0xBC00  }
0x152: {  	[tilespmem:s21], [sflag:$0x2] =	stream.indirect_vreg.gather [hbm4b:s1+s3], $0x80, v3, vm0, $0xb8;
	[tilespmem:$0x10400] =	vst v63  }
0x153: {  	v3 =	vld [tilespmem:$0x1C0];
	_ =	sdelay $0x4  }
0x154: {  	v28 =	vshll.u32 v3, $0x1  }
0x155: {  	v3 =	vand.u32 $0x7, v3;
	v4 =	vand.u32 $0xFFFFFFF0, v28  }
0x156: {  	v3 =	vor.u32 v3, v4  }
0x157: {  	v4 =	vperm.xlane v3, v0;
	_ =	sdelay $0x1  }
0x158: {  	v3 =	vperm.xlane v3, v2;
	v4 =	vadd.s32 v1, v4;
	_ =	sdelay $0x1  }
0x159: {  	v3 =	vadd.s32 v1, v3;
	_ =	sdelay $0x1  }
0x15a: {  	s31 =	simm.s32 $0xC400  }
0x15b: {  	[tilespmem:s31], [sflag:$0x2] =	stream.indirect_vreg.gather [hbm4b:s1+s3], $0x80, v4, vm0, $0xb8;
	[tilespmem:$0x10400] =	vst v63  }
0x15c: {  	s19 =	simm.s32 $0xCC00  }
0x15d: {  	[tilespmem:s19], [sflag:$0x2] =	stream.indirect_vreg.gather [hbm4b:s1+s3], $0x80, v3, vm0, $0xb8;
	[tilespmem:$0x10400] =	vst v63  }
0x15e: {  	v3 =	vld [tilespmem:$0x1D0];
	_ =	sdelay $0x4  }
0x15f: {  	v29 =	vshll.u32 v3, $0x1  }
0x160: {  	v3 =	vand.u32 $0x7, v3;
	v4 =	vand.u32 $0xFFFFFFF0, v29  }
0x161: {  	v3 =	vor.u32 v3, v4  }
0x162: {  	v4 =	vperm.xlane v3, v0;
	_ =	sdelay $0x1  }
0x163: {  	v3 =	vperm.xlane v3, v2;
	v4 =	vadd.s32 v1, v4;
	_ =	sdelay $0x1  }
0x164: {  	v3 =	vadd.s32 v1, v3;
	_ =	sdelay $0x1  }
0x165: {  	s31 =	simm.s32 $0xD400  }
0x166: {  	[tilespmem:s31], [sflag:$0x2] =	stream.indirect_vreg.gather [hbm4b:s1+s3], $0x80, v4, vm0, $0xb8;
	[tilespmem:$0x10400] =	vst v63  }
0x167: {  	s22 =	simm.s32 $0xDC00  }
0x168: {  	[tilespmem:s22], [sflag:$0x2] =	stream.indirect_vreg.gather [hbm4b:s1+s3], $0x80, v3, vm0, $0xb8;
	[tilespmem:$0x10400] =	vst v63  }
0x169: {  	v3 =	vld [tilespmem:$0x1E0];
	_ =	sdelay $0x4  }
0x16a: {  	v30 =	vshll.u32 v3, $0x1  }
0x16b: {  	v3 =	vand.u32 $0x7, v3;
	v4 =	vand.u32 $0xFFFFFFF0, v30  }
0x16c: {  	v3 =	vor.u32 v3, v4  }
0x16d: {  	v4 =	vperm.xlane v3, v0;
	_ =	sdelay $0x1  }
0x16e: {  	v3 =	vperm.xlane v3, v2;
	v4 =	vadd.s32 v1, v4;
	_ =	sdelay $0x1  }
0x16f: {  	v3 =	vadd.s32 v1, v3;
	_ =	sdelay $0x1  }
0x170: {  	s29 =	simm.s32 $0xE400  }
0x171: {  	[tilespmem:s29], [sflag:$0x2] =	stream.indirect_vreg.gather [hbm4b:s1+s3], $0x80, v4, vm0, $0xb8;
	[tilespmem:$0x10400] =	vst v63  }
0x172: {  	s25 =	simm.s32 $0xEC00  }
0x173: {  	[tilespmem:s25], [sflag:$0x2] =	stream.indirect_vreg.gather [hbm4b:s1+s3], $0x80, v3, vm0, $0xb8;
	[tilespmem:$0x10400] =	vst v63  }
0x174: {  	v3 =	vld [tilespmem:$0x1F0];
	_ =	sdelay $0x4  }
0x175: {  	v31 =	vshll.u32 v3, $0x1  }
0x176: {  	v3 =	vand.u32 $0x7, v3;
	v4 =	vand.u32 $0xFFFFFFF0, v31  }
0x177: {  	v3 =	vor.u32 v3, v4  }
0x178: {  	v4 =	vperm.xlane v3, v0;
	_ =	sdelay $0x1  }
0x179: {  	v3 =	vperm.xlane v3, v2;
	v4 =	vadd.s32 v1, v4;
	_ =	sdelay $0x1  }
0x17a: {  	v3 =	vadd.s32 v1, v3;
	_ =	sdelay $0x1  }
0x17b: {  	s30 =	simm.s32 $0xF400  }
0x17c: {  	[tilespmem:s30], [sflag:$0x2] =	stream.indirect_vreg.gather [hbm4b:s1+s3], $0x80, v4, vm0, $0xb8;
	[tilespmem:$0x10400] =	vst v63  }
0x17d: {  	s26 =	simm.s32 $0xFC00  }
0x17e: {  	[tilespmem:s26], [sflag:$0x2] =	stream.indirect_vreg.gather [hbm4b:s1+s3], $0x80, v3, vm0, $0xb8;
	[tilespmem:$0x10400] =	vst v63  }
0x17f: {  	_ =	swait.ge [sflag:s13], $0x8000  }
0x180: {  	[sflag:s13] =	ssyncset.done $0x0  }
0x181: {  	s29 =	rddreg [dreg:$0x6];
	[sflag:s13] =	ssyncadd.s32 $0xFFFF8000  }
0x182: {  	[hbm4b:s29+s3] =	stream.linear.scatter [tilespmem:s24], [sflag:$0x3], $0x8000, $0x38;
	[tilespmem:$0x10400] =	vst v63  }
0x183: {  	_ =	swait.ge [sflag:s6], $0x8000  }
0x184: {  	[sflag:s6] =	ssyncset.done $0x0  }
0x185: {  	[sflag:s6] =	ssyncadd.s32 $0xFFFF8000  }
0x186: {  	v3 =	vld [tilespmem:$0x200];
	_ =	sdelay $0x4  }
0x187: {  	v32 =	vshll.u32 v3, $0x1  }
0x188: {  	v3 =	vand.u32 $0x7, v3;
	v4 =	vand.u32 $0xFFFFFFF0, v32  }
0x189: {  	v3 =	vor.u32 v3, v4  }
0x18a: {  	v4 =	vperm.xlane v3, v0;
	_ =	sdelay $0x1  }
0x18b: {  	v3 =	vperm.xlane v3, v2;
	v4 =	vadd.s32 v1, v4;
	_ =	sdelay $0x1  }
0x18c: {  	v3 =	vadd.s32 v1, v3;
	_ =	sdelay $0x2  }
0x18d: {  	[tilespmem:s24], [sflag:$0x1] =	stream.indirect_vreg.gather [hbm4b:s1+s3], $0x80, v4, vm0, $0xb8;
	[tilespmem:$0x10400] =	vst v63  }
0x18e: {  	s25 =	simm.s32 $0xC00  }
0x18f: {  	[tilespmem:s25], [sflag:$0x1] =	stream.indirect_vreg.gather [hbm4b:s1+s3], $0x80, v3, vm0, $0xb8;
	[tilespmem:$0x10400] =	vst v63  }
0x190: {  	v3 =	vld [tilespmem:$0x210];
	_ =	sdelay $0x4  }
0x191: {  	v33 =	vshll.u32 v3, $0x1  }
0x192: {  	v3 =	vand.u32 $0x7, v3;
	v4 =	vand.u32 $0xFFFFFFF0, v33  }
0x193: {  	v3 =	vor.u32 v3, v4  }
0x194: {  	v4 =	vperm.xlane v3, v0;
	_ =	sdelay $0x1  }
0x195: {  	v3 =	vperm.xlane v3, v2;
	v4 =	vadd.s32 v1, v4;
	_ =	sdelay $0x1  }
0x196: {  	v3 =	vadd.s32 v1, v3;
	_ =	sdelay $0x1  }
0x197: {  	s26 =	simm.s32 $0x1400  }
0x198: {  	[tilespmem:s26], [sflag:$0x1] =	stream.indirect_vreg.gather [hbm4b:s1+s3], $0x80, v4, vm0, $0xb8;
	[tilespmem:$0x10400] =	vst v63  }
0x199: {  	_ = 	snop  }
0x19a: {  	[tilespmem:s20], [sflag:$0x1] =	stream.indirect_vreg.gather [hbm4b:s1+s3], $0x80, v3, vm0, $0xb8;
	[tilespmem:$0x10400] =	vst v63  }
0x19b: {  	v3 =	vld [tilespmem:$0x220];
	_ =	sdelay $0x4  }
0x19c: {  	v34 =	vshll.u32 v3, $0x1  }
0x19d: {  	v3 =	vand.u32 $0x7, v3;
	v4 =	vand.u32 $0xFFFFFFF0, v34  }
0x19e: {  	v3 =	vor.u32 v3, v4  }
0x19f: {  	v4 =	vperm.xlane v3, v0;
	_ =	sdelay $0x1  }
0x1a0: {  	v3 =	vperm.xlane v3, v2;
	v4 =	vadd.s32 v1, v4;
	_ =	sdelay $0x1  }
0x1a1: {  	v3 =	vadd.s32 v1, v3;
	_ =	sdelay $0x1  }
0x1a2: {  	s29 =	simm.s32 $0x2400  }
0x1a3: {  	[tilespmem:s29], [sflag:$0x1] =	stream.indirect_vreg.gather [hbm4b:s1+s3], $0x80, v4, vm0, $0xb8;
	[tilespmem:$0x10400] =	vst v63  }
0x1a4: {  	s25 =	simm.s32 $0x2C00  }
0x1a5: {  	[tilespmem:s25], [sflag:$0x1] =	stream.indirect_vreg.gather [hbm4b:s1+s3], $0x80, v3, vm0, $0xb8;
	[tilespmem:$0x10400] =	vst v63  }
0x1a6: {  	v3 =	vld [tilespmem:$0x230];
	_ =	sdelay $0x4  }
0x1a7: {  	v35 =	vshll.u32 v3, $0x1  }
0x1a8: {  	v3 =	vand.u32 $0x7, v3;
	v4 =	vand.u32 $0xFFFFFFF0, v35  }
0x1a9: {  	v3 =	vor.u32 v3, v4  }
0x1aa: {  	v4 =	vperm.xlane v3, v0;
	_ =	sdelay $0x1  }
0x1ab: {  	v3 =	vperm.xlane v3, v2;
	v4 =	vadd.s32 v1, v4;
	_ =	sdelay $0x1  }
0x1ac: {  	v3 =	vadd.s32 v1, v3;
	_ =	sdelay $0x2  }
0x1ad: {  	[tilespmem:s8], [sflag:$0x1] =	stream.indirect_vreg.gather [hbm4b:s1+s3], $0x80, v4, vm0, $0xb8;
	[tilespmem:$0x10400] =	vst v63  }
0x1ae: {  	_ = 	snop  }
0x1af: {  	[tilespmem:s11], [sflag:$0x1] =	stream.indirect_vreg.gather [hbm4b:s1+s3], $0x80, v3, vm0, $0xb8;
	[tilespmem:$0x10400] =	vst v63  }
0x1b0: {  	v3 =	vld [tilespmem:$0x240];
	_ =	sdelay $0x4  }
0x1b1: {  	v36 =	vshll.u32 v3, $0x1  }
0x1b2: {  	v3 =	vand.u32 $0x7, v3;
	v4 =	vand.u32 $0xFFFFFFF0, v36  }
0x1b3: {  	v3 =	vor.u32 v3, v4  }
0x1b4: {  	v4 =	vperm.xlane v3, v0;
	_ =	sdelay $0x1  }
0x1b5: {  	v3 =	vperm.xlane v3, v2;
	v4 =	vadd.s32 v1, v4;
	_ =	sdelay $0x1  }
0x1b6: {  	v3 =	vadd.s32 v1, v3;
	_ =	sdelay $0x2  }
0x1b7: {  	[tilespmem:s9], [sflag:$0x1] =	stream.indirect_vreg.gather [hbm4b:s1+s3], $0x80, v4, vm0, $0xb8;
	[tilespmem:$0x10400] =	vst v63  }
0x1b8: {  	_ = 	snop  }
0x1b9: {  	[tilespmem:s12], [sflag:$0x1] =	stream.indirect_vreg.gather [hbm4b:s1+s3], $0x80, v3, vm0, $0xb8;
	[tilespmem:$0x10400] =	vst v63  }
0x1ba: {  	v3 =	vld [tilespmem:$0x250];
	_ =	sdelay $0x4  }
0x1bb: {  	v37 =	vshll.u32 v3, $0x1  }
0x1bc: {  	v3 =	vand.u32 $0x7, v3;
	v4 =	vand.u32 $0xFFFFFFF0, v37  }
0x1bd: {  	v3 =	vor.u32 v3, v4  }
0x1be: {  	v4 =	vperm.xlane v3, v0;
	_ =	sdelay $0x1  }
0x1bf: {  	v3 =	vperm.xlane v3, v2;
	v4 =	vadd.s32 v1, v4;
	_ =	sdelay $0x1  }
0x1c0: {  	v3 =	vadd.s32 v1, v3;
	_ =	sdelay $0x1  }
0x1c1: {  	s26 =	simm.s32 $0x5400  }
0x1c2: {  	[tilespmem:s26], [sflag:$0x1] =	stream.indirect_vreg.gather [hbm4b:s1+s3], $0x80, v4, vm0, $0xb8;
	[tilespmem:$0x10400] =	vst v63  }
0x1c3: {  	s29 =	simm.s32 $0x5C00  }
0x1c4: {  	[tilespmem:s29], [sflag:$0x1] =	stream.indirect_vreg.gather [hbm4b:s1+s3], $0x80, v3, vm0, $0xb8;
	[tilespmem:$0x10400] =	vst v63  }
0x1c5: {  	v3 =	vld [tilespmem:$0x260];
	_ =	sdelay $0x4  }
0x1c6: {  	v38 =	vshll.u32 v3, $0x1  }
0x1c7: {  	v3 =	vand.u32 $0x7, v3;
	v4 =	vand.u32 $0xFFFFFFF0, v38  }
0x1c8: {  	v3 =	vor.u32 v3, v4  }
0x1c9: {  	v4 =	vperm.xlane v3, v0;
	_ =	sdelay $0x1  }
0x1ca: {  	v3 =	vperm.xlane v3, v2;
	v4 =	vadd.s32 v1, v4;
	_ =	sdelay $0x1  }
0x1cb: {  	v3 =	vadd.s32 v1, v3;
	_ =	sdelay $0x2  }
0x1cc: {  	[tilespmem:s16], [sflag:$0x1] =	stream.indirect_vreg.gather [hbm4b:s1+s3], $0x80, v4, vm0, $0xb8;
	[tilespmem:$0x10400] =	vst v63  }
0x1cd: {  	_ = 	snop  }
0x1ce: {  	[tilespmem:s17], [sflag:$0x1] =	stream.indirect_vreg.gather [hbm4b:s1+s3], $0x80, v3, vm0, $0xb8;
	[tilespmem:$0x10400] =	vst v63  }
0x1cf: {  	v3 =	vld [tilespmem:$0x270];
	_ =	sdelay $0x4  }
0x1d0: {  	v39 =	vshll.u32 v3, $0x1  }
0x1d1: {  	v3 =	vand.u32 $0x7, v3;
	v4 =	vand.u32 $0xFFFFFFF0, v39  }
0x1d2: {  	v3 =	vor.u32 v3, v4  }
0x1d3: {  	v4 =	vperm.xlane v3, v0;
	_ =	sdelay $0x1  }
0x1d4: {  	v3 =	vperm.xlane v3, v2;
	v4 =	vadd.s32 v1, v4;
	_ =	sdelay $0x1  }
0x1d5: {  	v3 =	vadd.s32 v1, v3;
	_ =	sdelay $0x2  }
0x1d6: {  	[tilespmem:s18], [sflag:$0x1] =	stream.indirect_vreg.gather [hbm4b:s1+s3], $0x80, v4, vm0, $0xb8;
	[tilespmem:$0x10400] =	vst v63  }
0x1d7: {  	_ = 	snop  }
0x1d8: {  	[tilespmem:s10], [sflag:$0x1] =	stream.indirect_vreg.gather [hbm4b:s1+s3], $0x80, v3, vm0, $0xb8;
	[tilespmem:$0x10400] =	vst v63  }
0x1d9: {  	_ =	swait.ge [sflag:s14], $0x8000  }
0x1da: {  	[sflag:s14] =	ssyncset.done $0x0  }
0x1db: {  	s25 =	rddreg [dreg:$0x7];
	[sflag:s14] =	ssyncadd.s32 $0xFFFF8000  }
0x1dc: {  	[hbm4b:s25+s3] =	stream.linear.scatter [tilespmem:s23], [sflag:$0x3], $0x8000, $0x38;
	[tilespmem:$0x10400] =	vst v63  }
0x1dd: {  	_ =	swait.ge [sflag:s6], $0x8000  }
0x1de: {  	[sflag:s6] =	ssyncset.done $0x0  }
0x1df: {  	[sflag:s6] =	ssyncadd.s32 $0xFFFF8000  }
0x1e0: {  	v3 =	vld [tilespmem:$0x280];
	_ =	sdelay $0x4  }
0x1e1: {  	v40 =	vshll.u32 v3, $0x1  }
0x1e2: {  	v3 =	vand.u32 $0x7, v3;
	v4 =	vand.u32 $0xFFFFFFF0, v40  }
0x1e3: {  	v3 =	vor.u32 v3, v4  }
0x1e4: {  	v4 =	vperm.xlane v3, v0;
	_ =	sdelay $0x1  }
0x1e5: {  	v3 =	vperm.xlane v3, v2;
	v4 =	vadd.s32 v1, v4;
	_ =	sdelay $0x1  }
0x1e6: {  	v3 =	vadd.s32 v1, v3;
	_ =	sdelay $0x2  }
0x1e7: {  	[tilespmem:s23], [sflag:$0x2] =	stream.indirect_vreg.gather [hbm4b:s1+s3], $0x80, v4, vm0, $0xb8;
	[tilespmem:$0x10400] =	vst v63  }
0x1e8: {  	s26 =	simm.s32 $0x8C00  }
0x1e9: {  	[tilespmem:s26], [sflag:$0x2] =	stream.indirect_vreg.gather [hbm4b:s1+s3], $0x80, v3, vm0, $0xb8;
	[tilespmem:$0x10400] =	vst v63  }
0x1ea: {  	v3 =	vld [tilespmem:$0x290];
	_ =	sdelay $0x4  }
0x1eb: {  	v41 =	vshll.u32 v3, $0x1  }
0x1ec: {  	v3 =	vand.u32 $0x7, v3;
	v4 =	vand.u32 $0xFFFFFFF0, v41  }
0x1ed: {  	v3 =	vor.u32 v3, v4  }
0x1ee: {  	v4 =	vperm.xlane v3, v0;
	_ =	sdelay $0x1  }
0x1ef: {  	v3 =	vperm.xlane v3, v2;
	v4 =	vadd.s32 v1, v4;
	_ =	sdelay $0x1  }
0x1f0: {  	v3 =	vadd.s32 v1, v3;
	_ =	sdelay $0x2  }
0x1f1: {  	[tilespmem:s0], [sflag:$0x2] =	stream.indirect_vreg.gather [hbm4b:s1+s3], $0x80, v4, vm0, $0xb8;
	[tilespmem:$0x10400] =	vst v63  }
0x1f2: {  	_ = 	snop  }
0x1f3: {  	[tilespmem:s4], [sflag:$0x2] =	stream.indirect_vreg.gather [hbm4b:s1+s3], $0x80, v3, vm0, $0xb8;
	[tilespmem:$0x10400] =	vst v63  }
0x1f4: {  	v3 =	vld [tilespmem:$0x2A0];
	_ =	sdelay $0x4  }
0x1f5: {  	v42 =	vshll.u32 v3, $0x1  }
0x1f6: {  	v3 =	vand.u32 $0x7, v3;
	v4 =	vand.u32 $0xFFFFFFF0, v42  }
0x1f7: {  	v3 =	vor.u32 v3, v4  }
0x1f8: {  	v4 =	vperm.xlane v3, v0;
	_ =	sdelay $0x1  }
0x1f9: {  	v3 =	vperm.xlane v3, v2;
	v4 =	vadd.s32 v1, v4;
	_ =	sdelay $0x1  }
0x1fa: {  	v3 =	vadd.s32 v1, v3;
	_ =	sdelay $0x2  }
0x1fb: {  	[tilespmem:s2], [sflag:$0x2] =	stream.indirect_vreg.gather [hbm4b:s1+s3], $0x80, v4, vm0, $0xb8;
	[tilespmem:$0x10400] =	vst v63  }
0x1fc: {  	_ = 	snop  }
0x1fd: {  	[tilespmem:s7], [sflag:$0x2] =	stream.indirect_vreg.gather [hbm4b:s1+s3], $0x80, v3, vm0, $0xb8;
	[tilespmem:$0x10400] =	vst v63  }
0x1fe: {  	v3 =	vld [tilespmem:$0x2B0];
	_ =	sdelay $0x4  }
0x1ff: {  	v43 =	vshll.u32 v3, $0x1  }
0x200: {  	v3 =	vand.u32 $0x7, v3;
	v4 =	vand.u32 $0xFFFFFFF0, v43  }
0x201: {  	v3 =	vor.u32 v3, v4  }
0x202: {  	v4 =	vperm.xlane v3, v0;
	_ =	sdelay $0x1  }
0x203: {  	v3 =	vperm.xlane v3, v2;
	v4 =	vadd.s32 v1, v4;
	_ =	sdelay $0x1  }
0x204: {  	v3 =	vadd.s32 v1, v3;
	_ =	sdelay $0x1  }
0x205: {  	s28 =	simm.s32 $0xB400  }
0x206: {  	[tilespmem:s28], [sflag:$0x2] =	stream.indirect_vreg.gather [hbm4b:s1+s3], $0x80, v4, vm0, $0xb8;
	[tilespmem:$0x10400] =	vst v63  }
0x207: {  	s29 =	simm.s32 $0xBC00  }
0x208: {  	[tilespmem:s29], [sflag:$0x2] =	stream.indirect_vreg.gather [hbm4b:s1+s3], $0x80, v3, vm0, $0xb8;
	[tilespmem:$0x10400] =	vst v63  }
0x209: {  	v3 =	vld [tilespmem:$0x2C0];
	_ =	sdelay $0x4  }
0x20a: {  	v44 =	vshll.u32 v3, $0x1  }
0x20b: {  	v3 =	vand.u32 $0x7, v3;
	v4 =	vand.u32 $0xFFFFFFF0, v44  }
0x20c: {  	v3 =	vor.u32 v3, v4  }
0x20d: {  	v4 =	vperm.xlane v3, v0;
	_ =	sdelay $0x1  }
0x20e: {  	v3 =	vperm.xlane v3, v2;
	v4 =	vadd.s32 v1, v4;
	_ =	sdelay $0x1  }
0x20f: {  	v3 =	vadd.s32 v1, v3;
	_ =	sdelay $0x1  }
0x210: {  	s21 =	simm.s32 $0xC400  }
0x211: {  	[tilespmem:s21], [sflag:$0x2] =	stream.indirect_vreg.gather [hbm4b:s1+s3], $0x80, v4, vm0, $0xb8;
	[tilespmem:$0x10400] =	vst v63  }
0x212: {  	s19 =	simm.s32 $0xCC00  }
0x213: {  	[tilespmem:s19], [sflag:$0x2] =	stream.indirect_vreg.gather [hbm4b:s1+s3], $0x80, v3, vm0, $0xb8;
	[tilespmem:$0x10400] =	vst v63  }
0x214: {  	v3 =	vld [tilespmem:$0x2D0];
	_ =	sdelay $0x4  }
0x215: {  	v45 =	vshll.u32 v3, $0x1  }
0x216: {  	v3 =	vand.u32 $0x7, v3;
	v4 =	vand.u32 $0xFFFFFFF0, v45  }
0x217: {  	v3 =	vor.u32 v3, v4  }
0x218: {  	v4 =	vperm.xlane v3, v0;
	_ =	sdelay $0x1  }
0x219: {  	v3 =	vperm.xlane v3, v2;
	v4 =	vadd.s32 v1, v4;
	_ =	sdelay $0x1  }
0x21a: {  	v3 =	vadd.s32 v1, v3;
	_ =	sdelay $0x1  }
0x21b: {  	s19 =	simm.s32 $0xD400  }
0x21c: {  	[tilespmem:s19], [sflag:$0x2] =	stream.indirect_vreg.gather [hbm4b:s1+s3], $0x80, v4, vm0, $0xb8;
	[tilespmem:$0x10400] =	vst v63  }
0x21d: {  	s31 =	simm.s32 $0xDC00  }
0x21e: {  	[tilespmem:s31], [sflag:$0x2] =	stream.indirect_vreg.gather [hbm4b:s1+s3], $0x80, v3, vm0, $0xb8;
	[tilespmem:$0x10400] =	vst v63  }
0x21f: {  	v3 =	vld [tilespmem:$0x2E0];
	_ =	sdelay $0x4  }
0x220: {  	v46 =	vshll.u32 v3, $0x1  }
0x221: {  	v3 =	vand.u32 $0x7, v3;
	v4 =	vand.u32 $0xFFFFFFF0, v46  }
0x222: {  	v3 =	vor.u32 v3, v4  }
0x223: {  	v4 =	vperm.xlane v3, v0;
	_ =	sdelay $0x1  }
0x224: {  	v3 =	vperm.xlane v3, v2;
	v4 =	vadd.s32 v1, v4;
	_ =	sdelay $0x1  }
0x225: {  	v3 =	vadd.s32 v1, v3;
	_ =	sdelay $0x1  }
0x226: {  	s22 =	simm.s32 $0xE400  }
0x227: {  	[tilespmem:s22], [sflag:$0x2] =	stream.indirect_vreg.gather [hbm4b:s1+s3], $0x80, v4, vm0, $0xb8;
	[tilespmem:$0x10400] =	vst v63  }
0x228: {  	s22 =	simm.s32 $0xEC00  }
0x229: {  	[tilespmem:s22], [sflag:$0x2] =	stream.indirect_vreg.gather [hbm4b:s1+s3], $0x80, v3, vm0, $0xb8;
	[tilespmem:$0x10400] =	vst v63  }
0x22a: {  	v3 =	vld [tilespmem:$0x2F0];
	_ =	sdelay $0x4  }
0x22b: {  	v47 =	vshll.u32 v3, $0x1  }
0x22c: {  	v3 =	vand.u32 $0x7, v3;
	v4 =	vand.u32 $0xFFFFFFF0, v47  }
0x22d: {  	v3 =	vor.u32 v3, v4  }
0x22e: {  	v4 =	vperm.xlane v3, v0;
	_ =	sdelay $0x1  }
0x22f: {  	v3 =	vperm.xlane v3, v2;
	v4 =	vadd.s32 v1, v4;
	_ =	sdelay $0x1  }
0x230: {  	v3 =	vadd.s32 v1, v3;
	_ =	sdelay $0x1  }
0x231: {  	s31 =	simm.s32 $0xF400  }
0x232: {  	[tilespmem:s31], [sflag:$0x2] =	stream.indirect_vreg.gather [hbm4b:s1+s3], $0x80, v4, vm0, $0xb8;
	[tilespmem:$0x10400] =	vst v63  }
0x233: {  	s30 =	simm.s32 $0xFC00  }
0x234: {  	[tilespmem:s30], [sflag:$0x2] =	stream.indirect_vreg.gather [hbm4b:s1+s3], $0x80, v3, vm0, $0xb8;
	[tilespmem:$0x10400] =	vst v63  }
0x235: {  	_ =	swait.ge [sflag:s13], $0x8000  }
0x236: {  	[sflag:s13] =	ssyncset.done $0x0  }
0x237: {  	s30 =	rddreg [dreg:$0x8];
	[sflag:s13] =	ssyncadd.s32 $0xFFFF8000  }
0x238: {  	[hbm4b:s30+s3] =	stream.linear.scatter [tilespmem:s24], [sflag:$0x3], $0x8000, $0x38;
	[tilespmem:$0x10400] =	vst v63  }
0x239: {  	_ =	swait.ge [sflag:s6], $0x8000  }
0x23a: {  	[sflag:s6] =	ssyncset.done $0x0  }
0x23b: {  	[sflag:s6] =	ssyncadd.s32 $0xFFFF8000  }
0x23c: {  	v3 =	vld [tilespmem:$0x300];
	_ =	sdelay $0x4  }
0x23d: {  	v48 =	vshll.u32 v3, $0x1  }
0x23e: {  	v3 =	vand.u32 $0x7, v3;
	v4 =	vand.u32 $0xFFFFFFF0, v48  }
0x23f: {  	v3 =	vor.u32 v3, v4  }
0x240: {  	v4 =	vperm.xlane v3, v0;
	_ =	sdelay $0x1  }
0x241: {  	v3 =	vperm.xlane v3, v2;
	v4 =	vadd.s32 v1, v4;
	_ =	sdelay $0x1  }
0x242: {  	v3 =	vadd.s32 v1, v3;
	_ =	sdelay $0x2  }
0x243: {  	[tilespmem:s24], [sflag:$0x1] =	stream.indirect_vreg.gather [hbm4b:s1+s3], $0x80, v4, vm0, $0xb8;
	[tilespmem:$0x10400] =	vst v63  }
0x244: {  	s30 =	simm.s32 $0xC00  }
0x245: {  	[tilespmem:s30], [sflag:$0x1] =	stream.indirect_vreg.gather [hbm4b:s1+s3], $0x80, v3, vm0, $0xb8;
	[tilespmem:$0x10400] =	vst v63  }
0x246: {  	v3 =	vld [tilespmem:$0x310];
	_ =	sdelay $0x4  }
0x247: {  	v49 =	vshll.u32 v3, $0x1  }
0x248: {  	v3 =	vand.u32 $0x7, v3;
	v4 =	vand.u32 $0xFFFFFFF0, v49  }
0x249: {  	v3 =	vor.u32 v3, v4  }
0x24a: {  	v4 =	vperm.xlane v3, v0;
	_ =	sdelay $0x1  }
0x24b: {  	v3 =	vperm.xlane v3, v2;
	v4 =	vadd.s32 v1, v4;
	_ =	sdelay $0x1  }
0x24c: {  	v3 =	vadd.s32 v1, v3;
	_ =	sdelay $0x1  }
0x24d: {  	s30 =	simm.s32 $0x1400  }
0x24e: {  	[tilespmem:s30], [sflag:$0x1] =	stream.indirect_vreg.gather [hbm4b:s1+s3], $0x80, v4, vm0, $0xb8;
	[tilespmem:$0x10400] =	vst v63  }
0x24f: {  	s20 =	simm.s32 $0x1C00  }
0x250: {  	[tilespmem:s20], [sflag:$0x1] =	stream.indirect_vreg.gather [hbm4b:s1+s3], $0x80, v3, vm0, $0xb8;
	[tilespmem:$0x10400] =	vst v63  }
0x251: {  	v3 =	vld [tilespmem:$0x320];
	_ =	sdelay $0x4  }
0x252: {  	v50 =	vshll.u32 v3, $0x1  }
0x253: {  	v3 =	vand.u32 $0x7, v3;
	v4 =	vand.u32 $0xFFFFFFF0, v50  }
0x254: {  	v3 =	vor.u32 v3, v4  }
0x255: {  	v4 =	vperm.xlane v3, v0;
	_ =	sdelay $0x1  }
0x256: {  	v3 =	vperm.xlane v3, v2;
	v4 =	vadd.s32 v1, v4;
	_ =	sdelay $0x1  }
0x257: {  	v3 =	vadd.s32 v1, v3;
	_ =	sdelay $0x1  }
0x258: {  	s20 =	simm.s32 $0x2400  }
0x259: {  	[tilespmem:s20], [sflag:$0x1] =	stream.indirect_vreg.gather [hbm4b:s1+s3], $0x80, v4, vm0, $0xb8;
	[tilespmem:$0x10400] =	vst v63  }
0x25a: {  	s30 =	simm.s32 $0x2C00  }
0x25b: {  	[tilespmem:s30], [sflag:$0x1] =	stream.indirect_vreg.gather [hbm4b:s1+s3], $0x80, v3, vm0, $0xb8;
	[tilespmem:$0x10400] =	vst v63  }
0x25c: {  	v3 =	vld [tilespmem:$0x330];
	_ =	sdelay $0x4  }
0x25d: {  	v51 =	vshll.u32 v3, $0x1  }
0x25e: {  	v3 =	vand.u32 $0x7, v3;
	v4 =	vand.u32 $0xFFFFFFF0, v51  }
0x25f: {  	v3 =	vor.u32 v3, v4  }
0x260: {  	v4 =	vperm.xlane v3, v0;
	_ =	sdelay $0x1  }
0x261: {  	v3 =	vperm.xlane v3, v2;
	v4 =	vadd.s32 v1, v4;
	_ =	sdelay $0x1  }
0x262: {  	v3 =	vadd.s32 v1, v3;
	_ =	sdelay $0x1  }
0x263: {  	s8 =	simm.s32 $0x3400  }
0x264: {  	[tilespmem:s8], [sflag:$0x1] =	stream.indirect_vreg.gather [hbm4b:s1+s3], $0x80, v4, vm0, $0xb8;
	[tilespmem:$0x10400] =	vst v63  }
0x265: {  	s11 =	simm.s32 $0x3C00  }
0x266: {  	[tilespmem:s11], [sflag:$0x1] =	stream.indirect_vreg.gather [hbm4b:s1+s3], $0x80, v3, vm0, $0xb8;
	[tilespmem:$0x10400] =	vst v63  }
0x267: {  	v3 =	vld [tilespmem:$0x340];
	_ =	sdelay $0x4  }
0x268: {  	v52 =	vshll.u32 v3, $0x1  }
0x269: {  	v3 =	vand.u32 $0x7, v3;
	v4 =	vand.u32 $0xFFFFFFF0, v52  }
0x26a: {  	v3 =	vor.u32 v3, v4  }
0x26b: {  	v4 =	vperm.xlane v3, v0;
	_ =	sdelay $0x1  }
0x26c: {  	v3 =	vperm.xlane v3, v2;
	v4 =	vadd.s32 v1, v4;
	_ =	sdelay $0x1  }
0x26d: {  	v3 =	vadd.s32 v1, v3;
	_ =	sdelay $0x1  }
0x26e: {  	s9 =	simm.s32 $0x4400  }
0x26f: {  	[tilespmem:s9], [sflag:$0x1] =	stream.indirect_vreg.gather [hbm4b:s1+s3], $0x80, v4, vm0, $0xb8;
	[tilespmem:$0x10400] =	vst v63  }
0x270: {  	s12 =	simm.s32 $0x4C00  }
0x271: {  	[tilespmem:s12], [sflag:$0x1] =	stream.indirect_vreg.gather [hbm4b:s1+s3], $0x80, v3, vm0, $0xb8;
	[tilespmem:$0x10400] =	vst v63  }
0x272: {  	v3 =	vld [tilespmem:$0x350];
	_ =	sdelay $0x4  }
0x273: {  	v53 =	vshll.u32 v3, $0x1  }
0x274: {  	v3 =	vand.u32 $0x7, v3;
	v4 =	vand.u32 $0xFFFFFFF0, v53  }
0x275: {  	v3 =	vor.u32 v3, v4  }
0x276: {  	v4 =	vperm.xlane v3, v0;
	_ =	sdelay $0x1  }
0x277: {  	v3 =	vperm.xlane v3, v2;
	v4 =	vadd.s32 v1, v4;
	_ =	sdelay $0x1  }
0x278: {  	v3 =	vadd.s32 v1, v3;
	_ =	sdelay $0x1  }
0x279: {  	s12 =	simm.s32 $0x5400  }
0x27a: {  	[tilespmem:s12], [sflag:$0x1] =	stream.indirect_vreg.gather [hbm4b:s1+s3], $0x80, v4, vm0, $0xb8;
	[tilespmem:$0x10400] =	vst v63  }
0x27b: {  	s15 =	simm.s32 $0x5C00  }
0x27c: {  	[tilespmem:s15], [sflag:$0x1] =	stream.indirect_vreg.gather [hbm4b:s1+s3], $0x80, v3, vm0, $0xb8;
	[tilespmem:$0x10400] =	vst v63  }
0x27d: {  	v3 =	vld [tilespmem:$0x360];
	_ =	sdelay $0x4  }
0x27e: {  	v54 =	vshll.u32 v3, $0x1  }
0x27f: {  	v3 =	vand.u32 $0x7, v3;
	v4 =	vand.u32 $0xFFFFFFF0, v54  }
0x280: {  	v3 =	vor.u32 v3, v4  }
0x281: {  	v4 =	vperm.xlane v3, v0;
	_ =	sdelay $0x1  }
0x282: {  	v3 =	vperm.xlane v3, v2;
	v4 =	vadd.s32 v1, v4;
	_ =	sdelay $0x1  }
0x283: {  	v3 =	vadd.s32 v1, v3;
	_ =	sdelay $0x1  }
0x284: {  	s16 =	simm.s32 $0x6400  }
0x285: {  	[tilespmem:s16], [sflag:$0x1] =	stream.indirect_vreg.gather [hbm4b:s1+s3], $0x80, v4, vm0, $0xb8;
	[tilespmem:$0x10400] =	vst v63  }
0x286: {  	s17 =	simm.s32 $0x6C00  }
0x287: {  	[tilespmem:s17], [sflag:$0x1] =	stream.indirect_vreg.gather [hbm4b:s1+s3], $0x80, v3, vm0, $0xb8;
	[tilespmem:$0x10400] =	vst v63  }
0x288: {  	v3 =	vld [tilespmem:$0x370];
	_ =	sdelay $0x4  }
0x289: {  	v55 =	vshll.u32 v3, $0x1  }
0x28a: {  	v3 =	vand.u32 $0x7, v3;
	v4 =	vand.u32 $0xFFFFFFF0, v55  }
0x28b: {  	v3 =	vor.u32 v3, v4  }
0x28c: {  	v4 =	vperm.xlane v3, v0;
	_ =	sdelay $0x1  }
0x28d: {  	v3 =	vperm.xlane v3, v2;
	v4 =	vadd.s32 v1, v4;
	_ =	sdelay $0x1  }
0x28e: {  	v3 =	vadd.s32 v1, v3;
	_ =	sdelay $0x1  }
0x28f: {  	s18 =	simm.s32 $0x7400  }
0x290: {  	[tilespmem:s18], [sflag:$0x1] =	stream.indirect_vreg.gather [hbm4b:s1+s3], $0x80, v4, vm0, $0xb8;
	[tilespmem:$0x10400] =	vst v63  }
0x291: {  	s10 =	simm.s32 $0x7C00  }
0x292: {  	[tilespmem:s10], [sflag:$0x1] =	stream.indirect_vreg.gather [hbm4b:s1+s3], $0x80, v3, vm0, $0xb8;
	[tilespmem:$0x10400] =	vst v63  }
0x293: {  	_ =	swait.ge [sflag:s14], $0x8000  }
0x294: {  	[sflag:s14] =	ssyncset.done $0x0  }
0x295: {  	s18 =	rddreg [dreg:$0x9];
	[sflag:s14] =	ssyncadd.s32 $0xFFFF8000  }
0x296: {  	[hbm4b:s18+s3] =	stream.linear.scatter [tilespmem:s23], [sflag:$0x3], $0x8000, $0x38;
	[tilespmem:$0x10400] =	vst v63  }
0x297: {  	_ =	swait.ge [sflag:s6], $0x8000  }
0x298: {  	[sflag:s6] =	ssyncset.done $0x0  }
0x299: {  	[sflag:s6] =	ssyncadd.s32 $0xFFFF8000  }
0x29a: {  	v3 =	vld [tilespmem:$0x380];
	_ =	sdelay $0x4  }
0x29b: {  	v56 =	vshll.u32 v3, $0x1  }
0x29c: {  	v3 =	vand.u32 $0x7, v3;
	v4 =	vand.u32 $0xFFFFFFF0, v56  }
0x29d: {  	v3 =	vor.u32 v3, v4  }
0x29e: {  	v4 =	vperm.xlane v3, v0;
	_ =	sdelay $0x1  }
0x29f: {  	v3 =	vperm.xlane v3, v2;
	v4 =	vadd.s32 v1, v4;
	_ =	sdelay $0x1  }
0x2a0: {  	v3 =	vadd.s32 v1, v3;
	_ =	sdelay $0x2  }
0x2a1: {  	[tilespmem:s23], [sflag:$0x2] =	stream.indirect_vreg.gather [hbm4b:s1+s3], $0x80, v4, vm0, $0xb8;
	[tilespmem:$0x10400] =	vst v63  }
0x2a2: {  	s20 =	simm.s32 $0x8C00  }
0x2a3: {  	[tilespmem:s20], [sflag:$0x2] =	stream.indirect_vreg.gather [hbm4b:s1+s3], $0x80, v3, vm0, $0xb8;
	[tilespmem:$0x10400] =	vst v63  }
0x2a4: {  	v3 =	vld [tilespmem:$0x390];
	_ =	sdelay $0x4  }
0x2a5: {  	v57 =	vshll.u32 v3, $0x1  }
0x2a6: {  	v3 =	vand.u32 $0x7, v3;
	v4 =	vand.u32 $0xFFFFFFF0, v57  }
0x2a7: {  	v3 =	vor.u32 v3, v4  }
0x2a8: {  	v4 =	vperm.xlane v3, v0;
	_ =	sdelay $0x1  }
0x2a9: {  	v3 =	vperm.xlane v3, v2;
	v4 =	vadd.s32 v1, v4;
	_ =	sdelay $0x1  }
0x2aa: {  	v3 =	vadd.s32 v1, v3;
	_ =	sdelay $0x1  }
0x2ab: {  	s0 =	simm.s32 $0x9400  }
0x2ac: {  	[tilespmem:s0], [sflag:$0x2] =	stream.indirect_vreg.gather [hbm4b:s1+s3], $0x80, v4, vm0, $0xb8;
	[tilespmem:$0x10400] =	vst v63  }
0x2ad: {  	s4 =	simm.s32 $0x9C00  }
0x2ae: {  	[tilespmem:s4], [sflag:$0x2] =	stream.indirect_vreg.gather [hbm4b:s1+s3], $0x80, v3, vm0, $0xb8;
	[tilespmem:$0x10400] =	vst v63  }
0x2af: {  	v3 =	vld [tilespmem:$0x3A0];
	_ =	sdelay $0x4  }
0x2b0: {  	v58 =	vshll.u32 v3, $0x1  }
0x2b1: {  	v3 =	vand.u32 $0x7, v3;
	v4 =	vand.u32 $0xFFFFFFF0, v58  }
0x2b2: {  	v3 =	vor.u32 v3, v4  }
0x2b3: {  	v4 =	vperm.xlane v3, v0;
	_ =	sdelay $0x1  }
0x2b4: {  	v3 =	vperm.xlane v3, v2;
	v4 =	vadd.s32 v1, v4;
	_ =	sdelay $0x1  }
0x2b5: {  	v3 =	vadd.s32 v1, v3;
	_ =	sdelay $0x1  }
0x2b6: {  	s2 =	simm.s32 $0xA400  }
0x2b7: {  	[tilespmem:s2], [sflag:$0x2] =	stream.indirect_vreg.gather [hbm4b:s1+s3], $0x80, v4, vm0, $0xb8;
	[tilespmem:$0x10400] =	vst v63  }
0x2b8: {  	s7 =	simm.s32 $0xAC00  }
0x2b9: {  	[tilespmem:s7], [sflag:$0x2] =	stream.indirect_vreg.gather [hbm4b:s1+s3], $0x80, v3, vm0, $0xb8;
	[tilespmem:$0x10400] =	vst v63  }
0x2ba: {  	v3 =	vld [tilespmem:$0x3B0];
	_ =	sdelay $0x4  }
0x2bb: {  	v59 =	vshll.u32 v3, $0x1  }
0x2bc: {  	v3 =	vand.u32 $0x7, v3;
	v4 =	vand.u32 $0xFFFFFFF0, v59  }
0x2bd: {  	v3 =	vor.u32 v3, v4  }
0x2be: {  	v4 =	vperm.xlane v3, v0;
	_ =	sdelay $0x1  }
0x2bf: {  	v3 =	vperm.xlane v3, v2;
	v4 =	vadd.s32 v1, v4;
	_ =	sdelay $0x1  }
0x2c0: {  	v3 =	vadd.s32 v1, v3;
	_ =	sdelay $0x1  }
0x2c1: {  	s26 =	simm.s32 $0xB400  }
0x2c2: {  	[tilespmem:s26], [sflag:$0x2] =	stream.indirect_vreg.gather [hbm4b:s1+s3], $0x80, v4, vm0, $0xb8;
	[tilespmem:$0x10400] =	vst v63  }
0x2c3: {  	s26 =	simm.s32 $0xBC00  }
0x2c4: {  	[tilespmem:s26], [sflag:$0x2] =	stream.indirect_vreg.gather [hbm4b:s1+s3], $0x80, v3, vm0, $0xb8;
	[tilespmem:$0x10400] =	vst v63  }
0x2c5: {  	v3 =	vld [tilespmem:$0x3C0];
	_ =	sdelay $0x4  }
0x2c6: {  	v60 =	vshll.u32 v3, $0x1  }
0x2c7: {  	v3 =	vand.u32 $0x7, v3;
	v4 =	vand.u32 $0xFFFFFFF0, v60  }
0x2c8: {  	v3 =	vor.u32 v3, v4  }
0x2c9: {  	v4 =	vperm.xlane v3, v0;
	_ =	sdelay $0x1  }
0x2ca: {  	v3 =	vperm.xlane v3, v2;
	v4 =	vadd.s32 v1, v4;
	_ =	sdelay $0x1  }
0x2cb: {  	v3 =	vadd.s32 v1, v3;
	_ =	sdelay $0x1  }
0x2cc: {  	s28 =	simm.s32 $0xC400  }
0x2cd: {  	[tilespmem:s28], [sflag:$0x2] =	stream.indirect_vreg.gather [hbm4b:s1+s3], $0x80, v4, vm0, $0xb8;
	[tilespmem:$0x10400] =	vst v63  }
0x2ce: {  	s21 =	simm.s32 $0xCC00  }
0x2cf: {  	[tilespmem:s21], [sflag:$0x2] =	stream.indirect_vreg.gather [hbm4b:s1+s3], $0x80, v3, vm0, $0xb8;
	[tilespmem:$0x10400] =	vst v63  }
0x2d0: {  	v3 =	vld [tilespmem:$0x3D0];
	_ =	sdelay $0x4  }
0x2d1: {  	v61 =	vshll.u32 v3, $0x1  }
0x2d2: {  	v3 =	vand.u32 $0x7, v3;
	v4 =	vand.u32 $0xFFFFFFF0, v61  }
0x2d3: {  	v3 =	vor.u32 v3, v4  }
0x2d4: {  	v4 =	vperm.xlane v3, v0;
	_ =	sdelay $0x1  }
0x2d5: {  	v3 =	vperm.xlane v3, v2;
	v4 =	vadd.s32 v1, v4;
	_ =	sdelay $0x1  }
0x2d6: {  	v3 =	vadd.s32 v1, v3;
	_ =	sdelay $0x1  }
0x2d7: {  	s29 =	simm.s32 $0xD400  }
0x2d8: {  	[tilespmem:s29], [sflag:$0x2] =	stream.indirect_vreg.gather [hbm4b:s1+s3], $0x80, v4, vm0, $0xb8;
	[tilespmem:$0x10400] =	vst v63  }
0x2d9: {  	s25 =	simm.s32 $0xDC00  }
0x2da: {  	[tilespmem:s25], [sflag:$0x2] =	stream.indirect_vreg.gather [hbm4b:s1+s3], $0x80, v3, vm0, $0xb8;
	[tilespmem:$0x10400] =	vst v63  }
0x2db: {  	v3 =	vld [tilespmem:$0x3E0];
	_ =	sdelay $0x4  }
0x2dc: {  	v62 =	vshll.u32 v3, $0x1  }
0x2dd: {  	v3 =	vand.u32 $0x7, v3;
	v4 =	vand.u32 $0xFFFFFFF0, v62  }
0x2de: {  	v3 =	vor.u32 v3, v4  }
0x2df: {  	v4 =	vperm.xlane v3, v0;
	_ =	sdelay $0x1  }
0x2e0: {  	v3 =	vperm.xlane v3, v2;
	v4 =	vadd.s32 v1, v4;
	_ =	sdelay $0x1  }
0x2e1: {  	v3 =	vadd.s32 v1, v3;
	_ =	sdelay $0x1  }
0x2e2: {  	s19 =	simm.s32 $0xE400  }
0x2e3: {  	[tilespmem:s19], [sflag:$0x2] =	stream.indirect_vreg.gather [hbm4b:s1+s3], $0x80, v4, vm0, $0xb8;
	[tilespmem:$0x10400] =	vst v63  }
0x2e4: {  	s22 =	simm.s32 $0xEC00  }
0x2e5: {  	[tilespmem:s22], [sflag:$0x2] =	stream.indirect_vreg.gather [hbm4b:s1+s3], $0x80, v3, vm0, $0xb8;
	[tilespmem:$0x10400] =	vst v63  }
0x2e6: {  	v3 =	vld [tilespmem:$0x3F0];
	_ =	sdelay $0x4  }
0x2e7: {  	v63 =	vshll.u32 v3, $0x1  }
0x2e8: {  	v3 =	vand.u32 $0x7, v3;
	v4 =	vand.u32 $0xFFFFFFF0, v63  }
0x2e9: {  	v3 =	vor.u32 v3, v4  }
0x2ea: {  	v4 =	vperm.xlane v3, v0;
	_ =	sdelay $0x1  }
0x2eb: {  	v3 =	vperm.xlane v3, v2;
	v4 =	vadd.s32 v1, v4;
	_ =	sdelay $0x1  }
0x2ec: {  	v3 =	vadd.s32 v1, v3;
	_ =	sdelay $0x1  }
0x2ed: {  	s29 =	simm.s32 $0xF400  }
0x2ee: {  	[tilespmem:s29], [sflag:$0x2] =	stream.indirect_vreg.gather [hbm4b:s1+s3], $0x80, v4, vm0, $0xb8;
	[tilespmem:$0x10400] =	vst v63  }
0x2ef: {  	s31 =	simm.s32 $0xFC00  }
0x2f0: {  	[tilespmem:s31], [sflag:$0x2] =	stream.indirect_vreg.gather [hbm4b:s1+s3], $0x80, v3, vm0, $0xb8;
	[tilespmem:$0x10400] =	vst v63  }
0x2f1: {  	_ =	swait.ge [sflag:s13], $0x8000  }
0x2f2: {  	[sflag:s13] =	ssyncset.done $0x0  }
0x2f3: {  	s30 =	rddreg [dreg:$0xa];
	[sflag:s13] =	ssyncadd.s32 $0xFFFF8000  }
0x2f4: {  	[hbm4b:s30+s3] =	stream.linear.scatter [tilespmem:s24], [sflag:$0x3], $0x8000, $0x38;
	[tilespmem:$0x10400] =	vst v63  }
0x2f5: {  	_ =	swait.ge [sflag:s6], $0x8000  }
0x2f6: {  	[sflag:s6] =	ssyncset.done $0x0  }
0x2f7: {  	[sflag:s6] =	ssyncadd.s32 $0xFFFF8000  }
0x2f8: {  	_ =	swait.ge [sflag:s14], $0x8000  }
0x2f9: {  	p0 =	sne.s32 s5, $0x1;
	[sflag:s14] =	ssyncset.done $0x0  }
.Ltmp0:
0x2fa: {  	s31 =	rddreg [dreg:$0xb];
	[sflag:s14] =	ssyncadd.s32 $0xFFFF8000;
	(pc) =	sbr.rel @p0 .LBB2_1-.Ltmp0, $4  }
0x2fb: {  	[hbm4b:s31+s3] =	stream.linear.scatter [tilespmem:s23], [sflag:$0x3], $0x8000, $0x38;
	[tilespmem:$0x10400] =	vst v63  }
0x2fc: {  	_ =	swait.ge [sflag:s6], $0x8000  }
0x2fd: {  	[sflag:s6] =	ssyncset.done $0x0  }
0x2fe: {  	s5 =	sadd.s32 $0xFFFFFFFF, s5;
	[sflag:s6] =	ssyncadd.s32 $0xFFFF8000  }
0x2ff: {  	_ =	sfence.sel $0x180000  }
0x300: {  	[bflag:$0x0] =	sbarrier.arrive $0xFFFF  }
0x301: {  	_ =	strace $0x90000047  }
0x302: {  	s0 =	stileid.u32;
	[bflag:$0x2] =	sbarrier.arrive $0xFFFF  }
0x303: {  	p0 =	sne.s32 s0, $0x0;
	s0 =	rddreg [dreg:$0x3]  }
0x304: {  	s0 =	sadd.s32 @!p0 $0x100000, s0  }
0x305: {  	[sflag:s0] =	ssyncadd.tile.s32 @!p0 $0x1;
	_ =	shalt  }
.Lfunc_end2:
_tile_overlayer_lowered:
.L_overlay_start_2:
0x306: {  	(tag) =	ssettag $0x2  }
0x307: {  	s0 =	rddreg [dreg:$0x0];
	s2 =	stileid.u32  }
0x308: {  	s1 =	rddreg [dreg:$0x1];
	p0 =	sne.s32 s2, $0x0  }
0x309: {  	s3 =	rddreg [dreg:$0x2];
	[bflag:$0x3] =	sbarrier.arrive $0xFFFF;
	s2 =	simm.s32 @!p0 $0x1C03  }
0x30a: {  	[timem:s3], [sflag:s2] =	dma.local @!p0 [hbm:s0], s1  }
0x30b: {  	s0 =	simm.s32 @!p0 $0x3  }
0x30c: {  	_ =	swait.ge @!p0 [sflag:s0], s1  }
0x30d: {  	s1 =	ssub.s32 @!p0 $0x0, s1;
	[sflag:s0] =	ssyncset.done @!p0 $0x0  }
0x30e: {  	[sflag:s0] =	ssyncadd.s32 @!p0 s1  }
0x30f: {  	[bflag:$0x3] =	sbarrier.arrive $0xFFFF  }
0x310: {  	_ =	shalt  }

</sc_bundles>
